<compile_context>
chip_gen: v7x
topology: tpu7x:2x2x1
jax: 0.10.2.dev20260603
libtpu: 0.0.44.dev20260713+nightly
codegen_flags: <defaults>
</compile_context>

<pallas_src>
import jax
import jax.numpy as jnp
from jax import lax
from jax.experimental import pallas as pl
from jax.experimental.pallas import tpu as pltpu
from jax.experimental.pallas import tpu_sc as plsc

B = 16384
D = 128
LANES = 16
NUM_WORKERS = 32
ROWS_PER_WORKER = B // NUM_WORKERS
CHUNK = 128
NCHUNKS = ROWS_PER_WORKER // CHUNK
NBUF = 3


def _body(z_hbm, y_hbm, w_hbm, out_hbm, idx_all, rows, zb, sem_g, sem_z, sem_o):
    wid = lax.axis_index("s") * 2 + lax.axis_index("c")
    base = wid * ROWS_PER_WORKER
    pltpu.sync_copy(y_hbm.at[wid], idx_all)

    def start_gather(ck):
        p = ck % NBUF
        return pltpu.async_copy(w_hbm.at[idx_all.at[ck]], rows.at[p], sem_g.at[p])

    def start_z(ck):
        p = ck % NBUF
        return pltpu.async_copy(
            z_hbm.at[pl.ds(base + ck * CHUNK, CHUNK)], zb.at[p], sem_z.at[p]
        )

    gcps = {ck: start_gather(ck) for ck in range(NBUF)}
    zcps = {ck: start_z(ck) for ck in range(NBUF)}
    out_cps = {}
    waited = set()
    for ck in range(NCHUNKS):
        p = ck % NBUF
        if ck + NBUF - 1 < NCHUNKS and ck - 1 >= 0:
            for cp in out_cps[ck - 1]:
                cp.wait()
            waited.add(ck - 1)
            zcps[ck + NBUF - 1] = start_z(ck + NBUF - 1)
        gcps[ck].wait()
        zcps[ck].wait()

        half = CHUNK // 2
        outs = []
        for h in range(2):

            @plsc.parallel_loop(h * half, (h + 1) * half, unroll=2)
            def add_row(r):
                for c in range(D // LANES):
                    s = pl.ds(c * LANES, LANES)
                    plsc.addupdate(zb.at[p, r, s], rows[p, r, s])

            outs.append(
                pltpu.async_copy(
                    zb.at[p].at[pl.ds(h * half, half)],
                    out_hbm.at[pl.ds(base + ck * CHUNK + h * half, half)],
                    sem_o.at[p],
                )
            )
        out_cps[ck] = outs
        nxt = ck + NBUF
        if nxt < NCHUNKS:
            gcps[nxt] = start_gather(nxt)
    for ck in range(NCHUNKS):
        if ck not in waited:
            for cp in out_cps[ck]:
                cp.wait()


@jax.jit
def _run(z, y, embedding_weight):
    mesh = plsc.VectorSubcoreMesh(core_axis_name="c", subcore_axis_name="s")
    return pl.kernel(
        _body,
        out_type=jax.ShapeDtypeStruct((B, D), jnp.float32),
        mesh=mesh,
        scratch_types=[
            pltpu.VMEM((NCHUNKS, CHUNK), jnp.int32),
            pltpu.VMEM((NBUF, CHUNK, D), jnp.float32),
            pltpu.VMEM((NBUF, CHUNK, D), jnp.float32),
            pltpu.SemaphoreType.DMA((NBUF,)),
            pltpu.SemaphoreType.DMA((NBUF,)),
            pltpu.SemaphoreType.DMA((NBUF,)),
        ],
    )(z, y.reshape(NUM_WORKERS, NCHUNKS, CHUNK), embedding_weight)


def kernel(z, y, embedding_weight):
    return _run(z, y.astype(jnp.int32), embedding_weight)

# --- scband reference (transcript-rebuilt; emitter-appended) ---
"""Pipeline reference for scband-latent-embedding-add-72765335929716 (READ-ONLY COPY).

The authoritative reference and input builder live on the scoring server;
editing this copy changes nothing except your own understanding.
"""

import jax, jax.numpy as jnp
import numpy as np


def setup_inputs(seed: int = 0) -> dict:
    key = jax.random.key(seed)
    k_z, k_y, k_w = jax.random.split(key, 3)
    z = jax.random.normal(k_z, (16384, 128), dtype=jnp.float32)
    y = jax.random.randint(k_y, (16384,), 0, 100000, dtype=jnp.int64)
    # embedding table sized per init_kwargs (nlabels=100000, embed_dim=128)
    embedding_weight = jax.random.normal(k_w, (100000, 128), dtype=jnp.float32)
    return {"z": z, "y": y, "embedding_weight": embedding_weight}


def reference(z, y, embedding_weight):
    # yembed = self.embedding(y)
    yembed = jnp.take(embedding_weight, y, axis=0)
    # yz = z + yembed
    yz = z + yembed
    return yz

if __name__ == "__main__":
    import jax
    _d = setup_inputs()
    print(jax.jit(kernel)(*tuple(_d.values())))

</pallas_src>

<mosaic_0001>
#map = affine_map<(d0, d1) -> (0, 0)>
#map1 = affine_map<(d0, d1) -> (0, 0, 0)>
module attributes {stable_mosaic.version = 14 : i64} {
  func.func @_body(%arg0: i32, %arg1: i32, %arg2: memref<16384x128xf32, #tpu.memory_space<hbm>>, %arg3: memref<32x4x128xi32, #tpu.memory_space<hbm>>, %arg4: memref<100000x128xf32, #tpu.memory_space<hbm>>, %arg5: memref<16384x128xf32, #tpu.memory_space<hbm>>, %arg6: memref<4x128xi32, #tpu.memory_space<vmem>>, %arg7: memref<3x128x128xf32, #tpu.memory_space<vmem>>, %arg8: memref<3x128x128xf32, #tpu.memory_space<vmem>>, %arg9: memref<3x!tpu.dma_semaphore, #tpu.memory_space<semaphore_mem>>, %arg10: memref<3x!tpu.dma_semaphore, #tpu.memory_space<semaphore_mem>>, %arg11: memref<3x!tpu.dma_semaphore, #tpu.memory_space<semaphore_mem>>) attributes {dimension_semantics = [#tpu.dimension_semantics<core_parallel>, #tpu.dimension_semantics<subcore_parallel>], iteration_bounds = array<i64: 2, 16>, scalar_prefetch = 0 : i64, scratch_operands = 6 : i64, tpu.core_type = #tpu.core_type<sc_vector_subcore>, window_params = [{transform_indices = #map}, {transform_indices = #map1}, {transform_indices = #map}, {transform_indices = #map}]} {
    %mul3A = arith.constant 2 : i32
    %mul3A_0 = arith.muli %arg1, %mul3A : i32
    %add3A = arith.addi %mul3A_0, %arg0 : i32
    %mul3A_1 = arith.constant 512 : i32
    %mul3A_2 = arith.muli %add3A, %mul3A_1 : i32
    "tpu.region"() ({
      %run_scoped3A = tpu.sem_alloc : memref<!tpu.dma_semaphore, #tpu.memory_space<semaphore_mem>>
      %dma_start3A_664 = arith.constant 0 : i32
      %dma_start3A_665 = arith.constant 0 : i32
      %dma_start3A_666 = tpu.memref_slice %arg3[%add3A, %dma_start3A_664, %dma_start3A_665] : memref<32x4x128xi32, #tpu.memory_space<hbm>> -> memref<1x4x128xi32, #tpu.memory_space<hbm>>
      %dma_start3A_667 = tpu.memref_squeeze %dma_start3A_666 : memref<1x4x128xi32, #tpu.memory_space<hbm>> -> memref<4x128xi32, #tpu.memory_space<hbm>>
      %dma_start3A_668 = arith.constant 0 : i32
      %dma_start3A_669 = arith.constant 0 : i32
      %dma_start3A_670 = tpu.memref_slice %arg3[%add3A, %dma_start3A_668, %dma_start3A_669] : memref<32x4x128xi32, #tpu.memory_space<hbm>> -> memref<1x4x128xi32, #tpu.memory_space<hbm>>
      %dma_start3A_671 = tpu.memref_squeeze %dma_start3A_670 : memref<1x4x128xi32, #tpu.memory_space<hbm>> -> memref<4x128xi32, #tpu.memory_space<hbm>>
      tpu.enqueue_dma source(%dma_start3A_671 : memref<4x128xi32, #tpu.memory_space<hbm>>) target(%arg6 : memref<4x128xi32, #tpu.memory_space<vmem>>) target_semaphore(%run_scoped3A : memref<!tpu.dma_semaphore, #tpu.memory_space<semaphore_mem>>)
      %dma_wait3A_672 = arith.constant 0 : i32
      %dma_wait3A_673 = arith.constant 0 : i32
      %dma_wait3A_674 = tpu.memref_slice %arg3[%add3A, %dma_wait3A_672, %dma_wait3A_673] : memref<32x4x128xi32, #tpu.memory_space<hbm>> -> memref<1x4x128xi32, #tpu.memory_space<hbm>>
      %dma_wait3A_675 = tpu.memref_squeeze %dma_wait3A_674 : memref<1x4x128xi32, #tpu.memory_space<hbm>> -> memref<4x128xi32, #tpu.memory_space<hbm>>
      %dma_wait3A_676 = arith.constant 0 : i32
      %dma_wait3A_677 = arith.constant 0 : i32
      %dma_wait3A_678 = tpu.memref_slice %arg3[%add3A, %dma_wait3A_676, %dma_wait3A_677] : memref<32x4x128xi32, #tpu.memory_space<hbm>> -> memref<1x4x128xi32, #tpu.memory_space<hbm>>
      %dma_wait3A_679 = tpu.memref_squeeze %dma_wait3A_678 : memref<1x4x128xi32, #tpu.memory_space<hbm>> -> memref<4x128xi32, #tpu.memory_space<hbm>>
      tpu.wait_dma2 semaphore(%run_scoped3A : memref<!tpu.dma_semaphore, #tpu.memory_space<semaphore_mem>>) src(%dma_wait3A_679 : memref<4x128xi32, #tpu.memory_space<hbm>>) dst(%arg6 : memref<4x128xi32, #tpu.memory_space<vmem>>)
      tpu.yield
    }) : () -> ()
    %dma_start3A = arith.constant 0 : i32
    %dma_start3A_3 = arith.constant 0 : i32
    %dma_start3A_4 = arith.constant 0 : i32
    %dma_start3A_5 = arith.constant 0 : i32
    %dma_start3A_6 = arith.constant 0 : i32
    %dma_start3A_7 = tpu.memref_slice %arg7[%dma_start3A_3, %dma_start3A_5, %dma_start3A_6] : memref<3x128x128xf32, #tpu.memory_space<vmem>> -> memref<1x128x128xf32, #tpu.memory_space<vmem>>
    %dma_start3A_8 = tpu.memref_squeeze %dma_start3A_7 : memref<1x128x128xf32, #tpu.memory_space<vmem>> -> memref<128x128xf32, #tpu.memory_space<vmem>>
    %dma_start3A_9 = arith.constant 0 : i32
    %dma_start3A_10 = tpu.memref_slice %arg6[%dma_start3A, %dma_start3A_9] : memref<4x128xi32, #tpu.memory_space<vmem>> -> memref<1x128xi32, #tpu.memory_space<vmem>>
    %dma_start3A_11 = tpu.memref_squeeze %dma_start3A_10 : memref<1x128xi32, #tpu.memory_space<vmem>> -> memref<128xi32, #tpu.memory_space<vmem>>
    %dma_start3A_12 = arith.constant 0 : i32
    %dma_start3A_13 = arith.constant 0 : i32
    %dma_start3A_14 = tpu.memref_slice %arg4[%dma_start3A_12, %dma_start3A_13] : memref<100000x128xf32, #tpu.memory_space<hbm>> -> memref<100000x128xf32, #tpu.memory_space<hbm>>
    %dma_start3A_15 = tpu.memref_slice %arg9[%dma_start3A_4] : memref<3x!tpu.dma_semaphore, #tpu.memory_space<semaphore_mem>> -> memref<1x!tpu.dma_semaphore, #tpu.memory_space<semaphore_mem>>
    %dma_start3A_16 = tpu.memref_squeeze %dma_start3A_15 : memref<1x!tpu.dma_semaphore, #tpu.memory_space<semaphore_mem>> -> memref<!tpu.dma_semaphore, #tpu.memory_space<semaphore_mem>>
    tpu.enqueue_indirect_dma source(%dma_start3A_14 : memref<100000x128xf32, #tpu.memory_space<hbm>>) target(%dma_start3A_8 : memref<128x128xf32, #tpu.memory_space<vmem>>) offsets(%dma_start3A_11 : memref<128xi32, #tpu.memory_space<vmem>>) semaphore(%dma_start3A_16 : memref<!tpu.dma_semaphore, #tpu.memory_space<semaphore_mem>>)
    %dma_start3A_17 = arith.constant 1 : i32
    %dma_start3A_18 = arith.constant 1 : i32
    %dma_start3A_19 = arith.constant 1 : i32
    %dma_start3A_20 = arith.constant 0 : i32
    %dma_start3A_21 = arith.constant 0 : i32
    %dma_start3A_22 = tpu.memref_slice %arg7[%dma_start3A_18, %dma_start3A_20, %dma_start3A_21] : memref<3x128x128xf32, #tpu.memory_space<vmem>> -> memref<1x128x128xf32, #tpu.memory_space<vmem>>
    %dma_start3A_23 = tpu.memref_squeeze %dma_start3A_22 : memref<1x128x128xf32, #tpu.memory_space<vmem>> -> memref<128x128xf32, #tpu.memory_space<vmem>>
    %dma_start3A_24 = arith.constant 0 : i32
    %dma_start3A_25 = tpu.memref_slice %arg6[%dma_start3A_17, %dma_start3A_24] : memref<4x128xi32, #tpu.memory_space<vmem>> -> memref<1x128xi32, #tpu.memory_space<vmem>>
    %dma_start3A_26 = tpu.memref_squeeze %dma_start3A_25 : memref<1x128xi32, #tpu.memory_space<vmem>> -> memref<128xi32, #tpu.memory_space<vmem>>
    %dma_start3A_27 = arith.constant 0 : i32
    %dma_start3A_28 = arith.constant 0 : i32
    %dma_start3A_29 = tpu.memref_slice %arg4[%dma_start3A_27, %dma_start3A_28] : memref<100000x128xf32, #tpu.memory_space<hbm>> -> memref<100000x128xf32, #tpu.memory_space<hbm>>
    %dma_start3A_30 = tpu.memref_slice %arg9[%dma_start3A_19] : memref<3x!tpu.dma_semaphore, #tpu.memory_space<semaphore_mem>> -> memref<1x!tpu.dma_semaphore, #tpu.memory_space<semaphore_mem>>
    %dma_start3A_31 = tpu.memref_squeeze %dma_start3A_30 : memref<1x!tpu.dma_semaphore, #tpu.memory_space<semaphore_mem>> -> memref<!tpu.dma_semaphore, #tpu.memory_space<semaphore_mem>>
    tpu.enqueue_indirect_dma source(%dma_start3A_29 : memref<100000x128xf32, #tpu.memory_space<hbm>>) target(%dma_start3A_23 : memref<128x128xf32, #tpu.memory_space<vmem>>) offsets(%dma_start3A_26 : memref<128xi32, #tpu.memory_space<vmem>>) semaphore(%dma_start3A_31 : memref<!tpu.dma_semaphore, #tpu.memory_space<semaphore_mem>>)
    %dma_start3A_32 = arith.constant 2 : i32
    %dma_start3A_33 = arith.constant 2 : i32
    %dma_start3A_34 = arith.constant 2 : i32
    %dma_start3A_35 = arith.constant 0 : i32
    %dma_start3A_36 = arith.constant 0 : i32
    %dma_start3A_37 = tpu.memref_slice %arg7[%dma_start3A_33, %dma_start3A_35, %dma_start3A_36] : memref<3x128x128xf32, #tpu.memory_space<vmem>> -> memref<1x128x128xf32, #tpu.memory_space<vmem>>
    %dma_start3A_38 = tpu.memref_squeeze %dma_start3A_37 : memref<1x128x128xf32, #tpu.memory_space<vmem>> -> memref<128x128xf32, #tpu.memory_space<vmem>>
    %dma_start3A_39 = arith.constant 0 : i32
    %dma_start3A_40 = tpu.memref_slice %arg6[%dma_start3A_32, %dma_start3A_39] : memref<4x128xi32, #tpu.memory_space<vmem>> -> memref<1x128xi32, #tpu.memory_space<vmem>>
    %dma_start3A_41 = tpu.memref_squeeze %dma_start3A_40 : memref<1x128xi32, #tpu.memory_space<vmem>> -> memref<128xi32, #tpu.memory_space<vmem>>
    %dma_start3A_42 = arith.constant 0 : i32
    %dma_start3A_43 = arith.constant 0 : i32
    %dma_start3A_44 = tpu.memref_slice %arg4[%dma_start3A_42, %dma_start3A_43] : memref<100000x128xf32, #tpu.memory_space<hbm>> -> memref<100000x128xf32, #tpu.memory_space<hbm>>
    %dma_start3A_45 = tpu.memref_slice %arg9[%dma_start3A_34] : memref<3x!tpu.dma_semaphore, #tpu.memory_space<semaphore_mem>> -> memref<1x!tpu.dma_semaphore, #tpu.memory_space<semaphore_mem>>
    %dma_start3A_46 = tpu.memref_squeeze %dma_start3A_45 : memref<1x!tpu.dma_semaphore, #tpu.memory_space<semaphore_mem>> -> memref<!tpu.dma_semaphore, #tpu.memory_space<semaphore_mem>>
    tpu.enqueue_indirect_dma source(%dma_start3A_44 : memref<100000x128xf32, #tpu.memory_space<hbm>>) target(%dma_start3A_38 : memref<128x128xf32, #tpu.memory_space<vmem>>) offsets(%dma_start3A_41 : memref<128xi32, #tpu.memory_space<vmem>>) semaphore(%dma_start3A_46 : memref<!tpu.dma_semaphore, #tpu.memory_space<semaphore_mem>>)
    %add3A_47 = arith.constant 0 : i32
    %add3A_48 = arith.addi %mul3A_2, %add3A_47 : i32
    %dma_start3A_49 = arith.constant 0 : i32
    %dma_start3A_50 = arith.constant 0 : i32
    %dma_start3A_51 = arith.constant 0 : i32
    %dma_start3A_52 = arith.constant 0 : i32
    %dma_start3A_53 = tpu.memref_slice %arg8[%dma_start3A_49, %dma_start3A_51, %dma_start3A_52] : memref<3x128x128xf32, #tpu.memory_space<vmem>> -> memref<1x128x128xf32, #tpu.memory_space<vmem>>
    %dma_start3A_54 = tpu.memref_squeeze %dma_start3A_53 : memref<1x128x128xf32, #tpu.memory_space<vmem>> -> memref<128x128xf32, #tpu.memory_space<vmem>>
    %dma_start3A_55 = arith.constant 0 : i32
    %dma_start3A_56 = tpu.memref_slice %arg2[%add3A_48, %dma_start3A_55] : memref<16384x128xf32, #tpu.memory_space<hbm>> -> memref<128x128xf32, #tpu.memory_space<hbm>>
    %dma_start3A_57 = tpu.memref_slice %arg10[%dma_start3A_50] : memref<3x!tpu.dma_semaphore, #tpu.memory_space<semaphore_mem>> -> memref<1x!tpu.dma_semaphore, #tpu.memory_space<semaphore_mem>>
    %dma_start3A_58 = tpu.memref_squeeze %dma_start3A_57 : memref<1x!tpu.dma_semaphore, #tpu.memory_space<semaphore_mem>> -> memref<!tpu.dma_semaphore, #tpu.memory_space<semaphore_mem>>
    %dma_start3A_59 = arith.constant 0 : i32
    %dma_start3A_60 = arith.constant 0 : i32
    %dma_start3A_61 = tpu.memref_slice %arg8[%dma_start3A_49, %dma_start3A_59, %dma_start3A_60] : memref<3x128x128xf32, #tpu.memory_space<vmem>> -> memref<1x128x128xf32, #tpu.memory_space<vmem>>
    %dma_start3A_62 = tpu.memref_squeeze %dma_start3A_61 : memref<1x128x128xf32, #tpu.memory_space<vmem>> -> memref<128x128xf32, #tpu.memory_space<vmem>>
    %dma_start3A_63 = arith.constant 0 : i32
    %dma_start3A_64 = tpu.memref_slice %arg2[%add3A_48, %dma_start3A_63] : memref<16384x128xf32, #tpu.memory_space<hbm>> -> memref<128x128xf32, #tpu.memory_space<hbm>>
    tpu.enqueue_dma source(%dma_start3A_64 : memref<128x128xf32, #tpu.memory_space<hbm>>) target(%dma_start3A_62 : memref<128x128xf32, #tpu.memory_space<vmem>>) target_semaphore(%dma_start3A_58 : memref<!tpu.dma_semaphore, #tpu.memory_space<semaphore_mem>>)
    %add3A_65 = arith.constant 128 : i32
    %add3A_66 = arith.addi %mul3A_2, %add3A_65 : i32
    %dma_start3A_67 = arith.constant 1 : i32
    %dma_start3A_68 = arith.constant 1 : i32
    %dma_start3A_69 = arith.constant 0 : i32
    %dma_start3A_70 = arith.constant 0 : i32
    %dma_start3A_71 = tpu.memref_slice %arg8[%dma_start3A_67, %dma_start3A_69, %dma_start3A_70] : memref<3x128x128xf32, #tpu.memory_space<vmem>> -> memref<1x128x128xf32, #tpu.memory_space<vmem>>
    %dma_start3A_72 = tpu.memref_squeeze %dma_start3A_71 : memref<1x128x128xf32, #tpu.memory_space<vmem>> -> memref<128x128xf32, #tpu.memory_space<vmem>>
    %dma_start3A_73 = arith.constant 0 : i32
    %dma_start3A_74 = tpu.memref_slice %arg2[%add3A_66, %dma_start3A_73] : memref<16384x128xf32, #tpu.memory_space<hbm>> -> memref<128x128xf32, #tpu.memory_space<hbm>>
    %dma_start3A_75 = tpu.memref_slice %arg10[%dma_start3A_68] : memref<3x!tpu.dma_semaphore, #tpu.memory_space<semaphore_mem>> -> memref<1x!tpu.dma_semaphore, #tpu.memory_space<semaphore_mem>>
    %dma_start3A_76 = tpu.memref_squeeze %dma_start3A_75 : memref<1x!tpu.dma_semaphore, #tpu.memory_space<semaphore_mem>> -> memref<!tpu.dma_semaphore, #tpu.memory_space<semaphore_mem>>
    %dma_start3A_77 = arith.constant 0 : i32
    %dma_start3A_78 = arith.constant 0 : i32
    %dma_start3A_79 = tpu.memref_slice %arg8[%dma_start3A_67, %dma_start3A_77, %dma_start3A_78] : memref<3x128x128xf32, #tpu.memory_space<vmem>> -> memref<1x128x128xf32, #tpu.memory_space<vmem>>
    %dma_start3A_80 = tpu.memref_squeeze %dma_start3A_79 : memref<1x128x128xf32, #tpu.memory_space<vmem>> -> memref<128x128xf32, #tpu.memory_space<vmem>>
    %dma_start3A_81 = arith.constant 0 : i32
    %dma_start3A_82 = tpu.memref_slice %arg2[%add3A_66, %dma_start3A_81] : memref<16384x128xf32, #tpu.memory_space<hbm>> -> memref<128x128xf32, #tpu.memory_space<hbm>>
    tpu.enqueue_dma source(%dma_start3A_82 : memref<128x128xf32, #tpu.memory_space<hbm>>) target(%dma_start3A_80 : memref<128x128xf32, #tpu.memory_space<vmem>>) target_semaphore(%dma_start3A_76 : memref<!tpu.dma_semaphore, #tpu.memory_space<semaphore_mem>>)
    %add3A_83 = arith.constant 256 : i32
    %add3A_84 = arith.addi %mul3A_2, %add3A_83 : i32
    %dma_start3A_85 = arith.constant 2 : i32
    %dma_start3A_86 = arith.constant 2 : i32
    %dma_start3A_87 = arith.constant 0 : i32
    %dma_start3A_88 = arith.constant 0 : i32
    %dma_start3A_89 = tpu.memref_slice %arg8[%dma_start3A_85, %dma_start3A_87, %dma_start3A_88] : memref<3x128x128xf32, #tpu.memory_space<vmem>> -> memref<1x128x128xf32, #tpu.memory_space<vmem>>
    %dma_start3A_90 = tpu.memref_squeeze %dma_start3A_89 : memref<1x128x128xf32, #tpu.memory_space<vmem>> -> memref<128x128xf32, #tpu.memory_space<vmem>>
    %dma_start3A_91 = arith.constant 0 : i32
    %dma_start3A_92 = tpu.memref_slice %arg2[%add3A_84, %dma_start3A_91] : memref<16384x128xf32, #tpu.memory_space<hbm>> -> memref<128x128xf32, #tpu.memory_space<hbm>>
    %dma_start3A_93 = tpu.memref_slice %arg10[%dma_start3A_86] : memref<3x!tpu.dma_semaphore, #tpu.memory_space<semaphore_mem>> -> memref<1x!tpu.dma_semaphore, #tpu.memory_space<semaphore_mem>>
    %dma_start3A_94 = tpu.memref_squeeze %dma_start3A_93 : memref<1x!tpu.dma_semaphore, #tpu.memory_space<semaphore_mem>> -> memref<!tpu.dma_semaphore, #tpu.memory_space<semaphore_mem>>
    %dma_start3A_95 = arith.constant 0 : i32
    %dma_start3A_96 = arith.constant 0 : i32
    %dma_start3A_97 = tpu.memref_slice %arg8[%dma_start3A_85, %dma_start3A_95, %dma_start3A_96] : memref<3x128x128xf32, #tpu.memory_space<vmem>> -> memref<1x128x128xf32, #tpu.memory_space<vmem>>
    %dma_start3A_98 = tpu.memref_squeeze %dma_start3A_97 : memref<1x128x128xf32, #tpu.memory_space<vmem>> -> memref<128x128xf32, #tpu.memory_space<vmem>>
    %dma_start3A_99 = arith.constant 0 : i32
    %dma_start3A_100 = tpu.memref_slice %arg2[%add3A_84, %dma_start3A_99] : memref<16384x128xf32, #tpu.memory_space<hbm>> -> memref<128x128xf32, #tpu.memory_space<hbm>>
    tpu.enqueue_dma source(%dma_start3A_100 : memref<128x128xf32, #tpu.memory_space<hbm>>) target(%dma_start3A_98 : memref<128x128xf32, #tpu.memory_space<vmem>>) target_semaphore(%dma_start3A_94 : memref<!tpu.dma_semaphore, #tpu.memory_space<semaphore_mem>>)
    %dma_wait3A = arith.constant 0 : i32
    %dma_wait3A_101 = arith.constant 0 : i32
    %dma_wait3A_102 = arith.constant 0 : i32
    %dma_wait3A_103 = arith.constant 0 : i32
    %dma_wait3A_104 = arith.constant 0 : i32
    %dma_wait3A_105 = tpu.memref_slice %arg7[%dma_wait3A_101, %dma_wait3A_103, %dma_wait3A_104] : memref<3x128x128xf32, #tpu.memory_space<vmem>> -> memref<1x128x128xf32, #tpu.memory_space<vmem>>
    %dma_wait3A_106 = tpu.memref_squeeze %dma_wait3A_105 : memref<1x128x128xf32, #tpu.memory_space<vmem>> -> memref<128x128xf32, #tpu.memory_space<vmem>>
    %dma_wait3A_107 = arith.constant 0 : i32
    %dma_wait3A_108 = tpu.memref_slice %arg6[%dma_wait3A, %dma_wait3A_107] : memref<4x128xi32, #tpu.memory_space<vmem>> -> memref<1x128xi32, #tpu.memory_space<vmem>>
    %dma_wait3A_109 = tpu.memref_squeeze %dma_wait3A_108 : memref<1x128xi32, #tpu.memory_space<vmem>> -> memref<128xi32, #tpu.memory_space<vmem>>
    %dma_wait3A_110 = arith.constant 0 : i32
    %dma_wait3A_111 = arith.constant 0 : i32
    %dma_wait3A_112 = tpu.memref_slice %arg4[%dma_wait3A_110, %dma_wait3A_111] : memref<100000x128xf32, #tpu.memory_space<hbm>> -> memref<100000x128xf32, #tpu.memory_space<hbm>>
    %dma_wait3A_113 = tpu.memref_slice %arg9[%dma_wait3A_102] : memref<3x!tpu.dma_semaphore, #tpu.memory_space<semaphore_mem>> -> memref<1x!tpu.dma_semaphore, #tpu.memory_space<semaphore_mem>>
    %dma_wait3A_114 = tpu.memref_squeeze %dma_wait3A_113 : memref<1x!tpu.dma_semaphore, #tpu.memory_space<semaphore_mem>> -> memref<!tpu.dma_semaphore, #tpu.memory_space<semaphore_mem>>
    tpu.wait_indirect_dma semaphore(%dma_wait3A_114 : memref<!tpu.dma_semaphore, #tpu.memory_space<semaphore_mem>>) src(%dma_wait3A_112 : memref<100000x128xf32, #tpu.memory_space<hbm>>) dst(%dma_wait3A_106 : memref<128x128xf32, #tpu.memory_space<vmem>>)
    %dma_wait3A_115 = arith.constant 0 : i32
    %dma_wait3A_116 = arith.constant 0 : i32
    %dma_wait3A_117 = arith.constant 0 : i32
    %dma_wait3A_118 = arith.constant 0 : i32
    %dma_wait3A_119 = tpu.memref_slice %arg8[%dma_wait3A_115, %dma_wait3A_117, %dma_wait3A_118] : memref<3x128x128xf32, #tpu.memory_space<vmem>> -> memref<1x128x128xf32, #tpu.memory_space<vmem>>
    %dma_wait3A_120 = tpu.memref_squeeze %dma_wait3A_119 : memref<1x128x128xf32, #tpu.memory_space<vmem>> -> memref<128x128xf32, #tpu.memory_space<vmem>>
    %dma_wait3A_121 = arith.constant 0 : i32
    %dma_wait3A_122 = tpu.memref_slice %arg2[%add3A_48, %dma_wait3A_121] : memref<16384x128xf32, #tpu.memory_space<hbm>> -> memref<128x128xf32, #tpu.memory_space<hbm>>
    %dma_wait3A_123 = tpu.memref_slice %arg10[%dma_wait3A_116] : memref<3x!tpu.dma_semaphore, #tpu.memory_space<semaphore_mem>> -> memref<1x!tpu.dma_semaphore, #tpu.memory_space<semaphore_mem>>
    %dma_wait3A_124 = tpu.memref_squeeze %dma_wait3A_123 : memref<1x!tpu.dma_semaphore, #tpu.memory_space<semaphore_mem>> -> memref<!tpu.dma_semaphore, #tpu.memory_space<semaphore_mem>>
    %dma_wait3A_125 = arith.constant 0 : i32
    %dma_wait3A_126 = arith.constant 0 : i32
    %dma_wait3A_127 = tpu.memref_slice %arg8[%dma_wait3A_115, %dma_wait3A_125, %dma_wait3A_126] : memref<3x128x128xf32, #tpu.memory_space<vmem>> -> memref<1x128x128xf32, #tpu.memory_space<vmem>>
    %dma_wait3A_128 = tpu.memref_squeeze %dma_wait3A_127 : memref<1x128x128xf32, #tpu.memory_space<vmem>> -> memref<128x128xf32, #tpu.memory_space<vmem>>
    %dma_wait3A_129 = arith.constant 0 : i32
    %dma_wait3A_130 = tpu.memref_slice %arg2[%add3A_48, %dma_wait3A_129] : memref<16384x128xf32, #tpu.memory_space<hbm>> -> memref<128x128xf32, #tpu.memory_space<hbm>>
    tpu.wait_dma2 semaphore(%dma_wait3A_124 : memref<!tpu.dma_semaphore, #tpu.memory_space<semaphore_mem>>) src(%dma_wait3A_130 : memref<128x128xf32, #tpu.memory_space<hbm>>) dst(%dma_wait3A_128 : memref<128x128xf32, #tpu.memory_space<vmem>>)
    %parallel_loop3A = arith.constant 0 : i32
    %parallel_loop3A_131 = arith.constant 64 : i32
    %parallel_loop3A_132 = arith.constant 1 : i32
    scf.for %parallel_loop3A_664 = %parallel_loop3A to %parallel_loop3A_131 step %parallel_loop3A_132  : i32 {
      %parallel_loop3A_665 = arith.constant 0 : i32
      %parallel_loop3A_666 = arith.index_cast %parallel_loop3A_665 : i32 to index
      %parallel_loop3A_667 = arith.index_cast %parallel_loop3A_664 : i32 to index
      %parallel_loop3A_668 = arith.constant 0 : index
      %parallel_loop3A_669 = tpu.vector_load %arg7[%parallel_loop3A_666, %parallel_loop3A_667, %parallel_loop3A_668] {strides = array<i32>} : memref<3x128x128xf32, #tpu.memory_space<vmem>>, vector<1x1x16xf32>,
      %parallel_loop3A_670 = vector.shape_cast %parallel_loop3A_669 : vector<1x1x16xf32> to vector<16xf32>
      %parallel_loop3A_671 = arith.constant 0 : i32
      %parallel_loop3A_672 = arith.index_cast %parallel_loop3A_671 : i32 to index
      %parallel_loop3A_673 = arith.index_cast %parallel_loop3A_664 : i32 to index
      %parallel_loop3A_674 = arith.constant 0 : index
      %parallel_loop3A_675 = tpu.vector_load %arg8[%parallel_loop3A_672, %parallel_loop3A_673, %parallel_loop3A_674] {strides = array<i32>} : memref<3x128x128xf32, #tpu.memory_space<vmem>>, vector<1x1x16xf32>,
      %parallel_loop3A_676 = vector.shape_cast %parallel_loop3A_675 : vector<1x1x16xf32> to vector<16xf32>
      %parallel_loop3A_677 = vector.shape_cast %parallel_loop3A_670 : vector<16xf32> to vector<1x1x16xf32>
      tpu.vector_store %arg8[%parallel_loop3A_672, %parallel_loop3A_673, %parallel_loop3A_674], %parallel_loop3A_677 {add = true, strides = array<i32>} : memref<3x128x128xf32, #tpu.memory_space<vmem>>, vector<1x1x16xf32>,
      %parallel_loop3A_678 = arith.constant 0 : i32
      %parallel_loop3A_679 = arith.index_cast %parallel_loop3A_678 : i32 to index
      %parallel_loop3A_680 = arith.index_cast %parallel_loop3A_664 : i32 to index
      %parallel_loop3A_681 = arith.constant 16 : index
      %parallel_loop3A_682 = tpu.vector_load %arg7[%parallel_loop3A_679, %parallel_loop3A_680, %parallel_loop3A_681] {strides = array<i32>} : memref<3x128x128xf32, #tpu.memory_space<vmem>>, vector<1x1x16xf32>,
      %parallel_loop3A_683 = vector.shape_cast %parallel_loop3A_682 : vector<1x1x16xf32> to vector<16xf32>
      %parallel_loop3A_684 = arith.constant 0 : i32
      %parallel_loop3A_685 = arith.index_cast %parallel_loop3A_684 : i32 to index
      %parallel_loop3A_686 = arith.index_cast %parallel_loop3A_664 : i32 to index
      %parallel_loop3A_687 = arith.constant 16 : index
      %parallel_loop3A_688 = tpu.vector_load %arg8[%parallel_loop3A_685, %parallel_loop3A_686, %parallel_loop3A_687] {strides = array<i32>} : memref<3x128x128xf32, #tpu.memory_space<vmem>>, vector<1x1x16xf32>,
      %parallel_loop3A_689 = vector.shape_cast %parallel_loop3A_688 : vector<1x1x16xf32> to vector<16xf32>
      %parallel_loop3A_690 = vector.shape_cast %parallel_loop3A_683 : vector<16xf32> to vector<1x1x16xf32>
      tpu.vector_store %arg8[%parallel_loop3A_685, %parallel_loop3A_686, %parallel_loop3A_687], %parallel_loop3A_690 {add = true, strides = array<i32>} : memref<3x128x128xf32, #tpu.memory_space<vmem>>, vector<1x1x16xf32>,
      %parallel_loop3A_691 = arith.constant 0 : i32
      %parallel_loop3A_692 = arith.index_cast %parallel_loop3A_691 : i32 to index
      %parallel_loop3A_693 = arith.index_cast %parallel_loop3A_664 : i32 to index
      %parallel_loop3A_694 = arith.constant 32 : index
      %parallel_loop3A_695 = tpu.vector_load %arg7[%parallel_loop3A_692, %parallel_loop3A_693, %parallel_loop3A_694] {strides = array<i32>} : memref<3x128x128xf32, #tpu.memory_space<vmem>>, vector<1x1x16xf32>,
      %parallel_loop3A_696 = vector.shape_cast %parallel_loop3A_695 : vector<1x1x16xf32> to vector<16xf32>
      %parallel_loop3A_697 = arith.constant 0 : i32
      %parallel_loop3A_698 = arith.index_cast %parallel_loop3A_697 : i32 to index
      %parallel_loop3A_699 = arith.index_cast %parallel_loop3A_664 : i32 to index
      %parallel_loop3A_700 = arith.constant 32 : index
      %parallel_loop3A_701 = tpu.vector_load %arg8[%parallel_loop3A_698, %parallel_loop3A_699, %parallel_loop3A_700] {strides = array<i32>} : memref<3x128x128xf32, #tpu.memory_space<vmem>>, vector<1x1x16xf32>,
      %parallel_loop3A_702 = vector.shape_cast %parallel_loop3A_701 : vector<1x1x16xf32> to vector<16xf32>
      %parallel_loop3A_703 = vector.shape_cast %parallel_loop3A_696 : vector<16xf32> to vector<1x1x16xf32>
      tpu.vector_store %arg8[%parallel_loop3A_698, %parallel_loop3A_699, %parallel_loop3A_700], %parallel_loop3A_703 {add = true, strides = array<i32>} : memref<3x128x128xf32, #tpu.memory_space<vmem>>, vector<1x1x16xf32>,
      %parallel_loop3A_704 = arith.constant 0 : i32
      %parallel_loop3A_705 = arith.index_cast %parallel_loop3A_704 : i32 to index
      %parallel_loop3A_706 = arith.index_cast %parallel_loop3A_664 : i32 to index
      %parallel_loop3A_707 = arith.constant 48 : index
      %parallel_loop3A_708 = tpu.vector_load %arg7[%parallel_loop3A_705, %parallel_loop3A_706, %parallel_loop3A_707] {strides = array<i32>} : memref<3x128x128xf32, #tpu.memory_space<vmem>>, vector<1x1x16xf32>,
      %parallel_loop3A_709 = vector.shape_cast %parallel_loop3A_708 : vector<1x1x16xf32> to vector<16xf32>
      %parallel_loop3A_710 = arith.constant 0 : i32
      %parallel_loop3A_711 = arith.index_cast %parallel_loop3A_710 : i32 to index
      %parallel_loop3A_712 = arith.index_cast %parallel_loop3A_664 : i32 to index
      %parallel_loop3A_713 = arith.constant 48 : index
      %parallel_loop3A_714 = tpu.vector_load %arg8[%parallel_loop3A_711, %parallel_loop3A_712, %parallel_loop3A_713] {strides = array<i32>} : memref<3x128x128xf32, #tpu.memory_space<vmem>>, vector<1x1x16xf32>,
      %parallel_loop3A_715 = vector.shape_cast %parallel_loop3A_714 : vector<1x1x16xf32> to vector<16xf32>
      %parallel_loop3A_716 = vector.shape_cast %parallel_loop3A_709 : vector<16xf32> to vector<1x1x16xf32>
      tpu.vector_store %arg8[%parallel_loop3A_711, %parallel_loop3A_712, %parallel_loop3A_713], %parallel_loop3A_716 {add = true, strides = array<i32>} : memref<3x128x128xf32, #tpu.memory_space<vmem>>, vector<1x1x16xf32>,
      %parallel_loop3A_717 = arith.constant 0 : i32
      %parallel_loop3A_718 = arith.index_cast %parallel_loop3A_717 : i32 to index
      %parallel_loop3A_719 = arith.index_cast %parallel_loop3A_664 : i32 to index
      %parallel_loop3A_720 = arith.constant 64 : index
      %parallel_loop3A_721 = tpu.vector_load %arg7[%parallel_loop3A_718, %parallel_loop3A_719, %parallel_loop3A_720] {strides = array<i32>} : memref<3x128x128xf32, #tpu.memory_space<vmem>>, vector<1x1x16xf32>,
      %parallel_loop3A_722 = vector.shape_cast %parallel_loop3A_721 : vector<1x1x16xf32> to vector<16xf32>
      %parallel_loop3A_723 = arith.constant 0 : i32
      %parallel_loop3A_724 = arith.index_cast %parallel_loop3A_723 : i32 to index
      %parallel_loop3A_725 = arith.index_cast %parallel_loop3A_664 : i32 to index
      %parallel_loop3A_726 = arith.constant 64 : index
      %parallel_loop3A_727 = tpu.vector_load %arg8[%parallel_loop3A_724, %parallel_loop3A_725, %parallel_loop3A_726] {strides = array<i32>} : memref<3x128x128xf32, #tpu.memory_space<vmem>>, vector<1x1x16xf32>,
      %parallel_loop3A_728 = vector.shape_cast %parallel_loop3A_727 : vector<1x1x16xf32> to vector<16xf32>
      %parallel_loop3A_729 = vector.shape_cast %parallel_loop3A_722 : vector<16xf32> to vector<1x1x16xf32>
      tpu.vector_store %arg8[%parallel_loop3A_724, %parallel_loop3A_725, %parallel_loop3A_726], %parallel_loop3A_729 {add = true, strides = array<i32>} : memref<3x128x128xf32, #tpu.memory_space<vmem>>, vector<1x1x16xf32>,
      %parallel_loop3A_730 = arith.constant 0 : i32
      %parallel_loop3A_731 = arith.index_cast %parallel_loop3A_730 : i32 to index
      %parallel_loop3A_732 = arith.index_cast %parallel_loop3A_664 : i32 to index
      %parallel_loop3A_733 = arith.constant 80 : index
      %parallel_loop3A_734 = tpu.vector_load %arg7[%parallel_loop3A_731, %parallel_loop3A_732, %parallel_loop3A_733] {strides = array<i32>} : memref<3x128x128xf32, #tpu.memory_space<vmem>>, vector<1x1x16xf32>,
      %parallel_loop3A_735 = vector.shape_cast %parallel_loop3A_734 : vector<1x1x16xf32> to vector<16xf32>
      %parallel_loop3A_736 = arith.constant 0 : i32
      %parallel_loop3A_737 = arith.index_cast %parallel_loop3A_736 : i32 to index
      %parallel_loop3A_738 = arith.index_cast %parallel_loop3A_664 : i32 to index
      %parallel_loop3A_739 = arith.constant 80 : index
      %parallel_loop3A_740 = tpu.vector_load %arg8[%parallel_loop3A_737, %parallel_loop3A_738, %parallel_loop3A_739] {strides = array<i32>} : memref<3x128x128xf32, #tpu.memory_space<vmem>>, vector<1x1x16xf32>,
      %parallel_loop3A_741 = vector.shape_cast %parallel_loop3A_740 : vector<1x1x16xf32> to vector<16xf32>
      %parallel_loop3A_742 = vector.shape_cast %parallel_loop3A_735 : vector<16xf32> to vector<1x1x16xf32>
      tpu.vector_store %arg8[%parallel_loop3A_737, %parallel_loop3A_738, %parallel_loop3A_739], %parallel_loop3A_742 {add = true, strides = array<i32>} : memref<3x128x128xf32, #tpu.memory_space<vmem>>, vector<1x1x16xf32>,
      %parallel_loop3A_743 = arith.constant 0 : i32
      %parallel_loop3A_744 = arith.index_cast %parallel_loop3A_743 : i32 to index
      %parallel_loop3A_745 = arith.index_cast %parallel_loop3A_664 : i32 to index
      %parallel_loop3A_746 = arith.constant 96 : index
      %parallel_loop3A_747 = tpu.vector_load %arg7[%parallel_loop3A_744, %parallel_loop3A_745, %parallel_loop3A_746] {strides = array<i32>} : memref<3x128x128xf32, #tpu.memory_space<vmem>>, vector<1x1x16xf32>,
      %parallel_loop3A_748 = vector.shape_cast %parallel_loop3A_747 : vector<1x1x16xf32> to vector<16xf32>
      %parallel_loop3A_749 = arith.constant 0 : i32
      %parallel_loop3A_750 = arith.index_cast %parallel_loop3A_749 : i32 to index
      %parallel_loop3A_751 = arith.index_cast %parallel_loop3A_664 : i32 to index
      %parallel_loop3A_752 = arith.constant 96 : index
      %parallel_loop3A_753 = tpu.vector_load %arg8[%parallel_loop3A_750, %parallel_loop3A_751, %parallel_loop3A_752] {strides = array<i32>} : memref<3x128x128xf32, #tpu.memory_space<vmem>>, vector<1x1x16xf32>,
      %parallel_loop3A_754 = vector.shape_cast %parallel_loop3A_753 : vector<1x1x16xf32> to vector<16xf32>
      %parallel_loop3A_755 = vector.shape_cast %parallel_loop3A_748 : vector<16xf32> to vector<1x1x16xf32>
      tpu.vector_store %arg8[%parallel_loop3A_750, %parallel_loop3A_751, %parallel_loop3A_752], %parallel_loop3A_755 {add = true, strides = array<i32>} : memref<3x128x128xf32, #tpu.memory_space<vmem>>, vector<1x1x16xf32>,
      %parallel_loop3A_756 = arith.constant 0 : i32
      %parallel_loop3A_757 = arith.index_cast %parallel_loop3A_756 : i32 to index
      %parallel_loop3A_758 = arith.index_cast %parallel_loop3A_664 : i32 to index
      %parallel_loop3A_759 = arith.constant 112 : index
      %parallel_loop3A_760 = tpu.vector_load %arg7[%parallel_loop3A_757, %parallel_loop3A_758, %parallel_loop3A_759] {strides = array<i32>} : memref<3x128x128xf32, #tpu.memory_space<vmem>>, vector<1x1x16xf32>,
      %parallel_loop3A_761 = vector.shape_cast %parallel_loop3A_760 : vector<1x1x16xf32> to vector<16xf32>
      %parallel_loop3A_762 = arith.constant 0 : i32
      %parallel_loop3A_763 = arith.index_cast %parallel_loop3A_762 : i32 to index
      %parallel_loop3A_764 = arith.index_cast %parallel_loop3A_664 : i32 to index
      %parallel_loop3A_765 = arith.constant 112 : index
      %parallel_loop3A_766 = tpu.vector_load %arg8[%parallel_loop3A_763, %parallel_loop3A_764, %parallel_loop3A_765] {strides = array<i32>} : memref<3x128x128xf32, #tpu.memory_space<vmem>>, vector<1x1x16xf32>,
      %parallel_loop3A_767 = vector.shape_cast %parallel_loop3A_766 : vector<1x1x16xf32> to vector<16xf32>
      %parallel_loop3A_768 = vector.shape_cast %parallel_loop3A_761 : vector<16xf32> to vector<1x1x16xf32>
      tpu.vector_store %arg8[%parallel_loop3A_763, %parallel_loop3A_764, %parallel_loop3A_765], %parallel_loop3A_768 {add = true, strides = array<i32>} : memref<3x128x128xf32, #tpu.memory_space<vmem>>, vector<1x1x16xf32>,
    } {sc.loop_unroll_factor = 2 : i64, sc.parallel_access}
    %add3A_133 = arith.constant 0 : i32
    %add3A_134 = arith.addi %mul3A_2, %add3A_133 : i32
    %add3A_135 = arith.constant 0 : i32
    %add3A_136 = arith.addi %add3A_134, %add3A_135 : i32
    %dma_start3A_137 = arith.constant 0 : i32
    %dma_start3A_138 = arith.constant 0 : i32
    %dma_start3A_139 = arith.constant 0 : i32
    %dma_start3A_140 = arith.constant 0 : i32
    %dma_start3A_141 = tpu.memref_slice %arg8[%dma_start3A_137, %dma_start3A_139, %dma_start3A_140] : memref<3x128x128xf32, #tpu.memory_space<vmem>> -> memref<1x128x128xf32, #tpu.memory_space<vmem>>
    %dma_start3A_142 = tpu.memref_squeeze %dma_start3A_141 : memref<1x128x128xf32, #tpu.memory_space<vmem>> -> memref<128x128xf32, #tpu.memory_space<vmem>>
    %dma_start3A_143 = arith.constant 0 : i32
    %dma_start3A_144 = arith.constant 0 : i32
    %dma_start3A_145 = tpu.memref_slice %dma_start3A_142[%dma_start3A_143, %dma_start3A_144] : memref<128x128xf32, #tpu.memory_space<vmem>> -> memref<64x128xf32, #tpu.memory_space<vmem>>
    %dma_start3A_146 = arith.constant 0 : i32
    %dma_start3A_147 = tpu.memref_slice %arg5[%add3A_136, %dma_start3A_146] : memref<16384x128xf32, #tpu.memory_space<hbm>> -> memref<64x128xf32, #tpu.memory_space<hbm>>
    %dma_start3A_148 = tpu.memref_slice %arg11[%dma_start3A_138] : memref<3x!tpu.dma_semaphore, #tpu.memory_space<semaphore_mem>> -> memref<1x!tpu.dma_semaphore, #tpu.memory_space<semaphore_mem>>
    %dma_start3A_149 = tpu.memref_squeeze %dma_start3A_148 : memref<1x!tpu.dma_semaphore, #tpu.memory_space<semaphore_mem>> -> memref<!tpu.dma_semaphore, #tpu.memory_space<semaphore_mem>>
    %dma_start3A_150 = arith.constant 0 : i32
    %dma_start3A_151 = tpu.memref_slice %arg5[%add3A_136, %dma_start3A_150] : memref<16384x128xf32, #tpu.memory_space<hbm>> -> memref<64x128xf32, #tpu.memory_space<hbm>>
    %dma_start3A_152 = arith.constant 0 : i32
    %dma_start3A_153 = arith.constant 0 : i32
    %dma_start3A_154 = tpu.memref_slice %arg8[%dma_start3A_137, %dma_start3A_152, %dma_start3A_153] : memref<3x128x128xf32, #tpu.memory_space<vmem>> -> memref<1x128x128xf32, #tpu.memory_space<vmem>>
    %dma_start3A_155 = tpu.memref_squeeze %dma_start3A_154 : memref<1x128x128xf32, #tpu.memory_space<vmem>> -> memref<128x128xf32, #tpu.memory_space<vmem>>
    %dma_start3A_156 = arith.constant 0 : i32
    %dma_start3A_157 = arith.constant 0 : i32
    %dma_start3A_158 = tpu.memref_slice %dma_start3A_155[%dma_start3A_156, %dma_start3A_157] : memref<128x128xf32, #tpu.memory_space<vmem>> -> memref<64x128xf32, #tpu.memory_space<vmem>>
    tpu.enqueue_dma source(%dma_start3A_158 : memref<64x128xf32, #tpu.memory_space<vmem>>) target(%dma_start3A_151 : memref<64x128xf32, #tpu.memory_space<hbm>>) target_semaphore(%dma_start3A_149 : memref<!tpu.dma_semaphore, #tpu.memory_space<semaphore_mem>>)
    %parallel_loop3A_159 = arith.constant 64 : i32
    %parallel_loop3A_160 = arith.constant 128 : i32
    %parallel_loop3A_161 = arith.constant 1 : i32
    scf.for %parallel_loop3A_664 = %parallel_loop3A_159 to %parallel_loop3A_160 step %parallel_loop3A_161  : i32 {
      %parallel_loop3A_665 = arith.constant 0 : i32
      %parallel_loop3A_666 = arith.index_cast %parallel_loop3A_665 : i32 to index
      %parallel_loop3A_667 = arith.index_cast %parallel_loop3A_664 : i32 to index
      %parallel_loop3A_668 = arith.constant 0 : index
      %parallel_loop3A_669 = tpu.vector_load %arg7[%parallel_loop3A_666, %parallel_loop3A_667, %parallel_loop3A_668] {strides = array<i32>} : memref<3x128x128xf32, #tpu.memory_space<vmem>>, vector<1x1x16xf32>,
      %parallel_loop3A_670 = vector.shape_cast %parallel_loop3A_669 : vector<1x1x16xf32> to vector<16xf32>
      %parallel_loop3A_671 = arith.constant 0 : i32
      %parallel_loop3A_672 = arith.index_cast %parallel_loop3A_671 : i32 to index
      %parallel_loop3A_673 = arith.index_cast %parallel_loop3A_664 : i32 to index
      %parallel_loop3A_674 = arith.constant 0 : index
      %parallel_loop3A_675 = tpu.vector_load %arg8[%parallel_loop3A_672, %parallel_loop3A_673, %parallel_loop3A_674] {strides = array<i32>} : memref<3x128x128xf32, #tpu.memory_space<vmem>>, vector<1x1x16xf32>,
      %parallel_loop3A_676 = vector.shape_cast %parallel_loop3A_675 : vector<1x1x16xf32> to vector<16xf32>
      %parallel_loop3A_677 = vector.shape_cast %parallel_loop3A_670 : vector<16xf32> to vector<1x1x16xf32>
      tpu.vector_store %arg8[%parallel_loop3A_672, %parallel_loop3A_673, %parallel_loop3A_674], %parallel_loop3A_677 {add = true, strides = array<i32>} : memref<3x128x128xf32, #tpu.memory_space<vmem>>, vector<1x1x16xf32>,
      %parallel_loop3A_678 = arith.constant 0 : i32
      %parallel_loop3A_679 = arith.index_cast %parallel_loop3A_678 : i32 to index
      %parallel_loop3A_680 = arith.index_cast %parallel_loop3A_664 : i32 to index
      %parallel_loop3A_681 = arith.constant 16 : index
      %parallel_loop3A_682 = tpu.vector_load %arg7[%parallel_loop3A_679, %parallel_loop3A_680, %parallel_loop3A_681] {strides = array<i32>} : memref<3x128x128xf32, #tpu.memory_space<vmem>>, vector<1x1x16xf32>,
      %parallel_loop3A_683 = vector.shape_cast %parallel_loop3A_682 : vector<1x1x16xf32> to vector<16xf32>
      %parallel_loop3A_684 = arith.constant 0 : i32
      %parallel_loop3A_685 = arith.index_cast %parallel_loop3A_684 : i32 to index
      %parallel_loop3A_686 = arith.index_cast %parallel_loop3A_664 : i32 to index
      %parallel_loop3A_687 = arith.constant 16 : index
      %parallel_loop3A_688 = tpu.vector_load %arg8[%parallel_loop3A_685, %parallel_loop3A_686, %parallel_loop3A_687] {strides = array<i32>} : memref<3x128x128xf32, #tpu.memory_space<vmem>>, vector<1x1x16xf32>,
      %parallel_loop3A_689 = vector.shape_cast %parallel_loop3A_688 : vector<1x1x16xf32> to vector<16xf32>
      %parallel_loop3A_690 = vector.shape_cast %parallel_loop3A_683 : vector<16xf32> to vector<1x1x16xf32>
      tpu.vector_store %arg8[%parallel_loop3A_685, %parallel_loop3A_686, %parallel_loop3A_687], %parallel_loop3A_690 {add = true, strides = array<i32>} : memref<3x128x128xf32, #tpu.memory_space<vmem>>, vector<1x1x16xf32>,
      %parallel_loop3A_691 = arith.constant 0 : i32
      %parallel_loop3A_692 = arith.index_cast %parallel_loop3A_691 : i32 to index
      %parallel_loop3A_693 = arith.index_cast %parallel_loop3A_664 : i32 to index
      %parallel_loop3A_694 = arith.constant 32 : index
      %parallel_loop3A_695 = tpu.vector_load %arg7[%parallel_loop3A_692, %parallel_loop3A_693, %parallel_loop3A_694] {strides = array<i32>} : memref<3x128x128xf32, #tpu.memory_space<vmem>>, vector<1x1x16xf32>,
      %parallel_loop3A_696 = vector.shape_cast %parallel_loop3A_695 : vector<1x1x16xf32> to vector<16xf32>
      %parallel_loop3A_697 = arith.constant 0 : i32
      %parallel_loop3A_698 = arith.index_cast %parallel_loop3A_697 : i32 to index
      %parallel_loop3A_699 = arith.index_cast %parallel_loop3A_664 : i32 to index
      %parallel_loop3A_700 = arith.constant 32 : index
      %parallel_loop3A_701 = tpu.vector_load %arg8[%parallel_loop3A_698, %parallel_loop3A_699, %parallel_loop3A_700] {strides = array<i32>} : memref<3x128x128xf32, #tpu.memory_space<vmem>>, vector<1x1x16xf32>,
      %parallel_loop3A_702 = vector.shape_cast %parallel_loop3A_701 : vector<1x1x16xf32> to vector<16xf32>
      %parallel_loop3A_703 = vector.shape_cast %parallel_loop3A_696 : vector<16xf32> to vector<1x1x16xf32>
      tpu.vector_store %arg8[%parallel_loop3A_698, %parallel_loop3A_699, %parallel_loop3A_700], %parallel_loop3A_703 {add = true, strides = array<i32>} : memref<3x128x128xf32, #tpu.memory_space<vmem>>, vector<1x1x16xf32>,
      %parallel_loop3A_704 = arith.constant 0 : i32
      %parallel_loop3A_705 = arith.index_cast %parallel_loop3A_704 : i32 to index
      %parallel_loop3A_706 = arith.index_cast %parallel_loop3A_664 : i32 to index
      %parallel_loop3A_707 = arith.constant 48 : index
      %parallel_loop3A_708 = tpu.vector_load %arg7[%parallel_loop3A_705, %parallel_loop3A_706, %parallel_loop3A_707] {strides = array<i32>} : memref<3x128x128xf32, #tpu.memory_space<vmem>>, vector<1x1x16xf32>,
      %parallel_loop3A_709 = vector.shape_cast %parallel_loop3A_708 : vector<1x1x16xf32> to vector<16xf32>
      %parallel_loop3A_710 = arith.constant 0 : i32
      %parallel_loop3A_711 = arith.index_cast %parallel_loop3A_710 : i32 to index
      %parallel_loop3A_712 = arith.index_cast %parallel_loop3A_664 : i32 to index
      %parallel_loop3A_713 = arith.constant 48 : index
      %parallel_loop3A_714 = tpu.vector_load %arg8[%parallel_loop3A_711, %parallel_loop3A_712, %parallel_loop3A_713] {strides = array<i32>} : memref<3x128x128xf32, #tpu.memory_space<vmem>>, vector<1x1x16xf32>,
      %parallel_loop3A_715 = vector.shape_cast %parallel_loop3A_714 : vector<1x1x16xf32> to vector<16xf32>
      %parallel_loop3A_716 = vector.shape_cast %parallel_loop3A_709 : vector<16xf32> to vector<1x1x16xf32>
      tpu.vector_store %arg8[%parallel_loop3A_711, %parallel_loop3A_712, %parallel_loop3A_713], %parallel_loop3A_716 {add = true, strides = array<i32>} : memref<3x128x128xf32, #tpu.memory_space<vmem>>, vector<1x1x16xf32>,
      %parallel_loop3A_717 = arith.constant 0 : i32
      %parallel_loop3A_718 = arith.index_cast %parallel_loop3A_717 : i32 to index
      %parallel_loop3A_719 = arith.index_cast %parallel_loop3A_664 : i32 to index
      %parallel_loop3A_720 = arith.constant 64 : index
      %parallel_loop3A_721 = tpu.vector_load %arg7[%parallel_loop3A_718, %parallel_loop3A_719, %parallel_loop3A_720] {strides = array<i32>} : memref<3x128x128xf32, #tpu.memory_space<vmem>>, vector<1x1x16xf32>,
      %parallel_loop3A_722 = vector.shape_cast %parallel_loop3A_721 : vector<1x1x16xf32> to vector<16xf32>
      %parallel_loop3A_723 = arith.constant 0 : i32
      %parallel_loop3A_724 = arith.index_cast %parallel_loop3A_723 : i32 to index
      %parallel_loop3A_725 = arith.index_cast %parallel_loop3A_664 : i32 to index
      %parallel_loop3A_726 = arith.constant 64 : index
      %parallel_loop3A_727 = tpu.vector_load %arg8[%parallel_loop3A_724, %parallel_loop3A_725, %parallel_loop3A_726] {strides = array<i32>} : memref<3x128x128xf32, #tpu.memory_space<vmem>>, vector<1x1x16xf32>,
      %parallel_loop3A_728 = vector.shape_cast %parallel_loop3A_727 : vector<1x1x16xf32> to vector<16xf32>
      %parallel_loop3A_729 = vector.shape_cast %parallel_loop3A_722 : vector<16xf32> to vector<1x1x16xf32>
      tpu.vector_store %arg8[%parallel_loop3A_724, %parallel_loop3A_725, %parallel_loop3A_726], %parallel_loop3A_729 {add = true, strides = array<i32>} : memref<3x128x128xf32, #tpu.memory_space<vmem>>, vector<1x1x16xf32>,
      %parallel_loop3A_730 = arith.constant 0 : i32
      %parallel_loop3A_731 = arith.index_cast %parallel_loop3A_730 : i32 to index
      %parallel_loop3A_732 = arith.index_cast %parallel_loop3A_664 : i32 to index
      %parallel_loop3A_733 = arith.constant 80 : index
      %parallel_loop3A_734 = tpu.vector_load %arg7[%parallel_loop3A_731, %parallel_loop3A_732, %parallel_loop3A_733] {strides = array<i32>} : memref<3x128x128xf32, #tpu.memory_space<vmem>>, vector<1x1x16xf32>,
      %parallel_loop3A_735 = vector.shape_cast %parallel_loop3A_734 : vector<1x1x16xf32> to vector<16xf32>
      %parallel_loop3A_736 = arith.constant 0 : i32
      %parallel_loop3A_737 = arith.index_cast %parallel_loop3A_736 : i32 to index
      %parallel_loop3A_738 = arith.index_cast %parallel_loop3A_664 : i32 to index
      %parallel_loop3A_739 = arith.constant 80 : index
      %parallel_loop3A_740 = tpu.vector_load %arg8[%parallel_loop3A_737, %parallel_loop3A_738, %parallel_loop3A_739] {strides = array<i32>} : memref<3x128x128xf32, #tpu.memory_space<vmem>>, vector<1x1x16xf32>,
      %parallel_loop3A_741 = vector.shape_cast %parallel_loop3A_740 : vector<1x1x16xf32> to vector<16xf32>
      %parallel_loop3A_742 = vector.shape_cast %parallel_loop3A_735 : vector<16xf32> to vector<1x1x16xf32>
      tpu.vector_store %arg8[%parallel_loop3A_737, %parallel_loop3A_738, %parallel_loop3A_739], %parallel_loop3A_742 {add = true, strides = array<i32>} : memref<3x128x128xf32, #tpu.memory_space<vmem>>, vector<1x1x16xf32>,
      %parallel_loop3A_743 = arith.constant 0 : i32
      %parallel_loop3A_744 = arith.index_cast %parallel_loop3A_743 : i32 to index
      %parallel_loop3A_745 = arith.index_cast %parallel_loop3A_664 : i32 to index
      %parallel_loop3A_746 = arith.constant 96 : index
      %parallel_loop3A_747 = tpu.vector_load %arg7[%parallel_loop3A_744, %parallel_loop3A_745, %parallel_loop3A_746] {strides = array<i32>} : memref<3x128x128xf32, #tpu.memory_space<vmem>>, vector<1x1x16xf32>,
      %parallel_loop3A_748 = vector.shape_cast %parallel_loop3A_747 : vector<1x1x16xf32> to vector<16xf32>
      %parallel_loop3A_749 = arith.constant 0 : i32
      %parallel_loop3A_750 = arith.index_cast %parallel_loop3A_749 : i32 to index
      %parallel_loop3A_751 = arith.index_cast %parallel_loop3A_664 : i32 to index
      %parallel_loop3A_752 = arith.constant 96 : index
      %parallel_loop3A_753 = tpu.vector_load %arg8[%parallel_loop3A_750, %parallel_loop3A_751, %parallel_loop3A_752] {strides = array<i32>} : memref<3x128x128xf32, #tpu.memory_space<vmem>>, vector<1x1x16xf32>,
      %parallel_loop3A_754 = vector.shape_cast %parallel_loop3A_753 : vector<1x1x16xf32> to vector<16xf32>
      %parallel_loop3A_755 = vector.shape_cast %parallel_loop3A_748 : vector<16xf32> to vector<1x1x16xf32>
      tpu.vector_store %arg8[%parallel_loop3A_750, %parallel_loop3A_751, %parallel_loop3A_752], %parallel_loop3A_755 {add = true, strides = array<i32>} : memref<3x128x128xf32, #tpu.memory_space<vmem>>, vector<1x1x16xf32>,
      %parallel_loop3A_756 = arith.constant 0 : i32
      %parallel_loop3A_757 = arith.index_cast %parallel_loop3A_756 : i32 to index
      %parallel_loop3A_758 = arith.index_cast %parallel_loop3A_664 : i32 to index
      %parallel_loop3A_759 = arith.constant 112 : index
      %parallel_loop3A_760 = tpu.vector_load %arg7[%parallel_loop3A_757, %parallel_loop3A_758, %parallel_loop3A_759] {strides = array<i32>} : memref<3x128x128xf32, #tpu.memory_space<vmem>>, vector<1x1x16xf32>,
      %parallel_loop3A_761 = vector.shape_cast %parallel_loop3A_760 : vector<1x1x16xf32> to vector<16xf32>
      %parallel_loop3A_762 = arith.constant 0 : i32
      %parallel_loop3A_763 = arith.index_cast %parallel_loop3A_762 : i32 to index
      %parallel_loop3A_764 = arith.index_cast %parallel_loop3A_664 : i32 to index
      %parallel_loop3A_765 = arith.constant 112 : index
      %parallel_loop3A_766 = tpu.vector_load %arg8[%parallel_loop3A_763, %parallel_loop3A_764, %parallel_loop3A_765] {strides = array<i32>} : memref<3x128x128xf32, #tpu.memory_space<vmem>>, vector<1x1x16xf32>,
      %parallel_loop3A_767 = vector.shape_cast %parallel_loop3A_766 : vector<1x1x16xf32> to vector<16xf32>
      %parallel_loop3A_768 = vector.shape_cast %parallel_loop3A_761 : vector<16xf32> to vector<1x1x16xf32>
      tpu.vector_store %arg8[%parallel_loop3A_763, %parallel_loop3A_764, %parallel_loop3A_765], %parallel_loop3A_768 {add = true, strides = array<i32>} : memref<3x128x128xf32, #tpu.memory_space<vmem>>, vector<1x1x16xf32>,
    } {sc.loop_unroll_factor = 2 : i64, sc.parallel_access}
    %add3A_162 = arith.constant 0 : i32
    %add3A_163 = arith.addi %mul3A_2, %add3A_162 : i32
    %add3A_164 = arith.constant 64 : i32
    %add3A_165 = arith.addi %add3A_163, %add3A_164 : i32
    %dma_start3A_166 = arith.constant 0 : i32
    %dma_start3A_167 = arith.constant 0 : i32
    %dma_start3A_168 = arith.constant 0 : i32
    %dma_start3A_169 = arith.constant 0 : i32
    %dma_start3A_170 = tpu.memref_slice %arg8[%dma_start3A_166, %dma_start3A_168, %dma_start3A_169] : memref<3x128x128xf32, #tpu.memory_space<vmem>> -> memref<1x128x128xf32, #tpu.memory_space<vmem>>
    %dma_start3A_171 = tpu.memref_squeeze %dma_start3A_170 : memref<1x128x128xf32, #tpu.memory_space<vmem>> -> memref<128x128xf32, #tpu.memory_space<vmem>>
    %dma_start3A_172 = arith.constant 64 : i32
    %dma_start3A_173 = arith.constant 0 : i32
    %dma_start3A_174 = tpu.memref_slice %dma_start3A_171[%dma_start3A_172, %dma_start3A_173] : memref<128x128xf32, #tpu.memory_space<vmem>> -> memref<64x128xf32, #tpu.memory_space<vmem>>
    %dma_start3A_175 = arith.constant 0 : i32
    %dma_start3A_176 = tpu.memref_slice %arg5[%add3A_165, %dma_start3A_175] : memref<16384x128xf32, #tpu.memory_space<hbm>> -> memref<64x128xf32, #tpu.memory_space<hbm>>
    %dma_start3A_177 = tpu.memref_slice %arg11[%dma_start3A_167] : memref<3x!tpu.dma_semaphore, #tpu.memory_space<semaphore_mem>> -> memref<1x!tpu.dma_semaphore, #tpu.memory_space<semaphore_mem>>
    %dma_start3A_178 = tpu.memref_squeeze %dma_start3A_177 : memref<1x!tpu.dma_semaphore, #tpu.memory_space<semaphore_mem>> -> memref<!tpu.dma_semaphore, #tpu.memory_space<semaphore_mem>>
    %dma_start3A_179 = arith.constant 0 : i32
    %dma_start3A_180 = tpu.memref_slice %arg5[%add3A_165, %dma_start3A_179] : memref<16384x128xf32, #tpu.memory_space<hbm>> -> memref<64x128xf32, #tpu.memory_space<hbm>>
    %dma_start3A_181 = arith.constant 0 : i32
    %dma_start3A_182 = arith.constant 0 : i32
    %dma_start3A_183 = tpu.memref_slice %arg8[%dma_start3A_166, %dma_start3A_181, %dma_start3A_182] : memref<3x128x128xf32, #tpu.memory_space<vmem>> -> memref<1x128x128xf32, #tpu.memory_space<vmem>>
    %dma_start3A_184 = tpu.memref_squeeze %dma_start3A_183 : memref<1x128x128xf32, #tpu.memory_space<vmem>> -> memref<128x128xf32, #tpu.memory_space<vmem>>
    %dma_start3A_185 = arith.constant 64 : i32
    %dma_start3A_186 = arith.constant 0 : i32
    %dma_start3A_187 = tpu.memref_slice %dma_start3A_184[%dma_start3A_185, %dma_start3A_186] : memref<128x128xf32, #tpu.memory_space<vmem>> -> memref<64x128xf32, #tpu.memory_space<vmem>>
    tpu.enqueue_dma source(%dma_start3A_187 : memref<64x128xf32, #tpu.memory_space<vmem>>) target(%dma_start3A_180 : memref<64x128xf32, #tpu.memory_space<hbm>>) target_semaphore(%dma_start3A_178 : memref<!tpu.dma_semaphore, #tpu.memory_space<semaphore_mem>>)
    %dma_start3A_188 = arith.constant 3 : i32
    %dma_start3A_189 = arith.constant 0 : i32
    %dma_start3A_190 = arith.constant 0 : i32
    %dma_start3A_191 = arith.constant 0 : i32
    %dma_start3A_192 = arith.constant 0 : i32
    %dma_start3A_193 = tpu.memref_slice %arg7[%dma_start3A_189, %dma_start3A_191, %dma_start3A_192] : memref<3x128x128xf32, #tpu.memory_space<vmem>> -> memref<1x128x128xf32, #tpu.memory_space<vmem>>
    %dma_start3A_194 = tpu.memref_squeeze %dma_start3A_193 : memref<1x128x128xf32, #tpu.memory_space<vmem>> -> memref<128x128xf32, #tpu.memory_space<vmem>>
    %dma_start3A_195 = arith.constant 0 : i32
    %dma_start3A_196 = tpu.memref_slice %arg6[%dma_start3A_188, %dma_start3A_195] : memref<4x128xi32, #tpu.memory_space<vmem>> -> memref<1x128xi32, #tpu.memory_space<vmem>>
    %dma_start3A_197 = tpu.memref_squeeze %dma_start3A_196 : memref<1x128xi32, #tpu.memory_space<vmem>> -> memref<128xi32, #tpu.memory_space<vmem>>
    %dma_start3A_198 = arith.constant 0 : i32
    %dma_start3A_199 = arith.constant 0 : i32
    %dma_start3A_200 = tpu.memref_slice %arg4[%dma_start3A_198, %dma_start3A_199] : memref<100000x128xf32, #tpu.memory_space<hbm>> -> memref<100000x128xf32, #tpu.memory_space<hbm>>
    %dma_start3A_201 = tpu.memref_slice %arg9[%dma_start3A_190] : memref<3x!tpu.dma_semaphore, #tpu.memory_space<semaphore_mem>> -> memref<1x!tpu.dma_semaphore, #tpu.memory_space<semaphore_mem>>
    %dma_start3A_202 = tpu.memref_squeeze %dma_start3A_201 : memref<1x!tpu.dma_semaphore, #tpu.memory_space<semaphore_mem>> -> memref<!tpu.dma_semaphore, #tpu.memory_space<semaphore_mem>>
    tpu.enqueue_indirect_dma source(%dma_start3A_200 : memref<100000x128xf32, #tpu.memory_space<hbm>>) target(%dma_start3A_194 : memref<128x128xf32, #tpu.memory_space<vmem>>) offsets(%dma_start3A_197 : memref<128xi32, #tpu.memory_space<vmem>>) semaphore(%dma_start3A_202 : memref<!tpu.dma_semaphore, #tpu.memory_space<semaphore_mem>>)
    %dma_wait3A_203 = arith.constant 0 : i32
    %dma_wait3A_204 = arith.constant 0 : i32
    %dma_wait3A_205 = arith.constant 0 : i32
    %dma_wait3A_206 = arith.constant 0 : i32
    %dma_wait3A_207 = tpu.memref_slice %arg8[%dma_wait3A_203, %dma_wait3A_205, %dma_wait3A_206] : memref<3x128x128xf32, #tpu.memory_space<vmem>> -> memref<1x128x128xf32, #tpu.memory_space<vmem>>
    %dma_wait3A_208 = tpu.memref_squeeze %dma_wait3A_207 : memref<1x128x128xf32, #tpu.memory_space<vmem>> -> memref<128x128xf32, #tpu.memory_space<vmem>>
    %dma_wait3A_209 = arith.constant 0 : i32
    %dma_wait3A_210 = arith.constant 0 : i32
    %dma_wait3A_211 = tpu.memref_slice %dma_wait3A_208[%dma_wait3A_209, %dma_wait3A_210] : memref<128x128xf32, #tpu.memory_space<vmem>> -> memref<64x128xf32, #tpu.memory_space<vmem>>
    %dma_wait3A_212 = arith.constant 0 : i32
    %dma_wait3A_213 = tpu.memref_slice %arg5[%add3A_136, %dma_wait3A_212] : memref<16384x128xf32, #tpu.memory_space<hbm>> -> memref<64x128xf32, #tpu.memory_space<hbm>>
    %dma_wait3A_214 = tpu.memref_slice %arg11[%dma_wait3A_204] : memref<3x!tpu.dma_semaphore, #tpu.memory_space<semaphore_mem>> -> memref<1x!tpu.dma_semaphore, #tpu.memory_space<semaphore_mem>>
    %dma_wait3A_215 = tpu.memref_squeeze %dma_wait3A_214 : memref<1x!tpu.dma_semaphore, #tpu.memory_space<semaphore_mem>> -> memref<!tpu.dma_semaphore, #tpu.memory_space<semaphore_mem>>
    %dma_wait3A_216 = arith.constant 0 : i32
    %dma_wait3A_217 = tpu.memref_slice %arg5[%add3A_136, %dma_wait3A_216] : memref<16384x128xf32, #tpu.memory_space<hbm>> -> memref<64x128xf32, #tpu.memory_space<hbm>>
    %dma_wait3A_218 = arith.constant 0 : i32
    %dma_wait3A_219 = arith.constant 0 : i32
    %dma_wait3A_220 = tpu.memref_slice %arg8[%dma_wait3A_203, %dma_wait3A_218, %dma_wait3A_219] : memref<3x128x128xf32, #tpu.memory_space<vmem>> -> memref<1x128x128xf32, #tpu.memory_space<vmem>>
    %dma_wait3A_221 = tpu.memref_squeeze %dma_wait3A_220 : memref<1x128x128xf32, #tpu.memory_space<vmem>> -> memref<128x128xf32, #tpu.memory_space<vmem>>
    %dma_wait3A_222 = arith.constant 0 : i32
    %dma_wait3A_223 = arith.constant 0 : i32
    %dma_wait3A_224 = tpu.memref_slice %dma_wait3A_221[%dma_wait3A_222, %dma_wait3A_223] : memref<128x128xf32, #tpu.memory_space<vmem>> -> memref<64x128xf32, #tpu.memory_space<vmem>>
    tpu.wait_dma2 semaphore(%dma_wait3A_215 : memref<!tpu.dma_semaphore, #tpu.memory_space<semaphore_mem>>) src(%dma_wait3A_224 : memref<64x128xf32, #tpu.memory_space<vmem>>) dst(%dma_wait3A_217 : memref<64x128xf32, #tpu.memory_space<hbm>>)
    %dma_wait3A_225 = arith.constant 0 : i32
    %dma_wait3A_226 = arith.constant 0 : i32
    %dma_wait3A_227 = arith.constant 0 : i32
    %dma_wait3A_228 = arith.constant 0 : i32
    %dma_wait3A_229 = tpu.memref_slice %arg8[%dma_wait3A_225, %dma_wait3A_227, %dma_wait3A_228] : memref<3x128x128xf32, #tpu.memory_space<vmem>> -> memref<1x128x128xf32, #tpu.memory_space<vmem>>
    %dma_wait3A_230 = tpu.memref_squeeze %dma_wait3A_229 : memref<1x128x128xf32, #tpu.memory_space<vmem>> -> memref<128x128xf32, #tpu.memory_space<vmem>>
    %dma_wait3A_231 = arith.constant 64 : i32
    %dma_wait3A_232 = arith.constant 0 : i32
    %dma_wait3A_233 = tpu.memref_slice %dma_wait3A_230[%dma_wait3A_231, %dma_wait3A_232] : memref<128x128xf32, #tpu.memory_space<vmem>> -> memref<64x128xf32, #tpu.memory_space<vmem>>
    %dma_wait3A_234 = arith.constant 0 : i32
    %dma_wait3A_235 = tpu.memref_slice %arg5[%add3A_165, %dma_wait3A_234] : memref<16384x128xf32, #tpu.memory_space<hbm>> -> memref<64x128xf32, #tpu.memory_space<hbm>>
    %dma_wait3A_236 = tpu.memref_slice %arg11[%dma_wait3A_226] : memref<3x!tpu.dma_semaphore, #tpu.memory_space<semaphore_mem>> -> memref<1x!tpu.dma_semaphore, #tpu.memory_space<semaphore_mem>>
    %dma_wait3A_237 = tpu.memref_squeeze %dma_wait3A_236 : memref<1x!tpu.dma_semaphore, #tpu.memory_space<semaphore_mem>> -> memref<!tpu.dma_semaphore, #tpu.memory_space<semaphore_mem>>
    %dma_wait3A_238 = arith.constant 0 : i32
    %dma_wait3A_239 = tpu.memref_slice %arg5[%add3A_165, %dma_wait3A_238] : memref<16384x128xf32, #tpu.memory_space<hbm>> -> memref<64x128xf32, #tpu.memory_space<hbm>>
    %dma_wait3A_240 = arith.constant 0 : i32
    %dma_wait3A_241 = arith.constant 0 : i32
    %dma_wait3A_242 = tpu.memref_slice %arg8[%dma_wait3A_225, %dma_wait3A_240, %dma_wait3A_241] : memref<3x128x128xf32, #tpu.memory_space<vmem>> -> memref<1x128x128xf32, #tpu.memory_space<vmem>>
    %dma_wait3A_243 = tpu.memref_squeeze %dma_wait3A_242 : memref<1x128x128xf32, #tpu.memory_space<vmem>> -> memref<128x128xf32, #tpu.memory_space<vmem>>
    %dma_wait3A_244 = arith.constant 64 : i32
    %dma_wait3A_245 = arith.constant 0 : i32
    %dma_wait3A_246 = tpu.memref_slice %dma_wait3A_243[%dma_wait3A_244, %dma_wait3A_245] : memref<128x128xf32, #tpu.memory_space<vmem>> -> memref<64x128xf32, #tpu.memory_space<vmem>>
    tpu.wait_dma2 semaphore(%dma_wait3A_237 : memref<!tpu.dma_semaphore, #tpu.memory_space<semaphore_mem>>) src(%dma_wait3A_246 : memref<64x128xf32, #tpu.memory_space<vmem>>) dst(%dma_wait3A_239 : memref<64x128xf32, #tpu.memory_space<hbm>>)
    %add3A_247 = arith.constant 384 : i32
    %add3A_248 = arith.addi %mul3A_2, %add3A_247 : i32
    %dma_start3A_249 = arith.constant 0 : i32
    %dma_start3A_250 = arith.constant 0 : i32
    %dma_start3A_251 = arith.constant 0 : i32
    %dma_start3A_252 = arith.constant 0 : i32
    %dma_start3A_253 = tpu.memref_slice %arg8[%dma_start3A_249, %dma_start3A_251, %dma_start3A_252] : memref<3x128x128xf32, #tpu.memory_space<vmem>> -> memref<1x128x128xf32, #tpu.memory_space<vmem>>
    %dma_start3A_254 = tpu.memref_squeeze %dma_start3A_253 : memref<1x128x128xf32, #tpu.memory_space<vmem>> -> memref<128x128xf32, #tpu.memory_space<vmem>>
    %dma_start3A_255 = arith.constant 0 : i32
    %dma_start3A_256 = tpu.memref_slice %arg2[%add3A_248, %dma_start3A_255] : memref<16384x128xf32, #tpu.memory_space<hbm>> -> memref<128x128xf32, #tpu.memory_space<hbm>>
    %dma_start3A_257 = tpu.memref_slice %arg10[%dma_start3A_250] : memref<3x!tpu.dma_semaphore, #tpu.memory_space<semaphore_mem>> -> memref<1x!tpu.dma_semaphore, #tpu.memory_space<semaphore_mem>>
    %dma_start3A_258 = tpu.memref_squeeze %dma_start3A_257 : memref<1x!tpu.dma_semaphore, #tpu.memory_space<semaphore_mem>> -> memref<!tpu.dma_semaphore, #tpu.memory_space<semaphore_mem>>
    %dma_start3A_259 = arith.constant 0 : i32
    %dma_start3A_260 = arith.constant 0 : i32
    %dma_start3A_261 = tpu.memref_slice %arg8[%dma_start3A_249, %dma_start3A_259, %dma_start3A_260] : memref<3x128x128xf32, #tpu.memory_space<vmem>> -> memref<1x128x128xf32, #tpu.memory_space<vmem>>
    %dma_start3A_262 = tpu.memref_squeeze %dma_start3A_261 : memref<1x128x128xf32, #tpu.memory_space<vmem>> -> memref<128x128xf32, #tpu.memory_space<vmem>>
    %dma_start3A_263 = arith.constant 0 : i32
    %dma_start3A_264 = tpu.memref_slice %arg2[%add3A_248, %dma_start3A_263] : memref<16384x128xf32, #tpu.memory_space<hbm>> -> memref<128x128xf32, #tpu.memory_space<hbm>>
    tpu.enqueue_dma source(%dma_start3A_264 : memref<128x128xf32, #tpu.memory_space<hbm>>) target(%dma_start3A_262 : memref<128x128xf32, #tpu.memory_space<vmem>>) target_semaphore(%dma_start3A_258 : memref<!tpu.dma_semaphore, #tpu.memory_space<semaphore_mem>>)
    %dma_wait3A_265 = arith.constant 1 : i32
    %dma_wait3A_266 = arith.constant 1 : i32
    %dma_wait3A_267 = arith.constant 1 : i32
    %dma_wait3A_268 = arith.constant 0 : i32
    %dma_wait3A_269 = arith.constant 0 : i32
    %dma_wait3A_270 = tpu.memref_slice %arg7[%dma_wait3A_266, %dma_wait3A_268, %dma_wait3A_269] : memref<3x128x128xf32, #tpu.memory_space<vmem>> -> memref<1x128x128xf32, #tpu.memory_space<vmem>>
    %dma_wait3A_271 = tpu.memref_squeeze %dma_wait3A_270 : memref<1x128x128xf32, #tpu.memory_space<vmem>> -> memref<128x128xf32, #tpu.memory_space<vmem>>
    %dma_wait3A_272 = arith.constant 0 : i32
    %dma_wait3A_273 = tpu.memref_slice %arg6[%dma_wait3A_265, %dma_wait3A_272] : memref<4x128xi32, #tpu.memory_space<vmem>> -> memref<1x128xi32, #tpu.memory_space<vmem>>
    %dma_wait3A_274 = tpu.memref_squeeze %dma_wait3A_273 : memref<1x128xi32, #tpu.memory_space<vmem>> -> memref<128xi32, #tpu.memory_space<vmem>>
    %dma_wait3A_275 = arith.constant 0 : i32
    %dma_wait3A_276 = arith.constant 0 : i32
    %dma_wait3A_277 = tpu.memref_slice %arg4[%dma_wait3A_275, %dma_wait3A_276] : memref<100000x128xf32, #tpu.memory_space<hbm>> -> memref<100000x128xf32, #tpu.memory_space<hbm>>
    %dma_wait3A_278 = tpu.memref_slice %arg9[%dma_wait3A_267] : memref<3x!tpu.dma_semaphore, #tpu.memory_space<semaphore_mem>> -> memref<1x!tpu.dma_semaphore, #tpu.memory_space<semaphore_mem>>
    %dma_wait3A_279 = tpu.memref_squeeze %dma_wait3A_278 : memref<1x!tpu.dma_semaphore, #tpu.memory_space<semaphore_mem>> -> memref<!tpu.dma_semaphore, #tpu.memory_space<semaphore_mem>>
    tpu.wait_indirect_dma semaphore(%dma_wait3A_279 : memref<!tpu.dma_semaphore, #tpu.memory_space<semaphore_mem>>) src(%dma_wait3A_277 : memref<100000x128xf32, #tpu.memory_space<hbm>>) dst(%dma_wait3A_271 : memref<128x128xf32, #tpu.memory_space<vmem>>)
    %dma_wait3A_280 = arith.constant 1 : i32
    %dma_wait3A_281 = arith.constant 1 : i32
    %dma_wait3A_282 = arith.constant 0 : i32
    %dma_wait3A_283 = arith.constant 0 : i32
    %dma_wait3A_284 = tpu.memref_slice %arg8[%dma_wait3A_280, %dma_wait3A_282, %dma_wait3A_283] : memref<3x128x128xf32, #tpu.memory_space<vmem>> -> memref<1x128x128xf32, #tpu.memory_space<vmem>>
    %dma_wait3A_285 = tpu.memref_squeeze %dma_wait3A_284 : memref<1x128x128xf32, #tpu.memory_space<vmem>> -> memref<128x128xf32, #tpu.memory_space<vmem>>
    %dma_wait3A_286 = arith.constant 0 : i32
    %dma_wait3A_287 = tpu.memref_slice %arg2[%add3A_66, %dma_wait3A_286] : memref<16384x128xf32, #tpu.memory_space<hbm>> -> memref<128x128xf32, #tpu.memory_space<hbm>>
    %dma_wait3A_288 = tpu.memref_slice %arg10[%dma_wait3A_281] : memref<3x!tpu.dma_semaphore, #tpu.memory_space<semaphore_mem>> -> memref<1x!tpu.dma_semaphore, #tpu.memory_space<semaphore_mem>>
    %dma_wait3A_289 = tpu.memref_squeeze %dma_wait3A_288 : memref<1x!tpu.dma_semaphore, #tpu.memory_space<semaphore_mem>> -> memref<!tpu.dma_semaphore, #tpu.memory_space<semaphore_mem>>
    %dma_wait3A_290 = arith.constant 0 : i32
    %dma_wait3A_291 = arith.constant 0 : i32
    %dma_wait3A_292 = tpu.memref_slice %arg8[%dma_wait3A_280, %dma_wait3A_290, %dma_wait3A_291] : memref<3x128x128xf32, #tpu.memory_space<vmem>> -> memref<1x128x128xf32, #tpu.memory_space<vmem>>
    %dma_wait3A_293 = tpu.memref_squeeze %dma_wait3A_292 : memref<1x128x128xf32, #tpu.memory_space<vmem>> -> memref<128x128xf32, #tpu.memory_space<vmem>>
    %dma_wait3A_294 = arith.constant 0 : i32
    %dma_wait3A_295 = tpu.memref_slice %arg2[%add3A_66, %dma_wait3A_294] : memref<16384x128xf32, #tpu.memory_space<hbm>> -> memref<128x128xf32, #tpu.memory_space<hbm>>
    tpu.wait_dma2 semaphore(%dma_wait3A_289 : memref<!tpu.dma_semaphore, #tpu.memory_space<semaphore_mem>>) src(%dma_wait3A_295 : memref<128x128xf32, #tpu.memory_space<hbm>>) dst(%dma_wait3A_293 : memref<128x128xf32, #tpu.memory_space<vmem>>)
    %parallel_loop3A_296 = arith.constant 0 : i32
    %parallel_loop3A_297 = arith.constant 64 : i32
    %parallel_loop3A_298 = arith.constant 1 : i32
    scf.for %parallel_loop3A_664 = %parallel_loop3A_296 to %parallel_loop3A_297 step %parallel_loop3A_298  : i32 {
      %parallel_loop3A_665 = arith.constant 1 : i32
      %parallel_loop3A_666 = arith.index_cast %parallel_loop3A_665 : i32 to index
      %parallel_loop3A_667 = arith.index_cast %parallel_loop3A_664 : i32 to index
      %parallel_loop3A_668 = arith.constant 0 : index
      %parallel_loop3A_669 = tpu.vector_load %arg7[%parallel_loop3A_666, %parallel_loop3A_667, %parallel_loop3A_668] {strides = array<i32>} : memref<3x128x128xf32, #tpu.memory_space<vmem>>, vector<1x1x16xf32>,
      %parallel_loop3A_670 = vector.shape_cast %parallel_loop3A_669 : vector<1x1x16xf32> to vector<16xf32>
      %parallel_loop3A_671 = arith.constant 1 : i32
      %parallel_loop3A_672 = arith.index_cast %parallel_loop3A_671 : i32 to index
      %parallel_loop3A_673 = arith.index_cast %parallel_loop3A_664 : i32 to index
      %parallel_loop3A_674 = arith.constant 0 : index
      %parallel_loop3A_675 = tpu.vector_load %arg8[%parallel_loop3A_672, %parallel_loop3A_673, %parallel_loop3A_674] {strides = array<i32>} : memref<3x128x128xf32, #tpu.memory_space<vmem>>, vector<1x1x16xf32>,
      %parallel_loop3A_676 = vector.shape_cast %parallel_loop3A_675 : vector<1x1x16xf32> to vector<16xf32>
      %parallel_loop3A_677 = vector.shape_cast %parallel_loop3A_670 : vector<16xf32> to vector<1x1x16xf32>
      tpu.vector_store %arg8[%parallel_loop3A_672, %parallel_loop3A_673, %parallel_loop3A_674], %parallel_loop3A_677 {add = true, strides = array<i32>} : memref<3x128x128xf32, #tpu.memory_space<vmem>>, vector<1x1x16xf32>,
      %parallel_loop3A_678 = arith.constant 1 : i32
      %parallel_loop3A_679 = arith.index_cast %parallel_loop3A_678 : i32 to index
      %parallel_loop3A_680 = arith.index_cast %parallel_loop3A_664 : i32 to index
      %parallel_loop3A_681 = arith.constant 16 : index
      %parallel_loop3A_682 = tpu.vector_load %arg7[%parallel_loop3A_679, %parallel_loop3A_680, %parallel_loop3A_681] {strides = array<i32>} : memref<3x128x128xf32, #tpu.memory_space<vmem>>, vector<1x1x16xf32>,
      %parallel_loop3A_683 = vector.shape_cast %parallel_loop3A_682 : vector<1x1x16xf32> to vector<16xf32>
      %parallel_loop3A_684 = arith.constant 1 : i32
      %parallel_loop3A_685 = arith.index_cast %parallel_loop3A_684 : i32 to index
      %parallel_loop3A_686 = arith.index_cast %parallel_loop3A_664 : i32 to index
      %parallel_loop3A_687 = arith.constant 16 : index
      %parallel_loop3A_688 = tpu.vector_load %arg8[%parallel_loop3A_685, %parallel_loop3A_686, %parallel_loop3A_687] {strides = array<i32>} : memref<3x128x128xf32, #tpu.memory_space<vmem>>, vector<1x1x16xf32>,
      %parallel_loop3A_689 = vector.shape_cast %parallel_loop3A_688 : vector<1x1x16xf32> to vector<16xf32>
      %parallel_loop3A_690 = vector.shape_cast %parallel_loop3A_683 : vector<16xf32> to vector<1x1x16xf32>
      tpu.vector_store %arg8[%parallel_loop3A_685, %parallel_loop3A_686, %parallel_loop3A_687], %parallel_loop3A_690 {add = true, strides = array<i32>} : memref<3x128x128xf32, #tpu.memory_space<vmem>>, vector<1x1x16xf32>,
      %parallel_loop3A_691 = arith.constant 1 : i32
      %parallel_loop3A_692 = arith.index_cast %parallel_loop3A_691 : i32 to index
      %parallel_loop3A_693 = arith.index_cast %parallel_loop3A_664 : i32 to index
      %parallel_loop3A_694 = arith.constant 32 : index
      %parallel_loop3A_695 = tpu.vector_load %arg7[%parallel_loop3A_692, %parallel_loop3A_693, %parallel_loop3A_694] {strides = array<i32>} : memref<3x128x128xf32, #tpu.memory_space<vmem>>, vector<1x1x16xf32>,
      %parallel_loop3A_696 = vector.shape_cast %parallel_loop3A_695 : vector<1x1x16xf32> to vector<16xf32>
      %parallel_loop3A_697 = arith.constant 1 : i32
      %parallel_loop3A_698 = arith.index_cast %parallel_loop3A_697 : i32 to index
      %parallel_loop3A_699 = arith.index_cast %parallel_loop3A_664 : i32 to index
      %parallel_loop3A_700 = arith.constant 32 : index
      %parallel_loop3A_701 = tpu.vector_load %arg8[%parallel_loop3A_698, %parallel_loop3A_699, %parallel_loop3A_700] {strides = array<i32>} : memref<3x128x128xf32, #tpu.memory_space<vmem>>, vector<1x1x16xf32>,
      %parallel_loop3A_702 = vector.shape_cast %parallel_loop3A_701 : vector<1x1x16xf32> to vector<16xf32>
      %parallel_loop3A_703 = vector.shape_cast %parallel_loop3A_696 : vector<16xf32> to vector<1x1x16xf32>
      tpu.vector_store %arg8[%parallel_loop3A_698, %parallel_loop3A_699, %parallel_loop3A_700], %parallel_loop3A_703 {add = true, strides = array<i32>} : memref<3x128x128xf32, #tpu.memory_space<vmem>>, vector<1x1x16xf32>,
      %parallel_loop3A_704 = arith.constant 1 : i32
      %parallel_loop3A_705 = arith.index_cast %parallel_loop3A_704 : i32 to index
      %parallel_loop3A_706 = arith.index_cast %parallel_loop3A_664 : i32 to index
      %parallel_loop3A_707 = arith.constant 48 : index
      %parallel_loop3A_708 = tpu.vector_load %arg7[%parallel_loop3A_705, %parallel_loop3A_706, %parallel_loop3A_707] {strides = array<i32>} : memref<3x128x128xf32, #tpu.memory_space<vmem>>, vector<1x1x16xf32>,
      %parallel_loop3A_709 = vector.shape_cast %parallel_loop3A_708 : vector<1x1x16xf32> to vector<16xf32>
      %parallel_loop3A_710 = arith.constant 1 : i32
      %parallel_loop3A_711 = arith.index_cast %parallel_loop3A_710 : i32 to index
      %parallel_loop3A_712 = arith.index_cast %parallel_loop3A_664 : i32 to index
      %parallel_loop3A_713 = arith.constant 48 : index
      %parallel_loop3A_714 = tpu.vector_load %arg8[%parallel_loop3A_711, %parallel_loop3A_712, %parallel_loop3A_713] {strides = array<i32>} : memref<3x128x128xf32, #tpu.memory_space<vmem>>, vector<1x1x16xf32>,
      %parallel_loop3A_715 = vector.shape_cast %parallel_loop3A_714 : vector<1x1x16xf32> to vector<16xf32>
      %parallel_loop3A_716 = vector.shape_cast %parallel_loop3A_709 : vector<16xf32> to vector<1x1x16xf32>
      tpu.vector_store %arg8[%parallel_loop3A_711, %parallel_loop3A_712, %parallel_loop3A_713], %parallel_loop3A_716 {add = true, strides = array<i32>} : memref<3x128x128xf32, #tpu.memory_space<vmem>>, vector<1x1x16xf32>,
      %parallel_loop3A_717 = arith.constant 1 : i32
      %parallel_loop3A_718 = arith.index_cast %parallel_loop3A_717 : i32 to index
      %parallel_loop3A_719 = arith.index_cast %parallel_loop3A_664 : i32 to index
      %parallel_loop3A_720 = arith.constant 64 : index
      %parallel_loop3A_721 = tpu.vector_load %arg7[%parallel_loop3A_718, %parallel_loop3A_719, %parallel_loop3A_720] {strides = array<i32>} : memref<3x128x128xf32, #tpu.memory_space<vmem>>, vector<1x1x16xf32>,
      %parallel_loop3A_722 = vector.shape_cast %parallel_loop3A_721 : vector<1x1x16xf32> to vector<16xf32>
      %parallel_loop3A_723 = arith.constant 1 : i32
      %parallel_loop3A_724 = arith.index_cast %parallel_loop3A_723 : i32 to index
      %parallel_loop3A_725 = arith.index_cast %parallel_loop3A_664 : i32 to index
      %parallel_loop3A_726 = arith.constant 64 : index
      %parallel_loop3A_727 = tpu.vector_load %arg8[%parallel_loop3A_724, %parallel_loop3A_725, %parallel_loop3A_726] {strides = array<i32>} : memref<3x128x128xf32, #tpu.memory_space<vmem>>, vector<1x1x16xf32>,
      %parallel_loop3A_728 = vector.shape_cast %parallel_loop3A_727 : vector<1x1x16xf32> to vector<16xf32>
      %parallel_loop3A_729 = vector.shape_cast %parallel_loop3A_722 : vector<16xf32> to vector<1x1x16xf32>
      tpu.vector_store %arg8[%parallel_loop3A_724, %parallel_loop3A_725, %parallel_loop3A_726], %parallel_loop3A_729 {add = true, strides = array<i32>} : memref<3x128x128xf32, #tpu.memory_space<vmem>>, vector<1x1x16xf32>,
      %parallel_loop3A_730 = arith.constant 1 : i32
      %parallel_loop3A_731 = arith.index_cast %parallel_loop3A_730 : i32 to index
      %parallel_loop3A_732 = arith.index_cast %parallel_loop3A_664 : i32 to index
      %parallel_loop3A_733 = arith.constant 80 : index
      %parallel_loop3A_734 = tpu.vector_load %arg7[%parallel_loop3A_731, %parallel_loop3A_732, %parallel_loop3A_733] {strides = array<i32>} : memref<3x128x128xf32, #tpu.memory_space<vmem>>, vector<1x1x16xf32>,
      %parallel_loop3A_735 = vector.shape_cast %parallel_loop3A_734 : vector<1x1x16xf32> to vector<16xf32>
      %parallel_loop3A_736 = arith.constant 1 : i32
      %parallel_loop3A_737 = arith.index_cast %parallel_loop3A_736 : i32 to index
      %parallel_loop3A_738 = arith.index_cast %parallel_loop3A_664 : i32 to index
      %parallel_loop3A_739 = arith.constant 80 : index
      %parallel_loop3A_740 = tpu.vector_load %arg8[%parallel_loop3A_737, %parallel_loop3A_738, %parallel_loop3A_739] {strides = array<i32>} : memref<3x128x128xf32, #tpu.memory_space<vmem>>, vector<1x1x16xf32>,
      %parallel_loop3A_741 = vector.shape_cast %parallel_loop3A_740 : vector<1x1x16xf32> to vector<16xf32>
      %parallel_loop3A_742 = vector.shape_cast %parallel_loop3A_735 : vector<16xf32> to vector<1x1x16xf32>
      tpu.vector_store %arg8[%parallel_loop3A_737, %parallel_loop3A_738, %parallel_loop3A_739], %parallel_loop3A_742 {add = true, strides = array<i32>} : memref<3x128x128xf32, #tpu.memory_space<vmem>>, vector<1x1x16xf32>,
      %parallel_loop3A_743 = arith.constant 1 : i32
      %parallel_loop3A_744 = arith.index_cast %parallel_loop3A_743 : i32 to index
      %parallel_loop3A_745 = arith.index_cast %parallel_loop3A_664 : i32 to index
      %parallel_loop3A_746 = arith.constant 96 : index
      %parallel_loop3A_747 = tpu.vector_load %arg7[%parallel_loop3A_744, %parallel_loop3A_745, %parallel_loop3A_746] {strides = array<i32>} : memref<3x128x128xf32, #tpu.memory_space<vmem>>, vector<1x1x16xf32>,
      %parallel_loop3A_748 = vector.shape_cast %parallel_loop3A_747 : vector<1x1x16xf32> to vector<16xf32>
      %parallel_loop3A_749 = arith.constant 1 : i32
      %parallel_loop3A_750 = arith.index_cast %parallel_loop3A_749 : i32 to index
      %parallel_loop3A_751 = arith.index_cast %parallel_loop3A_664 : i32 to index
      %parallel_loop3A_752 = arith.constant 96 : index
      %parallel_loop3A_753 = tpu.vector_load %arg8[%parallel_loop3A_750, %parallel_loop3A_751, %parallel_loop3A_752] {strides = array<i32>} : memref<3x128x128xf32, #tpu.memory_space<vmem>>, vector<1x1x16xf32>,
      %parallel_loop3A_754 = vector.shape_cast %parallel_loop3A_753 : vector<1x1x16xf32> to vector<16xf32>
      %parallel_loop3A_755 = vector.shape_cast %parallel_loop3A_748 : vector<16xf32> to vector<1x1x16xf32>
      tpu.vector_store %arg8[%parallel_loop3A_750, %parallel_loop3A_751, %parallel_loop3A_752], %parallel_loop3A_755 {add = true, strides = array<i32>} : memref<3x128x128xf32, #tpu.memory_space<vmem>>, vector<1x1x16xf32>,
      %parallel_loop3A_756 = arith.constant 1 : i32
      %parallel_loop3A_757 = arith.index_cast %parallel_loop3A_756 : i32 to index
      %parallel_loop3A_758 = arith.index_cast %parallel_loop3A_664 : i32 to index
      %parallel_loop3A_759 = arith.constant 112 : index
      %parallel_loop3A_760 = tpu.vector_load %arg7[%parallel_loop3A_757, %parallel_loop3A_758, %parallel_loop3A_759] {strides = array<i32>} : memref<3x128x128xf32, #tpu.memory_space<vmem>>, vector<1x1x16xf32>,
      %parallel_loop3A_761 = vector.shape_cast %parallel_loop3A_760 : vector<1x1x16xf32> to vector<16xf32>
      %parallel_loop3A_762 = arith.constant 1 : i32
      %parallel_loop3A_763 = arith.index_cast %parallel_loop3A_762 : i32 to index
      %parallel_loop3A_764 = arith.index_cast %parallel_loop3A_664 : i32 to index
      %parallel_loop3A_765 = arith.constant 112 : index
      %parallel_loop3A_766 = tpu.vector_load %arg8[%parallel_loop3A_763, %parallel_loop3A_764, %parallel_loop3A_765] {strides = array<i32>} : memref<3x128x128xf32, #tpu.memory_space<vmem>>, vector<1x1x16xf32>,
      %parallel_loop3A_767 = vector.shape_cast %parallel_loop3A_766 : vector<1x1x16xf32> to vector<16xf32>
      %parallel_loop3A_768 = vector.shape_cast %parallel_loop3A_761 : vector<16xf32> to vector<1x1x16xf32>
      tpu.vector_store %arg8[%parallel_loop3A_763, %parallel_loop3A_764, %parallel_loop3A_765], %parallel_loop3A_768 {add = true, strides = array<i32>} : memref<3x128x128xf32, #tpu.memory_space<vmem>>, vector<1x1x16xf32>,
    } {sc.loop_unroll_factor = 2 : i64, sc.parallel_access}
    %add3A_299 = arith.constant 128 : i32
    %add3A_300 = arith.addi %mul3A_2, %add3A_299 : i32
    %add3A_301 = arith.constant 0 : i32
    %add3A_302 = arith.addi %add3A_300, %add3A_301 : i32
    %dma_start3A_303 = arith.constant 1 : i32
    %dma_start3A_304 = arith.constant 1 : i32
    %dma_start3A_305 = arith.constant 0 : i32
    %dma_start3A_306 = arith.constant 0 : i32
    %dma_start3A_307 = tpu.memref_slice %arg8[%dma_start3A_303, %dma_start3A_305, %dma_start3A_306] : memref<3x128x128xf32, #tpu.memory_space<vmem>> -> memref<1x128x128xf32, #tpu.memory_space<vmem>>
    %dma_start3A_308 = tpu.memref_squeeze %dma_start3A_307 : memref<1x128x128xf32, #tpu.memory_space<vmem>> -> memref<128x128xf32, #tpu.memory_space<vmem>>
    %dma_start3A_309 = arith.constant 0 : i32
    %dma_start3A_310 = arith.constant 0 : i32
    %dma_start3A_311 = tpu.memref_slice %dma_start3A_308[%dma_start3A_309, %dma_start3A_310] : memref<128x128xf32, #tpu.memory_space<vmem>> -> memref<64x128xf32, #tpu.memory_space<vmem>>
    %dma_start3A_312 = arith.constant 0 : i32
    %dma_start3A_313 = tpu.memref_slice %arg5[%add3A_302, %dma_start3A_312] : memref<16384x128xf32, #tpu.memory_space<hbm>> -> memref<64x128xf32, #tpu.memory_space<hbm>>
    %dma_start3A_314 = tpu.memref_slice %arg11[%dma_start3A_304] : memref<3x!tpu.dma_semaphore, #tpu.memory_space<semaphore_mem>> -> memref<1x!tpu.dma_semaphore, #tpu.memory_space<semaphore_mem>>
    %dma_start3A_315 = tpu.memref_squeeze %dma_start3A_314 : memref<1x!tpu.dma_semaphore, #tpu.memory_space<semaphore_mem>> -> memref<!tpu.dma_semaphore, #tpu.memory_space<semaphore_mem>>
    %dma_start3A_316 = arith.constant 0 : i32
    %dma_start3A_317 = tpu.memref_slice %arg5[%add3A_302, %dma_start3A_316] : memref<16384x128xf32, #tpu.memory_space<hbm>> -> memref<64x128xf32, #tpu.memory_space<hbm>>
    %dma_start3A_318 = arith.constant 0 : i32
    %dma_start3A_319 = arith.constant 0 : i32
    %dma_start3A_320 = tpu.memref_slice %arg8[%dma_start3A_303, %dma_start3A_318, %dma_start3A_319] : memref<3x128x128xf32, #tpu.memory_space<vmem>> -> memref<1x128x128xf32, #tpu.memory_space<vmem>>
    %dma_start3A_321 = tpu.memref_squeeze %dma_start3A_320 : memref<1x128x128xf32, #tpu.memory_space<vmem>> -> memref<128x128xf32, #tpu.memory_space<vmem>>
    %dma_start3A_322 = arith.constant 0 : i32
    %dma_start3A_323 = arith.constant 0 : i32
    %dma_start3A_324 = tpu.memref_slice %dma_start3A_321[%dma_start3A_322, %dma_start3A_323] : memref<128x128xf32, #tpu.memory_space<vmem>> -> memref<64x128xf32, #tpu.memory_space<vmem>>
    tpu.enqueue_dma source(%dma_start3A_324 : memref<64x128xf32, #tpu.memory_space<vmem>>) target(%dma_start3A_317 : memref<64x128xf32, #tpu.memory_space<hbm>>) target_semaphore(%dma_start3A_315 : memref<!tpu.dma_semaphore, #tpu.memory_space<semaphore_mem>>)
    %parallel_loop3A_325 = arith.constant 64 : i32
    %parallel_loop3A_326 = arith.constant 128 : i32
    %parallel_loop3A_327 = arith.constant 1 : i32
    scf.for %parallel_loop3A_664 = %parallel_loop3A_325 to %parallel_loop3A_326 step %parallel_loop3A_327  : i32 {
      %parallel_loop3A_665 = arith.constant 1 : i32
      %parallel_loop3A_666 = arith.index_cast %parallel_loop3A_665 : i32 to index
      %parallel_loop3A_667 = arith.index_cast %parallel_loop3A_664 : i32 to index
      %parallel_loop3A_668 = arith.constant 0 : index
      %parallel_loop3A_669 = tpu.vector_load %arg7[%parallel_loop3A_666, %parallel_loop3A_667, %parallel_loop3A_668] {strides = array<i32>} : memref<3x128x128xf32, #tpu.memory_space<vmem>>, vector<1x1x16xf32>,
      %parallel_loop3A_670 = vector.shape_cast %parallel_loop3A_669 : vector<1x1x16xf32> to vector<16xf32>
      %parallel_loop3A_671 = arith.constant 1 : i32
      %parallel_loop3A_672 = arith.index_cast %parallel_loop3A_671 : i32 to index
      %parallel_loop3A_673 = arith.index_cast %parallel_loop3A_664 : i32 to index
      %parallel_loop3A_674 = arith.constant 0 : index
      %parallel_loop3A_675 = tpu.vector_load %arg8[%parallel_loop3A_672, %parallel_loop3A_673, %parallel_loop3A_674] {strides = array<i32>} : memref<3x128x128xf32, #tpu.memory_space<vmem>>, vector<1x1x16xf32>,
      %parallel_loop3A_676 = vector.shape_cast %parallel_loop3A_675 : vector<1x1x16xf32> to vector<16xf32>
      %parallel_loop3A_677 = vector.shape_cast %parallel_loop3A_670 : vector<16xf32> to vector<1x1x16xf32>
      tpu.vector_store %arg8[%parallel_loop3A_672, %parallel_loop3A_673, %parallel_loop3A_674], %parallel_loop3A_677 {add = true, strides = array<i32>} : memref<3x128x128xf32, #tpu.memory_space<vmem>>, vector<1x1x16xf32>,
      %parallel_loop3A_678 = arith.constant 1 : i32
      %parallel_loop3A_679 = arith.index_cast %parallel_loop3A_678 : i32 to index
      %parallel_loop3A_680 = arith.index_cast %parallel_loop3A_664 : i32 to index
      %parallel_loop3A_681 = arith.constant 16 : index
      %parallel_loop3A_682 = tpu.vector_load %arg7[%parallel_loop3A_679, %parallel_loop3A_680, %parallel_loop3A_681] {strides = array<i32>} : memref<3x128x128xf32, #tpu.memory_space<vmem>>, vector<1x1x16xf32>,
      %parallel_loop3A_683 = vector.shape_cast %parallel_loop3A_682 : vector<1x1x16xf32> to vector<16xf32>
      %parallel_loop3A_684 = arith.constant 1 : i32
      %parallel_loop3A_685 = arith.index_cast %parallel_loop3A_684 : i32 to index
      %parallel_loop3A_686 = arith.index_cast %parallel_loop3A_664 : i32 to index
      %parallel_loop3A_687 = arith.constant 16 : index
      %parallel_loop3A_688 = tpu.vector_load %arg8[%parallel_loop3A_685, %parallel_loop3A_686, %parallel_loop3A_687] {strides = array<i32>} : memref<3x128x128xf32, #tpu.memory_space<vmem>>, vector<1x1x16xf32>,
      %parallel_loop3A_689 = vector.shape_cast %parallel_loop3A_688 : vector<1x1x16xf32> to vector<16xf32>
      %parallel_loop3A_690 = vector.shape_cast %parallel_loop3A_683 : vector<16xf32> to vector<1x1x16xf32>
      tpu.vector_store %arg8[%parallel_loop3A_685, %parallel_loop3A_686, %parallel_loop3A_687], %parallel_loop3A_690 {add = true, strides = array<i32>} : memref<3x128x128xf32, #tpu.memory_space<vmem>>, vector<1x1x16xf32>,
      %parallel_loop3A_691 = arith.constant 1 : i32
      %parallel_loop3A_692 = arith.index_cast %parallel_loop3A_691 : i32 to index
      %parallel_loop3A_693 = arith.index_cast %parallel_loop3A_664 : i32 to index
      %parallel_loop3A_694 = arith.constant 32 : index
      %parallel_loop3A_695 = tpu.vector_load %arg7[%parallel_loop3A_692, %parallel_loop3A_693, %parallel_loop3A_694] {strides = array<i32>} : memref<3x128x128xf32, #tpu.memory_space<vmem>>, vector<1x1x16xf32>,
      %parallel_loop3A_696 = vector.shape_cast %parallel_loop3A_695 : vector<1x1x16xf32> to vector<16xf32>
      %parallel_loop3A_697 = arith.constant 1 : i32
      %parallel_loop3A_698 = arith.index_cast %parallel_loop3A_697 : i32 to index
      %parallel_loop3A_699 = arith.index_cast %parallel_loop3A_664 : i32 to index
      %parallel_loop3A_700 = arith.constant 32 : index
      %parallel_loop3A_701 = tpu.vector_load %arg8[%parallel_loop3A_698, %parallel_loop3A_699, %parallel_loop3A_700] {strides = array<i32>} : memref<3x128x128xf32, #tpu.memory_space<vmem>>, vector<1x1x16xf32>,
      %parallel_loop3A_702 = vector.shape_cast %parallel_loop3A_701 : vector<1x1x16xf32> to vector<16xf32>
      %parallel_loop3A_703 = vector.shape_cast %parallel_loop3A_696 : vector<16xf32> to vector<1x1x16xf32>
      tpu.vector_store %arg8[%parallel_loop3A_698, %parallel_loop3A_699, %parallel_loop3A_700], %parallel_loop3A_703 {add = true, strides = array<i32>} : memref<3x128x128xf32, #tpu.memory_space<vmem>>, vector<1x1x16xf32>,
      %parallel_loop3A_704 = arith.constant 1 : i32
      %parallel_loop3A_705 = arith.index_cast %parallel_loop3A_704 : i32 to index
      %parallel_loop3A_706 = arith.index_cast %parallel_loop3A_664 : i32 to index
      %parallel_loop3A_707 = arith.constant 48 : index
      %parallel_loop3A_708 = tpu.vector_load %arg7[%parallel_loop3A_705, %parallel_loop3A_706, %parallel_loop3A_707] {strides = array<i32>} : memref<3x128x128xf32, #tpu.memory_space<vmem>>, vector<1x1x16xf32>,
      %parallel_loop3A_709 = vector.shape_cast %parallel_loop3A_708 : vector<1x1x16xf32> to vector<16xf32>
      %parallel_loop3A_710 = arith.constant 1 : i32
      %parallel_loop3A_711 = arith.index_cast %parallel_loop3A_710 : i32 to index
      %parallel_loop3A_712 = arith.index_cast %parallel_loop3A_664 : i32 to index
      %parallel_loop3A_713 = arith.constant 48 : index
      %parallel_loop3A_714 = tpu.vector_load %arg8[%parallel_loop3A_711, %parallel_loop3A_712, %parallel_loop3A_713] {strides = array<i32>} : memref<3x128x128xf32, #tpu.memory_space<vmem>>, vector<1x1x16xf32>,
      %parallel_loop3A_715 = vector.shape_cast %parallel_loop3A_714 : vector<1x1x16xf32> to vector<16xf32>
      %parallel_loop3A_716 = vector.shape_cast %parallel_loop3A_709 : vector<16xf32> to vector<1x1x16xf32>
      tpu.vector_store %arg8[%parallel_loop3A_711, %parallel_loop3A_712, %parallel_loop3A_713], %parallel_loop3A_716 {add = true, strides = array<i32>} : memref<3x128x128xf32, #tpu.memory_space<vmem>>, vector<1x1x16xf32>,
      %parallel_loop3A_717 = arith.constant 1 : i32
      %parallel_loop3A_718 = arith.index_cast %parallel_loop3A_717 : i32 to index
      %parallel_loop3A_719 = arith.index_cast %parallel_loop3A_664 : i32 to index
      %parallel_loop3A_720 = arith.constant 64 : index
      %parallel_loop3A_721 = tpu.vector_load %arg7[%parallel_loop3A_718, %parallel_loop3A_719, %parallel_loop3A_720] {strides = array<i32>} : memref<3x128x128xf32, #tpu.memory_space<vmem>>, vector<1x1x16xf32>,
      %parallel_loop3A_722 = vector.shape_cast %parallel_loop3A_721 : vector<1x1x16xf32> to vector<16xf32>
      %parallel_loop3A_723 = arith.constant 1 : i32
      %parallel_loop3A_724 = arith.index_cast %parallel_loop3A_723 : i32 to index
      %parallel_loop3A_725 = arith.index_cast %parallel_loop3A_664 : i32 to index
      %parallel_loop3A_726 = arith.constant 64 : index
      %parallel_loop3A_727 = tpu.vector_load %arg8[%parallel_loop3A_724, %parallel_loop3A_725, %parallel_loop3A_726] {strides = array<i32>} : memref<3x128x128xf32, #tpu.memory_space<vmem>>, vector<1x1x16xf32>,
      %parallel_loop3A_728 = vector.shape_cast %parallel_loop3A_727 : vector<1x1x16xf32> to vector<16xf32>
      %parallel_loop3A_729 = vector.shape_cast %parallel_loop3A_722 : vector<16xf32> to vector<1x1x16xf32>
      tpu.vector_store %arg8[%parallel_loop3A_724, %parallel_loop3A_725, %parallel_loop3A_726], %parallel_loop3A_729 {add = true, strides = array<i32>} : memref<3x128x128xf32, #tpu.memory_space<vmem>>, vector<1x1x16xf32>,
      %parallel_loop3A_730 = arith.constant 1 : i32
      %parallel_loop3A_731 = arith.index_cast %parallel_loop3A_730 : i32 to index
      %parallel_loop3A_732 = arith.index_cast %parallel_loop3A_664 : i32 to index
      %parallel_loop3A_733 = arith.constant 80 : index
      %parallel_loop3A_734 = tpu.vector_load %arg7[%parallel_loop3A_731, %parallel_loop3A_732, %parallel_loop3A_733] {strides = array<i32>} : memref<3x128x128xf32, #tpu.memory_space<vmem>>, vector<1x1x16xf32>,
      %parallel_loop3A_735 = vector.shape_cast %parallel_loop3A_734 : vector<1x1x16xf32> to vector<16xf32>
      %parallel_loop3A_736 = arith.constant 1 : i32
      %parallel_loop3A_737 = arith.index_cast %parallel_loop3A_736 : i32 to index
      %parallel_loop3A_738 = arith.index_cast %parallel_loop3A_664 : i32 to index
      %parallel_loop3A_739 = arith.constant 80 : index
      %parallel_loop3A_740 = tpu.vector_load %arg8[%parallel_loop3A_737, %parallel_loop3A_738, %parallel_loop3A_739] {strides = array<i32>} : memref<3x128x128xf32, #tpu.memory_space<vmem>>, vector<1x1x16xf32>,
      %parallel_loop3A_741 = vector.shape_cast %parallel_loop3A_740 : vector<1x1x16xf32> to vector<16xf32>
      %parallel_loop3A_742 = vector.shape_cast %parallel_loop3A_735 : vector<16xf32> to vector<1x1x16xf32>
      tpu.vector_store %arg8[%parallel_loop3A_737, %parallel_loop3A_738, %parallel_loop3A_739], %parallel_loop3A_742 {add = true, strides = array<i32>} : memref<3x128x128xf32, #tpu.memory_space<vmem>>, vector<1x1x16xf32>,
      %parallel_loop3A_743 = arith.constant 1 : i32
      %parallel_loop3A_744 = arith.index_cast %parallel_loop3A_743 : i32 to index
      %parallel_loop3A_745 = arith.index_cast %parallel_loop3A_664 : i32 to index
      %parallel_loop3A_746 = arith.constant 96 : index
      %parallel_loop3A_747 = tpu.vector_load %arg7[%parallel_loop3A_744, %parallel_loop3A_745, %parallel_loop3A_746] {strides = array<i32>} : memref<3x128x128xf32, #tpu.memory_space<vmem>>, vector<1x1x16xf32>,
      %parallel_loop3A_748 = vector.shape_cast %parallel_loop3A_747 : vector<1x1x16xf32> to vector<16xf32>
      %parallel_loop3A_749 = arith.constant 1 : i32
      %parallel_loop3A_750 = arith.index_cast %parallel_loop3A_749 : i32 to index
      %parallel_loop3A_751 = arith.index_cast %parallel_loop3A_664 : i32 to index
      %parallel_loop3A_752 = arith.constant 96 : index
      %parallel_loop3A_753 = tpu.vector_load %arg8[%parallel_loop3A_750, %parallel_loop3A_751, %parallel_loop3A_752] {strides = array<i32>} : memref<3x128x128xf32, #tpu.memory_space<vmem>>, vector<1x1x16xf32>,
      %parallel_loop3A_754 = vector.shape_cast %parallel_loop3A_753 : vector<1x1x16xf32> to vector<16xf32>
      %parallel_loop3A_755 = vector.shape_cast %parallel_loop3A_748 : vector<16xf32> to vector<1x1x16xf32>
      tpu.vector_store %arg8[%parallel_loop3A_750, %parallel_loop3A_751, %parallel_loop3A_752], %parallel_loop3A_755 {add = true, strides = array<i32>} : memref<3x128x128xf32, #tpu.memory_space<vmem>>, vector<1x1x16xf32>,
      %parallel_loop3A_756 = arith.constant 1 : i32
      %parallel_loop3A_757 = arith.index_cast %parallel_loop3A_756 : i32 to index
      %parallel_loop3A_758 = arith.index_cast %parallel_loop3A_664 : i32 to index
      %parallel_loop3A_759 = arith.constant 112 : index
      %parallel_loop3A_760 = tpu.vector_load %arg7[%parallel_loop3A_757, %parallel_loop3A_758, %parallel_loop3A_759] {strides = array<i32>} : memref<3x128x128xf32, #tpu.memory_space<vmem>>, vector<1x1x16xf32>,
      %parallel_loop3A_761 = vector.shape_cast %parallel_loop3A_760 : vector<1x1x16xf32> to vector<16xf32>
      %parallel_loop3A_762 = arith.constant 1 : i32
      %parallel_loop3A_763 = arith.index_cast %parallel_loop3A_762 : i32 to index
      %parallel_loop3A_764 = arith.index_cast %parallel_loop3A_664 : i32 to index
      %parallel_loop3A_765 = arith.constant 112 : index
      %parallel_loop3A_766 = tpu.vector_load %arg8[%parallel_loop3A_763, %parallel_loop3A_764, %parallel_loop3A_765] {strides = array<i32>} : memref<3x128x128xf32, #tpu.memory_space<vmem>>, vector<1x1x16xf32>,
      %parallel_loop3A_767 = vector.shape_cast %parallel_loop3A_766 : vector<1x1x16xf32> to vector<16xf32>
      %parallel_loop3A_768 = vector.shape_cast %parallel_loop3A_761 : vector<16xf32> to vector<1x1x16xf32>
      tpu.vector_store %arg8[%parallel_loop3A_763, %parallel_loop3A_764, %parallel_loop3A_765], %parallel_loop3A_768 {add = true, strides = array<i32>} : memref<3x128x128xf32, #tpu.memory_space<vmem>>, vector<1x1x16xf32>,
    } {sc.loop_unroll_factor = 2 : i64, sc.parallel_access}
    %add3A_328 = arith.constant 128 : i32
    %add3A_329 = arith.addi %mul3A_2, %add3A_328 : i32
    %add3A_330 = arith.constant 64 : i32
    %add3A_331 = arith.addi %add3A_329, %add3A_330 : i32
    %dma_start3A_332 = arith.constant 1 : i32
    %dma_start3A_333 = arith.constant 1 : i32
    %dma_start3A_334 = arith.constant 0 : i32
    %dma_start3A_335 = arith.constant 0 : i32
    %dma_start3A_336 = tpu.memref_slice %arg8[%dma_start3A_332, %dma_start3A_334, %dma_start3A_335] : memref<3x128x128xf32, #tpu.memory_space<vmem>> -> memref<1x128x128xf32, #tpu.memory_space<vmem>>
    %dma_start3A_337 = tpu.memref_squeeze %dma_start3A_336 : memref<1x128x128xf32, #tpu.memory_space<vmem>> -> memref<128x128xf32, #tpu.memory_space<vmem>>
    %dma_start3A_338 = arith.constant 64 : i32
    %dma_start3A_339 = arith.constant 0 : i32
    %dma_start3A_340 = tpu.memref_slice %dma_start3A_337[%dma_start3A_338, %dma_start3A_339] : memref<128x128xf32, #tpu.memory_space<vmem>> -> memref<64x128xf32, #tpu.memory_space<vmem>>
    %dma_start3A_341 = arith.constant 0 : i32
    %dma_start3A_342 = tpu.memref_slice %arg5[%add3A_331, %dma_start3A_341] : memref<16384x128xf32, #tpu.memory_space<hbm>> -> memref<64x128xf32, #tpu.memory_space<hbm>>
    %dma_start3A_343 = tpu.memref_slice %arg11[%dma_start3A_333] : memref<3x!tpu.dma_semaphore, #tpu.memory_space<semaphore_mem>> -> memref<1x!tpu.dma_semaphore, #tpu.memory_space<semaphore_mem>>
    %dma_start3A_344 = tpu.memref_squeeze %dma_start3A_343 : memref<1x!tpu.dma_semaphore, #tpu.memory_space<semaphore_mem>> -> memref<!tpu.dma_semaphore, #tpu.memory_space<semaphore_mem>>
    %dma_start3A_345 = arith.constant 0 : i32
    %dma_start3A_346 = tpu.memref_slice %arg5[%add3A_331, %dma_start3A_345] : memref<16384x128xf32, #tpu.memory_space<hbm>> -> memref<64x128xf32, #tpu.memory_space<hbm>>
    %dma_start3A_347 = arith.constant 0 : i32
    %dma_start3A_348 = arith.constant 0 : i32
    %dma_start3A_349 = tpu.memref_slice %arg8[%dma_start3A_332, %dma_start3A_347, %dma_start3A_348] : memref<3x128x128xf32, #tpu.memory_space<vmem>> -> memref<1x128x128xf32, #tpu.memory_space<vmem>>
    %dma_start3A_350 = tpu.memref_squeeze %dma_start3A_349 : memref<1x128x128xf32, #tpu.memory_space<vmem>> -> memref<128x128xf32, #tpu.memory_space<vmem>>
    %dma_start3A_351 = arith.constant 64 : i32
    %dma_start3A_352 = arith.constant 0 : i32
    %dma_start3A_353 = tpu.memref_slice %dma_start3A_350[%dma_start3A_351, %dma_start3A_352] : memref<128x128xf32, #tpu.memory_space<vmem>> -> memref<64x128xf32, #tpu.memory_space<vmem>>
    tpu.enqueue_dma source(%dma_start3A_353 : memref<64x128xf32, #tpu.memory_space<vmem>>) target(%dma_start3A_346 : memref<64x128xf32, #tpu.memory_space<hbm>>) target_semaphore(%dma_start3A_344 : memref<!tpu.dma_semaphore, #tpu.memory_space<semaphore_mem>>)
    %dma_wait3A_354 = arith.constant 2 : i32
    %dma_wait3A_355 = arith.constant 2 : i32
    %dma_wait3A_356 = arith.constant 2 : i32
    %dma_wait3A_357 = arith.constant 0 : i32
    %dma_wait3A_358 = arith.constant 0 : i32
    %dma_wait3A_359 = tpu.memref_slice %arg7[%dma_wait3A_355, %dma_wait3A_357, %dma_wait3A_358] : memref<3x128x128xf32, #tpu.memory_space<vmem>> -> memref<1x128x128xf32, #tpu.memory_space<vmem>>
    %dma_wait3A_360 = tpu.memref_squeeze %dma_wait3A_359 : memref<1x128x128xf32, #tpu.memory_space<vmem>> -> memref<128x128xf32, #tpu.memory_space<vmem>>
    %dma_wait3A_361 = arith.constant 0 : i32
    %dma_wait3A_362 = tpu.memref_slice %arg6[%dma_wait3A_354, %dma_wait3A_361] : memref<4x128xi32, #tpu.memory_space<vmem>> -> memref<1x128xi32, #tpu.memory_space<vmem>>
    %dma_wait3A_363 = tpu.memref_squeeze %dma_wait3A_362 : memref<1x128xi32, #tpu.memory_space<vmem>> -> memref<128xi32, #tpu.memory_space<vmem>>
    %dma_wait3A_364 = arith.constant 0 : i32
    %dma_wait3A_365 = arith.constant 0 : i32
    %dma_wait3A_366 = tpu.memref_slice %arg4[%dma_wait3A_364, %dma_wait3A_365] : memref<100000x128xf32, #tpu.memory_space<hbm>> -> memref<100000x128xf32, #tpu.memory_space<hbm>>
    %dma_wait3A_367 = tpu.memref_slice %arg9[%dma_wait3A_356] : memref<3x!tpu.dma_semaphore, #tpu.memory_space<semaphore_mem>> -> memref<1x!tpu.dma_semaphore, #tpu.memory_space<semaphore_mem>>
    %dma_wait3A_368 = tpu.memref_squeeze %dma_wait3A_367 : memref<1x!tpu.dma_semaphore, #tpu.memory_space<semaphore_mem>> -> memref<!tpu.dma_semaphore, #tpu.memory_space<semaphore_mem>>
    tpu.wait_indirect_dma semaphore(%dma_wait3A_368 : memref<!tpu.dma_semaphore, #tpu.memory_space<semaphore_mem>>) src(%dma_wait3A_366 : memref<100000x128xf32, #tpu.memory_space<hbm>>) dst(%dma_wait3A_360 : memref<128x128xf32, #tpu.memory_space<vmem>>)
    %dma_wait3A_369 = arith.constant 2 : i32
    %dma_wait3A_370 = arith.constant 2 : i32
    %dma_wait3A_371 = arith.constant 0 : i32
    %dma_wait3A_372 = arith.constant 0 : i32
    %dma_wait3A_373 = tpu.memref_slice %arg8[%dma_wait3A_369, %dma_wait3A_371, %dma_wait3A_372] : memref<3x128x128xf32, #tpu.memory_space<vmem>> -> memref<1x128x128xf32, #tpu.memory_space<vmem>>
    %dma_wait3A_374 = tpu.memref_squeeze %dma_wait3A_373 : memref<1x128x128xf32, #tpu.memory_space<vmem>> -> memref<128x128xf32, #tpu.memory_space<vmem>>
    %dma_wait3A_375 = arith.constant 0 : i32
    %dma_wait3A_376 = tpu.memref_slice %arg2[%add3A_84, %dma_wait3A_375] : memref<16384x128xf32, #tpu.memory_space<hbm>> -> memref<128x128xf32, #tpu.memory_space<hbm>>
    %dma_wait3A_377 = tpu.memref_slice %arg10[%dma_wait3A_370] : memref<3x!tpu.dma_semaphore, #tpu.memory_space<semaphore_mem>> -> memref<1x!tpu.dma_semaphore, #tpu.memory_space<semaphore_mem>>
    %dma_wait3A_378 = tpu.memref_squeeze %dma_wait3A_377 : memref<1x!tpu.dma_semaphore, #tpu.memory_space<semaphore_mem>> -> memref<!tpu.dma_semaphore, #tpu.memory_space<semaphore_mem>>
    %dma_wait3A_379 = arith.constant 0 : i32
    %dma_wait3A_380 = arith.constant 0 : i32
    %dma_wait3A_381 = tpu.memref_slice %arg8[%dma_wait3A_369, %dma_wait3A_379, %dma_wait3A_380] : memref<3x128x128xf32, #tpu.memory_space<vmem>> -> memref<1x128x128xf32, #tpu.memory_space<vmem>>
    %dma_wait3A_382 = tpu.memref_squeeze %dma_wait3A_381 : memref<1x128x128xf32, #tpu.memory_space<vmem>> -> memref<128x128xf32, #tpu.memory_space<vmem>>
    %dma_wait3A_383 = arith.constant 0 : i32
    %dma_wait3A_384 = tpu.memref_slice %arg2[%add3A_84, %dma_wait3A_383] : memref<16384x128xf32, #tpu.memory_space<hbm>> -> memref<128x128xf32, #tpu.memory_space<hbm>>
    tpu.wait_dma2 semaphore(%dma_wait3A_378 : memref<!tpu.dma_semaphore, #tpu.memory_space<semaphore_mem>>) src(%dma_wait3A_384 : memref<128x128xf32, #tpu.memory_space<hbm>>) dst(%dma_wait3A_382 : memref<128x128xf32, #tpu.memory_space<vmem>>)
    %parallel_loop3A_385 = arith.constant 0 : i32
    %parallel_loop3A_386 = arith.constant 64 : i32
    %parallel_loop3A_387 = arith.constant 1 : i32
    scf.for %parallel_loop3A_664 = %parallel_loop3A_385 to %parallel_loop3A_386 step %parallel_loop3A_387  : i32 {
      %parallel_loop3A_665 = arith.constant 2 : i32
      %parallel_loop3A_666 = arith.index_cast %parallel_loop3A_665 : i32 to index
      %parallel_loop3A_667 = arith.index_cast %parallel_loop3A_664 : i32 to index
      %parallel_loop3A_668 = arith.constant 0 : index
      %parallel_loop3A_669 = tpu.vector_load %arg7[%parallel_loop3A_666, %parallel_loop3A_667, %parallel_loop3A_668] {strides = array<i32>} : memref<3x128x128xf32, #tpu.memory_space<vmem>>, vector<1x1x16xf32>,
      %parallel_loop3A_670 = vector.shape_cast %parallel_loop3A_669 : vector<1x1x16xf32> to vector<16xf32>
      %parallel_loop3A_671 = arith.constant 2 : i32
      %parallel_loop3A_672 = arith.index_cast %parallel_loop3A_671 : i32 to index
      %parallel_loop3A_673 = arith.index_cast %parallel_loop3A_664 : i32 to index
      %parallel_loop3A_674 = arith.constant 0 : index
      %parallel_loop3A_675 = tpu.vector_load %arg8[%parallel_loop3A_672, %parallel_loop3A_673, %parallel_loop3A_674] {strides = array<i32>} : memref<3x128x128xf32, #tpu.memory_space<vmem>>, vector<1x1x16xf32>,
      %parallel_loop3A_676 = vector.shape_cast %parallel_loop3A_675 : vector<1x1x16xf32> to vector<16xf32>
      %parallel_loop3A_677 = vector.shape_cast %parallel_loop3A_670 : vector<16xf32> to vector<1x1x16xf32>
      tpu.vector_store %arg8[%parallel_loop3A_672, %parallel_loop3A_673, %parallel_loop3A_674], %parallel_loop3A_677 {add = true, strides = array<i32>} : memref<3x128x128xf32, #tpu.memory_space<vmem>>, vector<1x1x16xf32>,
      %parallel_loop3A_678 = arith.constant 2 : i32
      %parallel_loop3A_679 = arith.index_cast %parallel_loop3A_678 : i32 to index
      %parallel_loop3A_680 = arith.index_cast %parallel_loop3A_664 : i32 to index
      %parallel_loop3A_681 = arith.constant 16 : index
      %parallel_loop3A_682 = tpu.vector_load %arg7[%parallel_loop3A_679, %parallel_loop3A_680, %parallel_loop3A_681] {strides = array<i32>} : memref<3x128x128xf32, #tpu.memory_space<vmem>>, vector<1x1x16xf32>,
      %parallel_loop3A_683 = vector.shape_cast %parallel_loop3A_682 : vector<1x1x16xf32> to vector<16xf32>
      %parallel_loop3A_684 = arith.constant 2 : i32
      %parallel_loop3A_685 = arith.index_cast %parallel_loop3A_684 : i32 to index
      %parallel_loop3A_686 = arith.index_cast %parallel_loop3A_664 : i32 to index
      %parallel_loop3A_687 = arith.constant 16 : index
      %parallel_loop3A_688 = tpu.vector_load %arg8[%parallel_loop3A_685, %parallel_loop3A_686, %parallel_loop3A_687] {strides = array<i32>} : memref<3x128x128xf32, #tpu.memory_space<vmem>>, vector<1x1x16xf32>,
      %parallel_loop3A_689 = vector.shape_cast %parallel_loop3A_688 : vector<1x1x16xf32> to vector<16xf32>
      %parallel_loop3A_690 = vector.shape_cast %parallel_loop3A_683 : vector<16xf32> to vector<1x1x16xf32>
      tpu.vector_store %arg8[%parallel_loop3A_685, %parallel_loop3A_686, %parallel_loop3A_687], %parallel_loop3A_690 {add = true, strides = array<i32>} : memref<3x128x128xf32, #tpu.memory_space<vmem>>, vector<1x1x16xf32>,
      %parallel_loop3A_691 = arith.constant 2 : i32
      %parallel_loop3A_692 = arith.index_cast %parallel_loop3A_691 : i32 to index
      %parallel_loop3A_693 = arith.index_cast %parallel_loop3A_664 : i32 to index
      %parallel_loop3A_694 = arith.constant 32 : index
      %parallel_loop3A_695 = tpu.vector_load %arg7[%parallel_loop3A_692, %parallel_loop3A_693, %parallel_loop3A_694] {strides = array<i32>} : memref<3x128x128xf32, #tpu.memory_space<vmem>>, vector<1x1x16xf32>,
      %parallel_loop3A_696 = vector.shape_cast %parallel_loop3A_695 : vector<1x1x16xf32> to vector<16xf32>
      %parallel_loop3A_697 = arith.constant 2 : i32
      %parallel_loop3A_698 = arith.index_cast %parallel_loop3A_697 : i32 to index
      %parallel_loop3A_699 = arith.index_cast %parallel_loop3A_664 : i32 to index
      %parallel_loop3A_700 = arith.constant 32 : index
      %parallel_loop3A_701 = tpu.vector_load %arg8[%parallel_loop3A_698, %parallel_loop3A_699, %parallel_loop3A_700] {strides = array<i32>} : memref<3x128x128xf32, #tpu.memory_space<vmem>>, vector<1x1x16xf32>,
      %parallel_loop3A_702 = vector.shape_cast %parallel_loop3A_701 : vector<1x1x16xf32> to vector<16xf32>
      %parallel_loop3A_703 = vector.shape_cast %parallel_loop3A_696 : vector<16xf32> to vector<1x1x16xf32>
      tpu.vector_store %arg8[%parallel_loop3A_698, %parallel_loop3A_699, %parallel_loop3A_700], %parallel_loop3A_703 {add = true, strides = array<i32>} : memref<3x128x128xf32, #tpu.memory_space<vmem>>, vector<1x1x16xf32>,
      %parallel_loop3A_704 = arith.constant 2 : i32
      %parallel_loop3A_705 = arith.index_cast %parallel_loop3A_704 : i32 to index
      %parallel_loop3A_706 = arith.index_cast %parallel_loop3A_664 : i32 to index
      %parallel_loop3A_707 = arith.constant 48 : index
      %parallel_loop3A_708 = tpu.vector_load %arg7[%parallel_loop3A_705, %parallel_loop3A_706, %parallel_loop3A_707] {strides = array<i32>} : memref<3x128x128xf32, #tpu.memory_space<vmem>>, vector<1x1x16xf32>,
      %parallel_loop3A_709 = vector.shape_cast %parallel_loop3A_708 : vector<1x1x16xf32> to vector<16xf32>
      %parallel_loop3A_710 = arith.constant 2 : i32
      %parallel_loop3A_711 = arith.index_cast %parallel_loop3A_710 : i32 to index
      %parallel_loop3A_712 = arith.index_cast %parallel_loop3A_664 : i32 to index
      %parallel_loop3A_713 = arith.constant 48 : index
      %parallel_loop3A_714 = tpu.vector_load %arg8[%parallel_loop3A_711, %parallel_loop3A_712, %parallel_loop3A_713] {strides = array<i32>} : memref<3x128x128xf32, #tpu.memory_space<vmem>>, vector<1x1x16xf32>,
      %parallel_loop3A_715 = vector.shape_cast %parallel_loop3A_714 : vector<1x1x16xf32> to vector<16xf32>
      %parallel_loop3A_716 = vector.shape_cast %parallel_loop3A_709 : vector<16xf32> to vector<1x1x16xf32>
      tpu.vector_store %arg8[%parallel_loop3A_711, %parallel_loop3A_712, %parallel_loop3A_713], %parallel_loop3A_716 {add = true, strides = array<i32>} : memref<3x128x128xf32, #tpu.memory_space<vmem>>, vector<1x1x16xf32>,
      %parallel_loop3A_717 = arith.constant 2 : i32
      %parallel_loop3A_718 = arith.index_cast %parallel_loop3A_717 : i32 to index
      %parallel_loop3A_719 = arith.index_cast %parallel_loop3A_664 : i32 to index
      %parallel_loop3A_720 = arith.constant 64 : index
      %parallel_loop3A_721 = tpu.vector_load %arg7[%parallel_loop3A_718, %parallel_loop3A_719, %parallel_loop3A_720] {strides = array<i32>} : memref<3x128x128xf32, #tpu.memory_space<vmem>>, vector<1x1x16xf32>,
      %parallel_loop3A_722 = vector.shape_cast %parallel_loop3A_721 : vector<1x1x16xf32> to vector<16xf32>
      %parallel_loop3A_723 = arith.constant 2 : i32
      %parallel_loop3A_724 = arith.index_cast %parallel_loop3A_723 : i32 to index
      %parallel_loop3A_725 = arith.index_cast %parallel_loop3A_664 : i32 to index
      %parallel_loop3A_726 = arith.constant 64 : index
      %parallel_loop3A_727 = tpu.vector_load %arg8[%parallel_loop3A_724, %parallel_loop3A_725, %parallel_loop3A_726] {strides = array<i32>} : memref<3x128x128xf32, #tpu.memory_space<vmem>>, vector<1x1x16xf32>,
      %parallel_loop3A_728 = vector.shape_cast %parallel_loop3A_727 : vector<1x1x16xf32> to vector<16xf32>
      %parallel_loop3A_729 = vector.shape_cast %parallel_loop3A_722 : vector<16xf32> to vector<1x1x16xf32>
      tpu.vector_store %arg8[%parallel_loop3A_724, %parallel_loop3A_725, %parallel_loop3A_726], %parallel_loop3A_729 {add = true, strides = array<i32>} : memref<3x128x128xf32, #tpu.memory_space<vmem>>, vector<1x1x16xf32>,
      %parallel_loop3A_730 = arith.constant 2 : i32
      %parallel_loop3A_731 = arith.index_cast %parallel_loop3A_730 : i32 to index
      %parallel_loop3A_732 = arith.index_cast %parallel_loop3A_664 : i32 to index
      %parallel_loop3A_733 = arith.constant 80 : index
      %parallel_loop3A_734 = tpu.vector_load %arg7[%parallel_loop3A_731, %parallel_loop3A_732, %parallel_loop3A_733] {strides = array<i32>} : memref<3x128x128xf32, #tpu.memory_space<vmem>>, vector<1x1x16xf32>,
      %parallel_loop3A_735 = vector.shape_cast %parallel_loop3A_734 : vector<1x1x16xf32> to vector<16xf32>
      %parallel_loop3A_736 = arith.constant 2 : i32
      %parallel_loop3A_737 = arith.index_cast %parallel_loop3A_736 : i32 to index
      %parallel_loop3A_738 = arith.index_cast %parallel_loop3A_664 : i32 to index
      %parallel_loop3A_739 = arith.constant 80 : index
      %parallel_loop3A_740 = tpu.vector_load %arg8[%parallel_loop3A_737, %parallel_loop3A_738, %parallel_loop3A_739] {strides = array<i32>} : memref<3x128x128xf32, #tpu.memory_space<vmem>>, vector<1x1x16xf32>,
      %parallel_loop3A_741 = vector.shape_cast %parallel_loop3A_740 : vector<1x1x16xf32> to vector<16xf32>
      %parallel_loop3A_742 = vector.shape_cast %parallel_loop3A_735 : vector<16xf32> to vector<1x1x16xf32>
      tpu.vector_store %arg8[%parallel_loop3A_737, %parallel_loop3A_738, %parallel_loop3A_739], %parallel_loop3A_742 {add = true, strides = array<i32>} : memref<3x128x128xf32, #tpu.memory_space<vmem>>, vector<1x1x16xf32>,
      %parallel_loop3A_743 = arith.constant 2 : i32
      %parallel_loop3A_744 = arith.index_cast %parallel_loop3A_743 : i32 to index
      %parallel_loop3A_745 = arith.index_cast %parallel_loop3A_664 : i32 to index
      %parallel_loop3A_746 = arith.constant 96 : index
      %parallel_loop3A_747 = tpu.vector_load %arg7[%parallel_loop3A_744, %parallel_loop3A_745, %parallel_loop3A_746] {strides = array<i32>} : memref<3x128x128xf32, #tpu.memory_space<vmem>>, vector<1x1x16xf32>,
      %parallel_loop3A_748 = vector.shape_cast %parallel_loop3A_747 : vector<1x1x16xf32> to vector<16xf32>
      %parallel_loop3A_749 = arith.constant 2 : i32
      %parallel_loop3A_750 = arith.index_cast %parallel_loop3A_749 : i32 to index
      %parallel_loop3A_751 = arith.index_cast %parallel_loop3A_664 : i32 to index
      %parallel_loop3A_752 = arith.constant 96 : index
      %parallel_loop3A_753 = tpu.vector_load %arg8[%parallel_loop3A_750, %parallel_loop3A_751, %parallel_loop3A_752] {strides = array<i32>} : memref<3x128x128xf32, #tpu.memory_space<vmem>>, vector<1x1x16xf32>,
      %parallel_loop3A_754 = vector.shape_cast %parallel_loop3A_753 : vector<1x1x16xf32> to vector<16xf32>
      %parallel_loop3A_755 = vector.shape_cast %parallel_loop3A_748 : vector<16xf32> to vector<1x1x16xf32>
      tpu.vector_store %arg8[%parallel_loop3A_750, %parallel_loop3A_751, %parallel_loop3A_752], %parallel_loop3A_755 {add = true, strides = array<i32>} : memref<3x128x128xf32, #tpu.memory_space<vmem>>, vector<1x1x16xf32>,
      %parallel_loop3A_756 = arith.constant 2 : i32
      %parallel_loop3A_757 = arith.index_cast %parallel_loop3A_756 : i32 to index
      %parallel_loop3A_758 = arith.index_cast %parallel_loop3A_664 : i32 to index
      %parallel_loop3A_759 = arith.constant 112 : index
      %parallel_loop3A_760 = tpu.vector_load %arg7[%parallel_loop3A_757, %parallel_loop3A_758, %parallel_loop3A_759] {strides = array<i32>} : memref<3x128x128xf32, #tpu.memory_space<vmem>>, vector<1x1x16xf32>,
      %parallel_loop3A_761 = vector.shape_cast %parallel_loop3A_760 : vector<1x1x16xf32> to vector<16xf32>
      %parallel_loop3A_762 = arith.constant 2 : i32
      %parallel_loop3A_763 = arith.index_cast %parallel_loop3A_762 : i32 to index
      %parallel_loop3A_764 = arith.index_cast %parallel_loop3A_664 : i32 to index
      %parallel_loop3A_765 = arith.constant 112 : index
      %parallel_loop3A_766 = tpu.vector_load %arg8[%parallel_loop3A_763, %parallel_loop3A_764, %parallel_loop3A_765] {strides = array<i32>} : memref<3x128x128xf32, #tpu.memory_space<vmem>>, vector<1x1x16xf32>,
      %parallel_loop3A_767 = vector.shape_cast %parallel_loop3A_766 : vector<1x1x16xf32> to vector<16xf32>
      %parallel_loop3A_768 = vector.shape_cast %parallel_loop3A_761 : vector<16xf32> to vector<1x1x16xf32>
      tpu.vector_store %arg8[%parallel_loop3A_763, %parallel_loop3A_764, %parallel_loop3A_765], %parallel_loop3A_768 {add = true, strides = array<i32>} : memref<3x128x128xf32, #tpu.memory_space<vmem>>, vector<1x1x16xf32>,
    } {sc.loop_unroll_factor = 2 : i64, sc.parallel_access}
    %add3A_388 = arith.constant 256 : i32
    %add3A_389 = arith.addi %mul3A_2, %add3A_388 : i32
    %add3A_390 = arith.constant 0 : i32
    %add3A_391 = arith.addi %add3A_389, %add3A_390 : i32
    %dma_start3A_392 = arith.constant 2 : i32
    %dma_start3A_393 = arith.constant 2 : i32
    %dma_start3A_394 = arith.constant 0 : i32
    %dma_start3A_395 = arith.constant 0 : i32
    %dma_start3A_396 = tpu.memref_slice %arg8[%dma_start3A_392, %dma_start3A_394, %dma_start3A_395] : memref<3x128x128xf32, #tpu.memory_space<vmem>> -> memref<1x128x128xf32, #tpu.memory_space<vmem>>
    %dma_start3A_397 = tpu.memref_squeeze %dma_start3A_396 : memref<1x128x128xf32, #tpu.memory_space<vmem>> -> memref<128x128xf32, #tpu.memory_space<vmem>>
    %dma_start3A_398 = arith.constant 0 : i32
    %dma_start3A_399 = arith.constant 0 : i32
    %dma_start3A_400 = tpu.memref_slice %dma_start3A_397[%dma_start3A_398, %dma_start3A_399] : memref<128x128xf32, #tpu.memory_space<vmem>> -> memref<64x128xf32, #tpu.memory_space<vmem>>
    %dma_start3A_401 = arith.constant 0 : i32
    %dma_start3A_402 = tpu.memref_slice %arg5[%add3A_391, %dma_start3A_401] : memref<16384x128xf32, #tpu.memory_space<hbm>> -> memref<64x128xf32, #tpu.memory_space<hbm>>
    %dma_start3A_403 = tpu.memref_slice %arg11[%dma_start3A_393] : memref<3x!tpu.dma_semaphore, #tpu.memory_space<semaphore_mem>> -> memref<1x!tpu.dma_semaphore, #tpu.memory_space<semaphore_mem>>
    %dma_start3A_404 = tpu.memref_squeeze %dma_start3A_403 : memref<1x!tpu.dma_semaphore, #tpu.memory_space<semaphore_mem>> -> memref<!tpu.dma_semaphore, #tpu.memory_space<semaphore_mem>>
    %dma_start3A_405 = arith.constant 0 : i32
    %dma_start3A_406 = tpu.memref_slice %arg5[%add3A_391, %dma_start3A_405] : memref<16384x128xf32, #tpu.memory_space<hbm>> -> memref<64x128xf32, #tpu.memory_space<hbm>>
    %dma_start3A_407 = arith.constant 0 : i32
    %dma_start3A_408 = arith.constant 0 : i32
    %dma_start3A_409 = tpu.memref_slice %arg8[%dma_start3A_392, %dma_start3A_407, %dma_start3A_408] : memref<3x128x128xf32, #tpu.memory_space<vmem>> -> memref<1x128x128xf32, #tpu.memory_space<vmem>>
    %dma_start3A_410 = tpu.memref_squeeze %dma_start3A_409 : memref<1x128x128xf32, #tpu.memory_space<vmem>> -> memref<128x128xf32, #tpu.memory_space<vmem>>
    %dma_start3A_411 = arith.constant 0 : i32
    %dma_start3A_412 = arith.constant 0 : i32
    %dma_start3A_413 = tpu.memref_slice %dma_start3A_410[%dma_start3A_411, %dma_start3A_412] : memref<128x128xf32, #tpu.memory_space<vmem>> -> memref<64x128xf32, #tpu.memory_space<vmem>>
    tpu.enqueue_dma source(%dma_start3A_413 : memref<64x128xf32, #tpu.memory_space<vmem>>) target(%dma_start3A_406 : memref<64x128xf32, #tpu.memory_space<hbm>>) target_semaphore(%dma_start3A_404 : memref<!tpu.dma_semaphore, #tpu.memory_space<semaphore_mem>>)
    %parallel_loop3A_414 = arith.constant 64 : i32
    %parallel_loop3A_415 = arith.constant 128 : i32
    %parallel_loop3A_416 = arith.constant 1 : i32
    scf.for %parallel_loop3A_664 = %parallel_loop3A_414 to %parallel_loop3A_415 step %parallel_loop3A_416  : i32 {
      %parallel_loop3A_665 = arith.constant 2 : i32
      %parallel_loop3A_666 = arith.index_cast %parallel_loop3A_665 : i32 to index
      %parallel_loop3A_667 = arith.index_cast %parallel_loop3A_664 : i32 to index
      %parallel_loop3A_668 = arith.constant 0 : index
      %parallel_loop3A_669 = tpu.vector_load %arg7[%parallel_loop3A_666, %parallel_loop3A_667, %parallel_loop3A_668] {strides = array<i32>} : memref<3x128x128xf32, #tpu.memory_space<vmem>>, vector<1x1x16xf32>,
      %parallel_loop3A_670 = vector.shape_cast %parallel_loop3A_669 : vector<1x1x16xf32> to vector<16xf32>
      %parallel_loop3A_671 = arith.constant 2 : i32
      %parallel_loop3A_672 = arith.index_cast %parallel_loop3A_671 : i32 to index
      %parallel_loop3A_673 = arith.index_cast %parallel_loop3A_664 : i32 to index
      %parallel_loop3A_674 = arith.constant 0 : index
      %parallel_loop3A_675 = tpu.vector_load %arg8[%parallel_loop3A_672, %parallel_loop3A_673, %parallel_loop3A_674] {strides = array<i32>} : memref<3x128x128xf32, #tpu.memory_space<vmem>>, vector<1x1x16xf32>,
      %parallel_loop3A_676 = vector.shape_cast %parallel_loop3A_675 : vector<1x1x16xf32> to vector<16xf32>
      %parallel_loop3A_677 = vector.shape_cast %parallel_loop3A_670 : vector<16xf32> to vector<1x1x16xf32>
      tpu.vector_store %arg8[%parallel_loop3A_672, %parallel_loop3A_673, %parallel_loop3A_674], %parallel_loop3A_677 {add = true, strides = array<i32>} : memref<3x128x128xf32, #tpu.memory_space<vmem>>, vector<1x1x16xf32>,
      %parallel_loop3A_678 = arith.constant 2 : i32
      %parallel_loop3A_679 = arith.index_cast %parallel_loop3A_678 : i32 to index
      %parallel_loop3A_680 = arith.index_cast %parallel_loop3A_664 : i32 to index
      %parallel_loop3A_681 = arith.constant 16 : index
      %parallel_loop3A_682 = tpu.vector_load %arg7[%parallel_loop3A_679, %parallel_loop3A_680, %parallel_loop3A_681] {strides = array<i32>} : memref<3x128x128xf32, #tpu.memory_space<vmem>>, vector<1x1x16xf32>,
      %parallel_loop3A_683 = vector.shape_cast %parallel_loop3A_682 : vector<1x1x16xf32> to vector<16xf32>
      %parallel_loop3A_684 = arith.constant 2 : i32
      %parallel_loop3A_685 = arith.index_cast %parallel_loop3A_684 : i32 to index
      %parallel_loop3A_686 = arith.index_cast %parallel_loop3A_664 : i32 to index
      %parallel_loop3A_687 = arith.constant 16 : index
      %parallel_loop3A_688 = tpu.vector_load %arg8[%parallel_loop3A_685, %parallel_loop3A_686, %parallel_loop3A_687] {strides = array<i32>} : memref<3x128x128xf32, #tpu.memory_space<vmem>>, vector<1x1x16xf32>,
      %parallel_loop3A_689 = vector.shape_cast %parallel_loop3A_688 : vector<1x1x16xf32> to vector<16xf32>
      %parallel_loop3A_690 = vector.shape_cast %parallel_loop3A_683 : vector<16xf32> to vector<1x1x16xf32>
      tpu.vector_store %arg8[%parallel_loop3A_685, %parallel_loop3A_686, %parallel_loop3A_687], %parallel_loop3A_690 {add = true, strides = array<i32>} : memref<3x128x128xf32, #tpu.memory_space<vmem>>, vector<1x1x16xf32>,
      %parallel_loop3A_691 = arith.constant 2 : i32
      %parallel_loop3A_692 = arith.index_cast %parallel_loop3A_691 : i32 to index
      %parallel_loop3A_693 = arith.index_cast %parallel_loop3A_664 : i32 to index
      %parallel_loop3A_694 = arith.constant 32 : index
      %parallel_loop3A_695 = tpu.vector_load %arg7[%parallel_loop3A_692, %parallel_loop3A_693, %parallel_loop3A_694] {strides = array<i32>} : memref<3x128x128xf32, #tpu.memory_space<vmem>>, vector<1x1x16xf32>,
      %parallel_loop3A_696 = vector.shape_cast %parallel_loop3A_695 : vector<1x1x16xf32> to vector<16xf32>
      %parallel_loop3A_697 = arith.constant 2 : i32
      %parallel_loop3A_698 = arith.index_cast %parallel_loop3A_697 : i32 to index
      %parallel_loop3A_699 = arith.index_cast %parallel_loop3A_664 : i32 to index
      %parallel_loop3A_700 = arith.constant 32 : index
      %parallel_loop3A_701 = tpu.vector_load %arg8[%parallel_loop3A_698, %parallel_loop3A_699, %parallel_loop3A_700] {strides = array<i32>} : memref<3x128x128xf32, #tpu.memory_space<vmem>>, vector<1x1x16xf32>,
      %parallel_loop3A_702 = vector.shape_cast %parallel_loop3A_701 : vector<1x1x16xf32> to vector<16xf32>
      %parallel_loop3A_703 = vector.shape_cast %parallel_loop3A_696 : vector<16xf32> to vector<1x1x16xf32>
      tpu.vector_store %arg8[%parallel_loop3A_698, %parallel_loop3A_699, %parallel_loop3A_700], %parallel_loop3A_703 {add = true, strides = array<i32>} : memref<3x128x128xf32, #tpu.memory_space<vmem>>, vector<1x1x16xf32>,
      %parallel_loop3A_704 = arith.constant 2 : i32
      %parallel_loop3A_705 = arith.index_cast %parallel_loop3A_704 : i32 to index
      %parallel_loop3A_706 = arith.index_cast %parallel_loop3A_664 : i32 to index
      %parallel_loop3A_707 = arith.constant 48 : index
      %parallel_loop3A_708 = tpu.vector_load %arg7[%parallel_loop3A_705, %parallel_loop3A_706, %parallel_loop3A_707] {strides = array<i32>} : memref<3x128x128xf32, #tpu.memory_space<vmem>>, vector<1x1x16xf32>,
      %parallel_loop3A_709 = vector.shape_cast %parallel_loop3A_708 : vector<1x1x16xf32> to vector<16xf32>
      %parallel_loop3A_710 = arith.constant 2 : i32
      %parallel_loop3A_711 = arith.index_cast %parallel_loop3A_710 : i32 to index
      %parallel_loop3A_712 = arith.index_cast %parallel_loop3A_664 : i32 to index
      %parallel_loop3A_713 = arith.constant 48 : index
      %parallel_loop3A_714 = tpu.vector_load %arg8[%parallel_loop3A_711, %parallel_loop3A_712, %parallel_loop3A_713] {strides = array<i32>} : memref<3x128x128xf32, #tpu.memory_space<vmem>>, vector<1x1x16xf32>,
      %parallel_loop3A_715 = vector.shape_cast %parallel_loop3A_714 : vector<1x1x16xf32> to vector<16xf32>
      %parallel_loop3A_716 = vector.shape_cast %parallel_loop3A_709 : vector<16xf32> to vector<1x1x16xf32>
      tpu.vector_store %arg8[%parallel_loop3A_711, %parallel_loop3A_712, %parallel_loop3A_713], %parallel_loop3A_716 {add = true, strides = array<i32>} : memref<3x128x128xf32, #tpu.memory_space<vmem>>, vector<1x1x16xf32>,
      %parallel_loop3A_717 = arith.constant 2 : i32
      %parallel_loop3A_718 = arith.index_cast %parallel_loop3A_717 : i32 to index
      %parallel_loop3A_719 = arith.index_cast %parallel_loop3A_664 : i32 to index
      %parallel_loop3A_720 = arith.constant 64 : index
      %parallel_loop3A_721 = tpu.vector_load %arg7[%parallel_loop3A_718, %parallel_loop3A_719, %parallel_loop3A_720] {strides = array<i32>} : memref<3x128x128xf32, #tpu.memory_space<vmem>>, vector<1x1x16xf32>,
      %parallel_loop3A_722 = vector.shape_cast %parallel_loop3A_721 : vector<1x1x16xf32> to vector<16xf32>
      %parallel_loop3A_723 = arith.constant 2 : i32
      %parallel_loop3A_724 = arith.index_cast %parallel_loop3A_723 : i32 to index
      %parallel_loop3A_725 = arith.index_cast %parallel_loop3A_664 : i32 to index
      %parallel_loop3A_726 = arith.constant 64 : index
      %parallel_loop3A_727 = tpu.vector_load %arg8[%parallel_loop3A_724, %parallel_loop3A_725, %parallel_loop3A_726] {strides = array<i32>} : memref<3x128x128xf32, #tpu.memory_space<vmem>>, vector<1x1x16xf32>,
      %parallel_loop3A_728 = vector.shape_cast %parallel_loop3A_727 : vector<1x1x16xf32> to vector<16xf32>
      %parallel_loop3A_729 = vector.shape_cast %parallel_loop3A_722 : vector<16xf32> to vector<1x1x16xf32>
      tpu.vector_store %arg8[%parallel_loop3A_724, %parallel_loop3A_725, %parallel_loop3A_726], %parallel_loop3A_729 {add = true, strides = array<i32>} : memref<3x128x128xf32, #tpu.memory_space<vmem>>, vector<1x1x16xf32>,
      %parallel_loop3A_730 = arith.constant 2 : i32
      %parallel_loop3A_731 = arith.index_cast %parallel_loop3A_730 : i32 to index
      %parallel_loop3A_732 = arith.index_cast %parallel_loop3A_664 : i32 to index
      %parallel_loop3A_733 = arith.constant 80 : index
      %parallel_loop3A_734 = tpu.vector_load %arg7[%parallel_loop3A_731, %parallel_loop3A_732, %parallel_loop3A_733] {strides = array<i32>} : memref<3x128x128xf32, #tpu.memory_space<vmem>>, vector<1x1x16xf32>,
      %parallel_loop3A_735 = vector.shape_cast %parallel_loop3A_734 : vector<1x1x16xf32> to vector<16xf32>
      %parallel_loop3A_736 = arith.constant 2 : i32
      %parallel_loop3A_737 = arith.index_cast %parallel_loop3A_736 : i32 to index
      %parallel_loop3A_738 = arith.index_cast %parallel_loop3A_664 : i32 to index
      %parallel_loop3A_739 = arith.constant 80 : index
      %parallel_loop3A_740 = tpu.vector_load %arg8[%parallel_loop3A_737, %parallel_loop3A_738, %parallel_loop3A_739] {strides = array<i32>} : memref<3x128x128xf32, #tpu.memory_space<vmem>>, vector<1x1x16xf32>,
      %parallel_loop3A_741 = vector.shape_cast %parallel_loop3A_740 : vector<1x1x16xf32> to vector<16xf32>
      %parallel_loop3A_742 = vector.shape_cast %parallel_loop3A_735 : vector<16xf32> to vector<1x1x16xf32>
      tpu.vector_store %arg8[%parallel_loop3A_737, %parallel_loop3A_738, %parallel_loop3A_739], %parallel_loop3A_742 {add = true, strides = array<i32>} : memref<3x128x128xf32, #tpu.memory_space<vmem>>, vector<1x1x16xf32>,
      %parallel_loop3A_743 = arith.constant 2 : i32
      %parallel_loop3A_744 = arith.index_cast %parallel_loop3A_743 : i32 to index
      %parallel_loop3A_745 = arith.index_cast %parallel_loop3A_664 : i32 to index
      %parallel_loop3A_746 = arith.constant 96 : index
      %parallel_loop3A_747 = tpu.vector_load %arg7[%parallel_loop3A_744, %parallel_loop3A_745, %parallel_loop3A_746] {strides = array<i32>} : memref<3x128x128xf32, #tpu.memory_space<vmem>>, vector<1x1x16xf32>,
      %parallel_loop3A_748 = vector.shape_cast %parallel_loop3A_747 : vector<1x1x16xf32> to vector<16xf32>
      %parallel_loop3A_749 = arith.constant 2 : i32
      %parallel_loop3A_750 = arith.index_cast %parallel_loop3A_749 : i32 to index
      %parallel_loop3A_751 = arith.index_cast %parallel_loop3A_664 : i32 to index
      %parallel_loop3A_752 = arith.constant 96 : index
      %parallel_loop3A_753 = tpu.vector_load %arg8[%parallel_loop3A_750, %parallel_loop3A_751, %parallel_loop3A_752] {strides = array<i32>} : memref<3x128x128xf32, #tpu.memory_space<vmem>>, vector<1x1x16xf32>,
      %parallel_loop3A_754 = vector.shape_cast %parallel_loop3A_753 : vector<1x1x16xf32> to vector<16xf32>
      %parallel_loop3A_755 = vector.shape_cast %parallel_loop3A_748 : vector<16xf32> to vector<1x1x16xf32>
      tpu.vector_store %arg8[%parallel_loop3A_750, %parallel_loop3A_751, %parallel_loop3A_752], %parallel_loop3A_755 {add = true, strides = array<i32>} : memref<3x128x128xf32, #tpu.memory_space<vmem>>, vector<1x1x16xf32>,
      %parallel_loop3A_756 = arith.constant 2 : i32
      %parallel_loop3A_757 = arith.index_cast %parallel_loop3A_756 : i32 to index
      %parallel_loop3A_758 = arith.index_cast %parallel_loop3A_664 : i32 to index
      %parallel_loop3A_759 = arith.constant 112 : index
      %parallel_loop3A_760 = tpu.vector_load %arg7[%parallel_loop3A_757, %parallel_loop3A_758, %parallel_loop3A_759] {strides = array<i32>} : memref<3x128x128xf32, #tpu.memory_space<vmem>>, vector<1x1x16xf32>,
      %parallel_loop3A_761 = vector.shape_cast %parallel_loop3A_760 : vector<1x1x16xf32> to vector<16xf32>
      %parallel_loop3A_762 = arith.constant 2 : i32
      %parallel_loop3A_763 = arith.index_cast %parallel_loop3A_762 : i32 to index
      %parallel_loop3A_764 = arith.index_cast %parallel_loop3A_664 : i32 to index
      %parallel_loop3A_765 = arith.constant 112 : index
      %parallel_loop3A_766 = tpu.vector_load %arg8[%parallel_loop3A_763, %parallel_loop3A_764, %parallel_loop3A_765] {strides = array<i32>} : memref<3x128x128xf32, #tpu.memory_space<vmem>>, vector<1x1x16xf32>,
      %parallel_loop3A_767 = vector.shape_cast %parallel_loop3A_766 : vector<1x1x16xf32> to vector<16xf32>
      %parallel_loop3A_768 = vector.shape_cast %parallel_loop3A_761 : vector<16xf32> to vector<1x1x16xf32>
      tpu.vector_store %arg8[%parallel_loop3A_763, %parallel_loop3A_764, %parallel_loop3A_765], %parallel_loop3A_768 {add = true, strides = array<i32>} : memref<3x128x128xf32, #tpu.memory_space<vmem>>, vector<1x1x16xf32>,
    } {sc.loop_unroll_factor = 2 : i64, sc.parallel_access}
    %add3A_417 = arith.constant 256 : i32
    %add3A_418 = arith.addi %mul3A_2, %add3A_417 : i32
    %add3A_419 = arith.constant 64 : i32
    %add3A_420 = arith.addi %add3A_418, %add3A_419 : i32
    %dma_start3A_421 = arith.constant 2 : i32
    %dma_start3A_422 = arith.constant 2 : i32
    %dma_start3A_423 = arith.constant 0 : i32
    %dma_start3A_424 = arith.constant 0 : i32
    %dma_start3A_425 = tpu.memref_slice %arg8[%dma_start3A_421, %dma_start3A_423, %dma_start3A_424] : memref<3x128x128xf32, #tpu.memory_space<vmem>> -> memref<1x128x128xf32, #tpu.memory_space<vmem>>
    %dma_start3A_426 = tpu.memref_squeeze %dma_start3A_425 : memref<1x128x128xf32, #tpu.memory_space<vmem>> -> memref<128x128xf32, #tpu.memory_space<vmem>>
    %dma_start3A_427 = arith.constant 64 : i32
    %dma_start3A_428 = arith.constant 0 : i32
    %dma_start3A_429 = tpu.memref_slice %dma_start3A_426[%dma_start3A_427, %dma_start3A_428] : memref<128x128xf32, #tpu.memory_space<vmem>> -> memref<64x128xf32, #tpu.memory_space<vmem>>
    %dma_start3A_430 = arith.constant 0 : i32
    %dma_start3A_431 = tpu.memref_slice %arg5[%add3A_420, %dma_start3A_430] : memref<16384x128xf32, #tpu.memory_space<hbm>> -> memref<64x128xf32, #tpu.memory_space<hbm>>
    %dma_start3A_432 = tpu.memref_slice %arg11[%dma_start3A_422] : memref<3x!tpu.dma_semaphore, #tpu.memory_space<semaphore_mem>> -> memref<1x!tpu.dma_semaphore, #tpu.memory_space<semaphore_mem>>
    %dma_start3A_433 = tpu.memref_squeeze %dma_start3A_432 : memref<1x!tpu.dma_semaphore, #tpu.memory_space<semaphore_mem>> -> memref<!tpu.dma_semaphore, #tpu.memory_space<semaphore_mem>>
    %dma_start3A_434 = arith.constant 0 : i32
    %dma_start3A_435 = tpu.memref_slice %arg5[%add3A_420, %dma_start3A_434] : memref<16384x128xf32, #tpu.memory_space<hbm>> -> memref<64x128xf32, #tpu.memory_space<hbm>>
    %dma_start3A_436 = arith.constant 0 : i32
    %dma_start3A_437 = arith.constant 0 : i32
    %dma_start3A_438 = tpu.memref_slice %arg8[%dma_start3A_421, %dma_start3A_436, %dma_start3A_437] : memref<3x128x128xf32, #tpu.memory_space<vmem>> -> memref<1x128x128xf32, #tpu.memory_space<vmem>>
    %dma_start3A_439 = tpu.memref_squeeze %dma_start3A_438 : memref<1x128x128xf32, #tpu.memory_space<vmem>> -> memref<128x128xf32, #tpu.memory_space<vmem>>
    %dma_start3A_440 = arith.constant 64 : i32
    %dma_start3A_441 = arith.constant 0 : i32
    %dma_start3A_442 = tpu.memref_slice %dma_start3A_439[%dma_start3A_440, %dma_start3A_441] : memref<128x128xf32, #tpu.memory_space<vmem>> -> memref<64x128xf32, #tpu.memory_space<vmem>>
    tpu.enqueue_dma source(%dma_start3A_442 : memref<64x128xf32, #tpu.memory_space<vmem>>) target(%dma_start3A_435 : memref<64x128xf32, #tpu.memory_space<hbm>>) target_semaphore(%dma_start3A_433 : memref<!tpu.dma_semaphore, #tpu.memory_space<semaphore_mem>>)
    %dma_wait3A_443 = arith.constant 3 : i32
    %dma_wait3A_444 = arith.constant 0 : i32
    %dma_wait3A_445 = arith.constant 0 : i32
    %dma_wait3A_446 = arith.constant 0 : i32
    %dma_wait3A_447 = arith.constant 0 : i32
    %dma_wait3A_448 = tpu.memref_slice %arg7[%dma_wait3A_444, %dma_wait3A_446, %dma_wait3A_447] : memref<3x128x128xf32, #tpu.memory_space<vmem>> -> memref<1x128x128xf32, #tpu.memory_space<vmem>>
    %dma_wait3A_449 = tpu.memref_squeeze %dma_wait3A_448 : memref<1x128x128xf32, #tpu.memory_space<vmem>> -> memref<128x128xf32, #tpu.memory_space<vmem>>
    %dma_wait3A_450 = arith.constant 0 : i32
    %dma_wait3A_451 = tpu.memref_slice %arg6[%dma_wait3A_443, %dma_wait3A_450] : memref<4x128xi32, #tpu.memory_space<vmem>> -> memref<1x128xi32, #tpu.memory_space<vmem>>
    %dma_wait3A_452 = tpu.memref_squeeze %dma_wait3A_451 : memref<1x128xi32, #tpu.memory_space<vmem>> -> memref<128xi32, #tpu.memory_space<vmem>>
    %dma_wait3A_453 = arith.constant 0 : i32
    %dma_wait3A_454 = arith.constant 0 : i32
    %dma_wait3A_455 = tpu.memref_slice %arg4[%dma_wait3A_453, %dma_wait3A_454] : memref<100000x128xf32, #tpu.memory_space<hbm>> -> memref<100000x128xf32, #tpu.memory_space<hbm>>
    %dma_wait3A_456 = tpu.memref_slice %arg9[%dma_wait3A_445] : memref<3x!tpu.dma_semaphore, #tpu.memory_space<semaphore_mem>> -> memref<1x!tpu.dma_semaphore, #tpu.memory_space<semaphore_mem>>
    %dma_wait3A_457 = tpu.memref_squeeze %dma_wait3A_456 : memref<1x!tpu.dma_semaphore, #tpu.memory_space<semaphore_mem>> -> memref<!tpu.dma_semaphore, #tpu.memory_space<semaphore_mem>>
    tpu.wait_indirect_dma semaphore(%dma_wait3A_457 : memref<!tpu.dma_semaphore, #tpu.memory_space<semaphore_mem>>) src(%dma_wait3A_455 : memref<100000x128xf32, #tpu.memory_space<hbm>>) dst(%dma_wait3A_449 : memref<128x128xf32, #tpu.memory_space<vmem>>)
    %dma_wait3A_458 = arith.constant 0 : i32
    %dma_wait3A_459 = arith.constant 0 : i32
    %dma_wait3A_460 = arith.constant 0 : i32
    %dma_wait3A_461 = arith.constant 0 : i32
    %dma_wait3A_462 = tpu.memref_slice %arg8[%dma_wait3A_458, %dma_wait3A_460, %dma_wait3A_461] : memref<3x128x128xf32, #tpu.memory_space<vmem>> -> memref<1x128x128xf32, #tpu.memory_space<vmem>>
    %dma_wait3A_463 = tpu.memref_squeeze %dma_wait3A_462 : memref<1x128x128xf32, #tpu.memory_space<vmem>> -> memref<128x128xf32, #tpu.memory_space<vmem>>
    %dma_wait3A_464 = arith.constant 0 : i32
    %dma_wait3A_465 = tpu.memref_slice %arg2[%add3A_248, %dma_wait3A_464] : memref<16384x128xf32, #tpu.memory_space<hbm>> -> memref<128x128xf32, #tpu.memory_space<hbm>>
    %dma_wait3A_466 = tpu.memref_slice %arg10[%dma_wait3A_459] : memref<3x!tpu.dma_semaphore, #tpu.memory_space<semaphore_mem>> -> memref<1x!tpu.dma_semaphore, #tpu.memory_space<semaphore_mem>>
    %dma_wait3A_467 = tpu.memref_squeeze %dma_wait3A_466 : memref<1x!tpu.dma_semaphore, #tpu.memory_space<semaphore_mem>> -> memref<!tpu.dma_semaphore, #tpu.memory_space<semaphore_mem>>
    %dma_wait3A_468 = arith.constant 0 : i32
    %dma_wait3A_469 = arith.constant 0 : i32
    %dma_wait3A_470 = tpu.memref_slice %arg8[%dma_wait3A_458, %dma_wait3A_468, %dma_wait3A_469] : memref<3x128x128xf32, #tpu.memory_space<vmem>> -> memref<1x128x128xf32, #tpu.memory_space<vmem>>
    %dma_wait3A_471 = tpu.memref_squeeze %dma_wait3A_470 : memref<1x128x128xf32, #tpu.memory_space<vmem>> -> memref<128x128xf32, #tpu.memory_space<vmem>>
    %dma_wait3A_472 = arith.constant 0 : i32
    %dma_wait3A_473 = tpu.memref_slice %arg2[%add3A_248, %dma_wait3A_472] : memref<16384x128xf32, #tpu.memory_space<hbm>> -> memref<128x128xf32, #tpu.memory_space<hbm>>
    tpu.wait_dma2 semaphore(%dma_wait3A_467 : memref<!tpu.dma_semaphore, #tpu.memory_space<semaphore_mem>>) src(%dma_wait3A_473 : memref<128x128xf32, #tpu.memory_space<hbm>>) dst(%dma_wait3A_471 : memref<128x128xf32, #tpu.memory_space<vmem>>)
    %parallel_loop3A_474 = arith.constant 0 : i32
    %parallel_loop3A_475 = arith.constant 64 : i32
    %parallel_loop3A_476 = arith.constant 1 : i32
    scf.for %parallel_loop3A_664 = %parallel_loop3A_474 to %parallel_loop3A_475 step %parallel_loop3A_476  : i32 {
      %parallel_loop3A_665 = arith.constant 0 : i32
      %parallel_loop3A_666 = arith.index_cast %parallel_loop3A_665 : i32 to index
      %parallel_loop3A_667 = arith.index_cast %parallel_loop3A_664 : i32 to index
      %parallel_loop3A_668 = arith.constant 0 : index
      %parallel_loop3A_669 = tpu.vector_load %arg7[%parallel_loop3A_666, %parallel_loop3A_667, %parallel_loop3A_668] {strides = array<i32>} : memref<3x128x128xf32, #tpu.memory_space<vmem>>, vector<1x1x16xf32>,
      %parallel_loop3A_670 = vector.shape_cast %parallel_loop3A_669 : vector<1x1x16xf32> to vector<16xf32>
      %parallel_loop3A_671 = arith.constant 0 : i32
      %parallel_loop3A_672 = arith.index_cast %parallel_loop3A_671 : i32 to index
      %parallel_loop3A_673 = arith.index_cast %parallel_loop3A_664 : i32 to index
      %parallel_loop3A_674 = arith.constant 0 : index
      %parallel_loop3A_675 = tpu.vector_load %arg8[%parallel_loop3A_672, %parallel_loop3A_673, %parallel_loop3A_674] {strides = array<i32>} : memref<3x128x128xf32, #tpu.memory_space<vmem>>, vector<1x1x16xf32>,
      %parallel_loop3A_676 = vector.shape_cast %parallel_loop3A_675 : vector<1x1x16xf32> to vector<16xf32>
      %parallel_loop3A_677 = vector.shape_cast %parallel_loop3A_670 : vector<16xf32> to vector<1x1x16xf32>
      tpu.vector_store %arg8[%parallel_loop3A_672, %parallel_loop3A_673, %parallel_loop3A_674], %parallel_loop3A_677 {add = true, strides = array<i32>} : memref<3x128x128xf32, #tpu.memory_space<vmem>>, vector<1x1x16xf32>,
      %parallel_loop3A_678 = arith.constant 0 : i32
      %parallel_loop3A_679 = arith.index_cast %parallel_loop3A_678 : i32 to index
      %parallel_loop3A_680 = arith.index_cast %parallel_loop3A_664 : i32 to index
      %parallel_loop3A_681 = arith.constant 16 : index
      %parallel_loop3A_682 = tpu.vector_load %arg7[%parallel_loop3A_679, %parallel_loop3A_680, %parallel_loop3A_681] {strides = array<i32>} : memref<3x128x128xf32, #tpu.memory_space<vmem>>, vector<1x1x16xf32>,
      %parallel_loop3A_683 = vector.shape_cast %parallel_loop3A_682 : vector<1x1x16xf32> to vector<16xf32>
      %parallel_loop3A_684 = arith.constant 0 : i32
      %parallel_loop3A_685 = arith.index_cast %parallel_loop3A_684 : i32 to index
      %parallel_loop3A_686 = arith.index_cast %parallel_loop3A_664 : i32 to index
      %parallel_loop3A_687 = arith.constant 16 : index
      %parallel_loop3A_688 = tpu.vector_load %arg8[%parallel_loop3A_685, %parallel_loop3A_686, %parallel_loop3A_687] {strides = array<i32>} : memref<3x128x128xf32, #tpu.memory_space<vmem>>, vector<1x1x16xf32>,
      %parallel_loop3A_689 = vector.shape_cast %parallel_loop3A_688 : vector<1x1x16xf32> to vector<16xf32>
      %parallel_loop3A_690 = vector.shape_cast %parallel_loop3A_683 : vector<16xf32> to vector<1x1x16xf32>
      tpu.vector_store %arg8[%parallel_loop3A_685, %parallel_loop3A_686, %parallel_loop3A_687], %parallel_loop3A_690 {add = true, strides = array<i32>} : memref<3x128x128xf32, #tpu.memory_space<vmem>>, vector<1x1x16xf32>,
      %parallel_loop3A_691 = arith.constant 0 : i32
      %parallel_loop3A_692 = arith.index_cast %parallel_loop3A_691 : i32 to index
      %parallel_loop3A_693 = arith.index_cast %parallel_loop3A_664 : i32 to index
      %parallel_loop3A_694 = arith.constant 32 : index
      %parallel_loop3A_695 = tpu.vector_load %arg7[%parallel_loop3A_692, %parallel_loop3A_693, %parallel_loop3A_694] {strides = array<i32>} : memref<3x128x128xf32, #tpu.memory_space<vmem>>, vector<1x1x16xf32>,
      %parallel_loop3A_696 = vector.shape_cast %parallel_loop3A_695 : vector<1x1x16xf32> to vector<16xf32>
      %parallel_loop3A_697 = arith.constant 0 : i32
      %parallel_loop3A_698 = arith.index_cast %parallel_loop3A_697 : i32 to index
      %parallel_loop3A_699 = arith.index_cast %parallel_loop3A_664 : i32 to index
      %parallel_loop3A_700 = arith.constant 32 : index
      %parallel_loop3A_701 = tpu.vector_load %arg8[%parallel_loop3A_698, %parallel_loop3A_699, %parallel_loop3A_700] {strides = array<i32>} : memref<3x128x128xf32, #tpu.memory_space<vmem>>, vector<1x1x16xf32>,
      %parallel_loop3A_702 = vector.shape_cast %parallel_loop3A_701 : vector<1x1x16xf32> to vector<16xf32>
      %parallel_loop3A_703 = vector.shape_cast %parallel_loop3A_696 : vector<16xf32> to vector<1x1x16xf32>
      tpu.vector_store %arg8[%parallel_loop3A_698, %parallel_loop3A_699, %parallel_loop3A_700], %parallel_loop3A_703 {add = true, strides = array<i32>} : memref<3x128x128xf32, #tpu.memory_space<vmem>>, vector<1x1x16xf32>,
      %parallel_loop3A_704 = arith.constant 0 : i32
      %parallel_loop3A_705 = arith.index_cast %parallel_loop3A_704 : i32 to index
      %parallel_loop3A_706 = arith.index_cast %parallel_loop3A_664 : i32 to index
      %parallel_loop3A_707 = arith.constant 48 : index
      %parallel_loop3A_708 = tpu.vector_load %arg7[%parallel_loop3A_705, %parallel_loop3A_706, %parallel_loop3A_707] {strides = array<i32>} : memref<3x128x128xf32, #tpu.memory_space<vmem>>, vector<1x1x16xf32>,
      %parallel_loop3A_709 = vector.shape_cast %parallel_loop3A_708 : vector<1x1x16xf32> to vector<16xf32>
      %parallel_loop3A_710 = arith.constant 0 : i32
      %parallel_loop3A_711 = arith.index_cast %parallel_loop3A_710 : i32 to index
      %parallel_loop3A_712 = arith.index_cast %parallel_loop3A_664 : i32 to index
      %parallel_loop3A_713 = arith.constant 48 : index
      %parallel_loop3A_714 = tpu.vector_load %arg8[%parallel_loop3A_711, %parallel_loop3A_712, %parallel_loop3A_713] {strides = array<i32>} : memref<3x128x128xf32, #tpu.memory_space<vmem>>, vector<1x1x16xf32>,
      %parallel_loop3A_715 = vector.shape_cast %parallel_loop3A_714 : vector<1x1x16xf32> to vector<16xf32>
      %parallel_loop3A_716 = vector.shape_cast %parallel_loop3A_709 : vector<16xf32> to vector<1x1x16xf32>
      tpu.vector_store %arg8[%parallel_loop3A_711, %parallel_loop3A_712, %parallel_loop3A_713], %parallel_loop3A_716 {add = true, strides = array<i32>} : memref<3x128x128xf32, #tpu.memory_space<vmem>>, vector<1x1x16xf32>,
      %parallel_loop3A_717 = arith.constant 0 : i32
      %parallel_loop3A_718 = arith.index_cast %parallel_loop3A_717 : i32 to index
      %parallel_loop3A_719 = arith.index_cast %parallel_loop3A_664 : i32 to index
      %parallel_loop3A_720 = arith.constant 64 : index
      %parallel_loop3A_721 = tpu.vector_load %arg7[%parallel_loop3A_718, %parallel_loop3A_719, %parallel_loop3A_720] {strides = array<i32>} : memref<3x128x128xf32, #tpu.memory_space<vmem>>, vector<1x1x16xf32>,
      %parallel_loop3A_722 = vector.shape_cast %parallel_loop3A_721 : vector<1x1x16xf32> to vector<16xf32>
      %parallel_loop3A_723 = arith.constant 0 : i32
      %parallel_loop3A_724 = arith.index_cast %parallel_loop3A_723 : i32 to index
      %parallel_loop3A_725 = arith.index_cast %parallel_loop3A_664 : i32 to index
      %parallel_loop3A_726 = arith.constant 64 : index
      %parallel_loop3A_727 = tpu.vector_load %arg8[%parallel_loop3A_724, %parallel_loop3A_725, %parallel_loop3A_726] {strides = array<i32>} : memref<3x128x128xf32, #tpu.memory_space<vmem>>, vector<1x1x16xf32>,
      %parallel_loop3A_728 = vector.shape_cast %parallel_loop3A_727 : vector<1x1x16xf32> to vector<16xf32>
      %parallel_loop3A_729 = vector.shape_cast %parallel_loop3A_722 : vector<16xf32> to vector<1x1x16xf32>
      tpu.vector_store %arg8[%parallel_loop3A_724, %parallel_loop3A_725, %parallel_loop3A_726], %parallel_loop3A_729 {add = true, strides = array<i32>} : memref<3x128x128xf32, #tpu.memory_space<vmem>>, vector<1x1x16xf32>,
      %parallel_loop3A_730 = arith.constant 0 : i32
      %parallel_loop3A_731 = arith.index_cast %parallel_loop3A_730 : i32 to index
      %parallel_loop3A_732 = arith.index_cast %parallel_loop3A_664 : i32 to index
      %parallel_loop3A_733 = arith.constant 80 : index
      %parallel_loop3A_734 = tpu.vector_load %arg7[%parallel_loop3A_731, %parallel_loop3A_732, %parallel_loop3A_733] {strides = array<i32>} : memref<3x128x128xf32, #tpu.memory_space<vmem>>, vector<1x1x16xf32>,
      %parallel_loop3A_735 = vector.shape_cast %parallel_loop3A_734 : vector<1x1x16xf32> to vector<16xf32>
      %parallel_loop3A_736 = arith.constant 0 : i32
      %parallel_loop3A_737 = arith.index_cast %parallel_loop3A_736 : i32 to index
      %parallel_loop3A_738 = arith.index_cast %parallel_loop3A_664 : i32 to index
      %parallel_loop3A_739 = arith.constant 80 : index
      %parallel_loop3A_740 = tpu.vector_load %arg8[%parallel_loop3A_737, %parallel_loop3A_738, %parallel_loop3A_739] {strides = array<i32>} : memref<3x128x128xf32, #tpu.memory_space<vmem>>, vector<1x1x16xf32>,
      %parallel_loop3A_741 = vector.shape_cast %parallel_loop3A_740 : vector<1x1x16xf32> to vector<16xf32>
      %parallel_loop3A_742 = vector.shape_cast %parallel_loop3A_735 : vector<16xf32> to vector<1x1x16xf32>
      tpu.vector_store %arg8[%parallel_loop3A_737, %parallel_loop3A_738, %parallel_loop3A_739], %parallel_loop3A_742 {add = true, strides = array<i32>} : memref<3x128x128xf32, #tpu.memory_space<vmem>>, vector<1x1x16xf32>,
      %parallel_loop3A_743 = arith.constant 0 : i32
      %parallel_loop3A_744 = arith.index_cast %parallel_loop3A_743 : i32 to index
      %parallel_loop3A_745 = arith.index_cast %parallel_loop3A_664 : i32 to index
      %parallel_loop3A_746 = arith.constant 96 : index
      %parallel_loop3A_747 = tpu.vector_load %arg7[%parallel_loop3A_744, %parallel_loop3A_745, %parallel_loop3A_746] {strides = array<i32>} : memref<3x128x128xf32, #tpu.memory_space<vmem>>, vector<1x1x16xf32>,
      %parallel_loop3A_748 = vector.shape_cast %parallel_loop3A_747 : vector<1x1x16xf32> to vector<16xf32>
      %parallel_loop3A_749 = arith.constant 0 : i32
      %parallel_loop3A_750 = arith.index_cast %parallel_loop3A_749 : i32 to index
      %parallel_loop3A_751 = arith.index_cast %parallel_loop3A_664 : i32 to index
      %parallel_loop3A_752 = arith.constant 96 : index
      %parallel_loop3A_753 = tpu.vector_load %arg8[%parallel_loop3A_750, %parallel_loop3A_751, %parallel_loop3A_752] {strides = array<i32>} : memref<3x128x128xf32, #tpu.memory_space<vmem>>, vector<1x1x16xf32>,
      %parallel_loop3A_754 = vector.shape_cast %parallel_loop3A_753 : vector<1x1x16xf32> to vector<16xf32>
      %parallel_loop3A_755 = vector.shape_cast %parallel_loop3A_748 : vector<16xf32> to vector<1x1x16xf32>
      tpu.vector_store %arg8[%parallel_loop3A_750, %parallel_loop3A_751, %parallel_loop3A_752], %parallel_loop3A_755 {add = true, strides = array<i32>} : memref<3x128x128xf32, #tpu.memory_space<vmem>>, vector<1x1x16xf32>,
      %parallel_loop3A_756 = arith.constant 0 : i32
      %parallel_loop3A_757 = arith.index_cast %parallel_loop3A_756 : i32 to index
      %parallel_loop3A_758 = arith.index_cast %parallel_loop3A_664 : i32 to index
      %parallel_loop3A_759 = arith.constant 112 : index
      %parallel_loop3A_760 = tpu.vector_load %arg7[%parallel_loop3A_757, %parallel_loop3A_758, %parallel_loop3A_759] {strides = array<i32>} : memref<3x128x128xf32, #tpu.memory_space<vmem>>, vector<1x1x16xf32>,
      %parallel_loop3A_761 = vector.shape_cast %parallel_loop3A_760 : vector<1x1x16xf32> to vector<16xf32>
      %parallel_loop3A_762 = arith.constant 0 : i32
      %parallel_loop3A_763 = arith.index_cast %parallel_loop3A_762 : i32 to index
      %parallel_loop3A_764 = arith.index_cast %parallel_loop3A_664 : i32 to index
      %parallel_loop3A_765 = arith.constant 112 : index
      %parallel_loop3A_766 = tpu.vector_load %arg8[%parallel_loop3A_763, %parallel_loop3A_764, %parallel_loop3A_765] {strides = array<i32>} : memref<3x128x128xf32, #tpu.memory_space<vmem>>, vector<1x1x16xf32>,
      %parallel_loop3A_767 = vector.shape_cast %parallel_loop3A_766 : vector<1x1x16xf32> to vector<16xf32>
      %parallel_loop3A_768 = vector.shape_cast %parallel_loop3A_761 : vector<16xf32> to vector<1x1x16xf32>
      tpu.vector_store %arg8[%parallel_loop3A_763, %parallel_loop3A_764, %parallel_loop3A_765], %parallel_loop3A_768 {add = true, strides = array<i32>} : memref<3x128x128xf32, #tpu.memory_space<vmem>>, vector<1x1x16xf32>,
    } {sc.loop_unroll_factor = 2 : i64, sc.parallel_access}
    %add3A_477 = arith.constant 384 : i32
    %add3A_478 = arith.addi %mul3A_2, %add3A_477 : i32
    %add3A_479 = arith.constant 0 : i32
    %add3A_480 = arith.addi %add3A_478, %add3A_479 : i32
    %dma_start3A_481 = arith.constant 0 : i32
    %dma_start3A_482 = arith.constant 0 : i32
    %dma_start3A_483 = arith.constant 0 : i32
    %dma_start3A_484 = arith.constant 0 : i32
    %dma_start3A_485 = tpu.memref_slice %arg8[%dma_start3A_481, %dma_start3A_483, %dma_start3A_484] : memref<3x128x128xf32, #tpu.memory_space<vmem>> -> memref<1x128x128xf32, #tpu.memory_space<vmem>>
    %dma_start3A_486 = tpu.memref_squeeze %dma_start3A_485 : memref<1x128x128xf32, #tpu.memory_space<vmem>> -> memref<128x128xf32, #tpu.memory_space<vmem>>
    %dma_start3A_487 = arith.constant 0 : i32
    %dma_start3A_488 = arith.constant 0 : i32
    %dma_start3A_489 = tpu.memref_slice %dma_start3A_486[%dma_start3A_487, %dma_start3A_488] : memref<128x128xf32, #tpu.memory_space<vmem>> -> memref<64x128xf32, #tpu.memory_space<vmem>>
    %dma_start3A_490 = arith.constant 0 : i32
    %dma_start3A_491 = tpu.memref_slice %arg5[%add3A_480, %dma_start3A_490] : memref<16384x128xf32, #tpu.memory_space<hbm>> -> memref<64x128xf32, #tpu.memory_space<hbm>>
    %dma_start3A_492 = tpu.memref_slice %arg11[%dma_start3A_482] : memref<3x!tpu.dma_semaphore, #tpu.memory_space<semaphore_mem>> -> memref<1x!tpu.dma_semaphore, #tpu.memory_space<semaphore_mem>>
    %dma_start3A_493 = tpu.memref_squeeze %dma_start3A_492 : memref<1x!tpu.dma_semaphore, #tpu.memory_space<semaphore_mem>> -> memref<!tpu.dma_semaphore, #tpu.memory_space<semaphore_mem>>
    %dma_start3A_494 = arith.constant 0 : i32
    %dma_start3A_495 = tpu.memref_slice %arg5[%add3A_480, %dma_start3A_494] : memref<16384x128xf32, #tpu.memory_space<hbm>> -> memref<64x128xf32, #tpu.memory_space<hbm>>
    %dma_start3A_496 = arith.constant 0 : i32
    %dma_start3A_497 = arith.constant 0 : i32
    %dma_start3A_498 = tpu.memref_slice %arg8[%dma_start3A_481, %dma_start3A_496, %dma_start3A_497] : memref<3x128x128xf32, #tpu.memory_space<vmem>> -> memref<1x128x128xf32, #tpu.memory_space<vmem>>
    %dma_start3A_499 = tpu.memref_squeeze %dma_start3A_498 : memref<1x128x128xf32, #tpu.memory_space<vmem>> -> memref<128x128xf32, #tpu.memory_space<vmem>>
    %dma_start3A_500 = arith.constant 0 : i32
    %dma_start3A_501 = arith.constant 0 : i32
    %dma_start3A_502 = tpu.memref_slice %dma_start3A_499[%dma_start3A_500, %dma_start3A_501] : memref<128x128xf32, #tpu.memory_space<vmem>> -> memref<64x128xf32, #tpu.memory_space<vmem>>
    tpu.enqueue_dma source(%dma_start3A_502 : memref<64x128xf32, #tpu.memory_space<vmem>>) target(%dma_start3A_495 : memref<64x128xf32, #tpu.memory_space<hbm>>) target_semaphore(%dma_start3A_493 : memref<!tpu.dma_semaphore, #tpu.memory_space<semaphore_mem>>)
    %parallel_loop3A_503 = arith.constant 64 : i32
    %parallel_loop3A_504 = arith.constant 128 : i32
    %parallel_loop3A_505 = arith.constant 1 : i32
    scf.for %parallel_loop3A_664 = %parallel_loop3A_503 to %parallel_loop3A_504 step %parallel_loop3A_505  : i32 {
      %parallel_loop3A_665 = arith.constant 0 : i32
      %parallel_loop3A_666 = arith.index_cast %parallel_loop3A_665 : i32 to index
      %parallel_loop3A_667 = arith.index_cast %parallel_loop3A_664 : i32 to index
      %parallel_loop3A_668 = arith.constant 0 : index
      %parallel_loop3A_669 = tpu.vector_load %arg7[%parallel_loop3A_666, %parallel_loop3A_667, %parallel_loop3A_668] {strides = array<i32>} : memref<3x128x128xf32, #tpu.memory_space<vmem>>, vector<1x1x16xf32>,
      %parallel_loop3A_670 = vector.shape_cast %parallel_loop3A_669 : vector<1x1x16xf32> to vector<16xf32>
      %parallel_loop3A_671 = arith.constant 0 : i32
      %parallel_loop3A_672 = arith.index_cast %parallel_loop3A_671 : i32 to index
      %parallel_loop3A_673 = arith.index_cast %parallel_loop3A_664 : i32 to index
      %parallel_loop3A_674 = arith.constant 0 : index
      %parallel_loop3A_675 = tpu.vector_load %arg8[%parallel_loop3A_672, %parallel_loop3A_673, %parallel_loop3A_674] {strides = array<i32>} : memref<3x128x128xf32, #tpu.memory_space<vmem>>, vector<1x1x16xf32>,
      %parallel_loop3A_676 = vector.shape_cast %parallel_loop3A_675 : vector<1x1x16xf32> to vector<16xf32>
      %parallel_loop3A_677 = vector.shape_cast %parallel_loop3A_670 : vector<16xf32> to vector<1x1x16xf32>
      tpu.vector_store %arg8[%parallel_loop3A_672, %parallel_loop3A_673, %parallel_loop3A_674], %parallel_loop3A_677 {add = true, strides = array<i32>} : memref<3x128x128xf32, #tpu.memory_space<vmem>>, vector<1x1x16xf32>,
      %parallel_loop3A_678 = arith.constant 0 : i32
      %parallel_loop3A_679 = arith.index_cast %parallel_loop3A_678 : i32 to index
      %parallel_loop3A_680 = arith.index_cast %parallel_loop3A_664 : i32 to index
      %parallel_loop3A_681 = arith.constant 16 : index
      %parallel_loop3A_682 = tpu.vector_load %arg7[%parallel_loop3A_679, %parallel_loop3A_680, %parallel_loop3A_681] {strides = array<i32>} : memref<3x128x128xf32, #tpu.memory_space<vmem>>, vector<1x1x16xf32>,
      %parallel_loop3A_683 = vector.shape_cast %parallel_loop3A_682 : vector<1x1x16xf32> to vector<16xf32>
      %parallel_loop3A_684 = arith.constant 0 : i32
      %parallel_loop3A_685 = arith.index_cast %parallel_loop3A_684 : i32 to index
      %parallel_loop3A_686 = arith.index_cast %parallel_loop3A_664 : i32 to index
      %parallel_loop3A_687 = arith.constant 16 : index
      %parallel_loop3A_688 = tpu.vector_load %arg8[%parallel_loop3A_685, %parallel_loop3A_686, %parallel_loop3A_687] {strides = array<i32>} : memref<3x128x128xf32, #tpu.memory_space<vmem>>, vector<1x1x16xf32>,
      %parallel_loop3A_689 = vector.shape_cast %parallel_loop3A_688 : vector<1x1x16xf32> to vector<16xf32>
      %parallel_loop3A_690 = vector.shape_cast %parallel_loop3A_683 : vector<16xf32> to vector<1x1x16xf32>
      tpu.vector_store %arg8[%parallel_loop3A_685, %parallel_loop3A_686, %parallel_loop3A_687], %parallel_loop3A_690 {add = true, strides = array<i32>} : memref<3x128x128xf32, #tpu.memory_space<vmem>>, vector<1x1x16xf32>,
      %parallel_loop3A_691 = arith.constant 0 : i32
      %parallel_loop3A_692 = arith.index_cast %parallel_loop3A_691 : i32 to index
      %parallel_loop3A_693 = arith.index_cast %parallel_loop3A_664 : i32 to index
      %parallel_loop3A_694 = arith.constant 32 : index
      %parallel_loop3A_695 = tpu.vector_load %arg7[%parallel_loop3A_692, %parallel_loop3A_693, %parallel_loop3A_694] {strides = array<i32>} : memref<3x128x128xf32, #tpu.memory_space<vmem>>, vector<1x1x16xf32>,
      %parallel_loop3A_696 = vector.shape_cast %parallel_loop3A_695 : vector<1x1x16xf32> to vector<16xf32>
      %parallel_loop3A_697 = arith.constant 0 : i32
      %parallel_loop3A_698 = arith.index_cast %parallel_loop3A_697 : i32 to index
      %parallel_loop3A_699 = arith.index_cast %parallel_loop3A_664 : i32 to index
      %parallel_loop3A_700 = arith.constant 32 : index
      %parallel_loop3A_701 = tpu.vector_load %arg8[%parallel_loop3A_698, %parallel_loop3A_699, %parallel_loop3A_700] {strides = array<i32>} : memref<3x128x128xf32, #tpu.memory_space<vmem>>, vector<1x1x16xf32>,
      %parallel_loop3A_702 = vector.shape_cast %parallel_loop3A_701 : vector<1x1x16xf32> to vector<16xf32>
      %parallel_loop3A_703 = vector.shape_cast %parallel_loop3A_696 : vector<16xf32> to vector<1x1x16xf32>
      tpu.vector_store %arg8[%parallel_loop3A_698, %parallel_loop3A_699, %parallel_loop3A_700], %parallel_loop3A_703 {add = true, strides = array<i32>} : memref<3x128x128xf32, #tpu.memory_space<vmem>>, vector<1x1x16xf32>,
      %parallel_loop3A_704 = arith.constant 0 : i32
      %parallel_loop3A_705 = arith.index_cast %parallel_loop3A_704 : i32 to index
      %parallel_loop3A_706 = arith.index_cast %parallel_loop3A_664 : i32 to index
      %parallel_loop3A_707 = arith.constant 48 : index
      %parallel_loop3A_708 = tpu.vector_load %arg7[%parallel_loop3A_705, %parallel_loop3A_706, %parallel_loop3A_707] {strides = array<i32>} : memref<3x128x128xf32, #tpu.memory_space<vmem>>, vector<1x1x16xf32>,
      %parallel_loop3A_709 = vector.shape_cast %parallel_loop3A_708 : vector<1x1x16xf32> to vector<16xf32>
      %parallel_loop3A_710 = arith.constant 0 : i32
      %parallel_loop3A_711 = arith.index_cast %parallel_loop3A_710 : i32 to index
      %parallel_loop3A_712 = arith.index_cast %parallel_loop3A_664 : i32 to index
      %parallel_loop3A_713 = arith.constant 48 : index
      %parallel_loop3A_714 = tpu.vector_load %arg8[%parallel_loop3A_711, %parallel_loop3A_712, %parallel_loop3A_713] {strides = array<i32>} : memref<3x128x128xf32, #tpu.memory_space<vmem>>, vector<1x1x16xf32>,
      %parallel_loop3A_715 = vector.shape_cast %parallel_loop3A_714 : vector<1x1x16xf32> to vector<16xf32>
      %parallel_loop3A_716 = vector.shape_cast %parallel_loop3A_709 : vector<16xf32> to vector<1x1x16xf32>
      tpu.vector_store %arg8[%parallel_loop3A_711, %parallel_loop3A_712, %parallel_loop3A_713], %parallel_loop3A_716 {add = true, strides = array<i32>} : memref<3x128x128xf32, #tpu.memory_space<vmem>>, vector<1x1x16xf32>,
      %parallel_loop3A_717 = arith.constant 0 : i32
      %parallel_loop3A_718 = arith.index_cast %parallel_loop3A_717 : i32 to index
      %parallel_loop3A_719 = arith.index_cast %parallel_loop3A_664 : i32 to index
      %parallel_loop3A_720 = arith.constant 64 : index
      %parallel_loop3A_721 = tpu.vector_load %arg7[%parallel_loop3A_718, %parallel_loop3A_719, %parallel_loop3A_720] {strides = array<i32>} : memref<3x128x128xf32, #tpu.memory_space<vmem>>, vector<1x1x16xf32>,
      %parallel_loop3A_722 = vector.shape_cast %parallel_loop3A_721 : vector<1x1x16xf32> to vector<16xf32>
      %parallel_loop3A_723 = arith.constant 0 : i32
      %parallel_loop3A_724 = arith.index_cast %parallel_loop3A_723 : i32 to index
      %parallel_loop3A_725 = arith.index_cast %parallel_loop3A_664 : i32 to index
      %parallel_loop3A_726 = arith.constant 64 : index
      %parallel_loop3A_727 = tpu.vector_load %arg8[%parallel_loop3A_724, %parallel_loop3A_725, %parallel_loop3A_726] {strides = array<i32>} : memref<3x128x128xf32, #tpu.memory_space<vmem>>, vector<1x1x16xf32>,
      %parallel_loop3A_728 = vector.shape_cast %parallel_loop3A_727 : vector<1x1x16xf32> to vector<16xf32>
      %parallel_loop3A_729 = vector.shape_cast %parallel_loop3A_722 : vector<16xf32> to vector<1x1x16xf32>
      tpu.vector_store %arg8[%parallel_loop3A_724, %parallel_loop3A_725, %parallel_loop3A_726], %parallel_loop3A_729 {add = true, strides = array<i32>} : memref<3x128x128xf32, #tpu.memory_space<vmem>>, vector<1x1x16xf32>,
      %parallel_loop3A_730 = arith.constant 0 : i32
      %parallel_loop3A_731 = arith.index_cast %parallel_loop3A_730 : i32 to index
      %parallel_loop3A_732 = arith.index_cast %parallel_loop3A_664 : i32 to index
      %parallel_loop3A_733 = arith.constant 80 : index
      %parallel_loop3A_734 = tpu.vector_load %arg7[%parallel_loop3A_731, %parallel_loop3A_732, %parallel_loop3A_733] {strides = array<i32>} : memref<3x128x128xf32, #tpu.memory_space<vmem>>, vector<1x1x16xf32>,
      %parallel_loop3A_735 = vector.shape_cast %parallel_loop3A_734 : vector<1x1x16xf32> to vector<16xf32>
      %parallel_loop3A_736 = arith.constant 0 : i32
      %parallel_loop3A_737 = arith.index_cast %parallel_loop3A_736 : i32 to index
      %parallel_loop3A_738 = arith.index_cast %parallel_loop3A_664 : i32 to index
      %parallel_loop3A_739 = arith.constant 80 : index
      %parallel_loop3A_740 = tpu.vector_load %arg8[%parallel_loop3A_737, %parallel_loop3A_738, %parallel_loop3A_739] {strides = array<i32>} : memref<3x128x128xf32, #tpu.memory_space<vmem>>, vector<1x1x16xf32>,
      %parallel_loop3A_741 = vector.shape_cast %parallel_loop3A_740 : vector<1x1x16xf32> to vector<16xf32>
      %parallel_loop3A_742 = vector.shape_cast %parallel_loop3A_735 : vector<16xf32> to vector<1x1x16xf32>
      tpu.vector_store %arg8[%parallel_loop3A_737, %parallel_loop3A_738, %parallel_loop3A_739], %parallel_loop3A_742 {add = true, strides = array<i32>} : memref<3x128x128xf32, #tpu.memory_space<vmem>>, vector<1x1x16xf32>,
      %parallel_loop3A_743 = arith.constant 0 : i32
      %parallel_loop3A_744 = arith.index_cast %parallel_loop3A_743 : i32 to index
      %parallel_loop3A_745 = arith.index_cast %parallel_loop3A_664 : i32 to index
      %parallel_loop3A_746 = arith.constant 96 : index
      %parallel_loop3A_747 = tpu.vector_load %arg7[%parallel_loop3A_744, %parallel_loop3A_745, %parallel_loop3A_746] {strides = array<i32>} : memref<3x128x128xf32, #tpu.memory_space<vmem>>, vector<1x1x16xf32>,
      %parallel_loop3A_748 = vector.shape_cast %parallel_loop3A_747 : vector<1x1x16xf32> to vector<16xf32>
      %parallel_loop3A_749 = arith.constant 0 : i32
      %parallel_loop3A_750 = arith.index_cast %parallel_loop3A_749 : i32 to index
      %parallel_loop3A_751 = arith.index_cast %parallel_loop3A_664 : i32 to index
      %parallel_loop3A_752 = arith.constant 96 : index
      %parallel_loop3A_753 = tpu.vector_load %arg8[%parallel_loop3A_750, %parallel_loop3A_751, %parallel_loop3A_752] {strides = array<i32>} : memref<3x128x128xf32, #tpu.memory_space<vmem>>, vector<1x1x16xf32>,
      %parallel_loop3A_754 = vector.shape_cast %parallel_loop3A_753 : vector<1x1x16xf32> to vector<16xf32>
      %parallel_loop3A_755 = vector.shape_cast %parallel_loop3A_748 : vector<16xf32> to vector<1x1x16xf32>
      tpu.vector_store %arg8[%parallel_loop3A_750, %parallel_loop3A_751, %parallel_loop3A_752], %parallel_loop3A_755 {add = true, strides = array<i32>} : memref<3x128x128xf32, #tpu.memory_space<vmem>>, vector<1x1x16xf32>,
      %parallel_loop3A_756 = arith.constant 0 : i32
      %parallel_loop3A_757 = arith.index_cast %parallel_loop3A_756 : i32 to index
      %parallel_loop3A_758 = arith.index_cast %parallel_loop3A_664 : i32 to index
      %parallel_loop3A_759 = arith.constant 112 : index
      %parallel_loop3A_760 = tpu.vector_load %arg7[%parallel_loop3A_757, %parallel_loop3A_758, %parallel_loop3A_759] {strides = array<i32>} : memref<3x128x128xf32, #tpu.memory_space<vmem>>, vector<1x1x16xf32>,
      %parallel_loop3A_761 = vector.shape_cast %parallel_loop3A_760 : vector<1x1x16xf32> to vector<16xf32>
      %parallel_loop3A_762 = arith.constant 0 : i32
      %parallel_loop3A_763 = arith.index_cast %parallel_loop3A_762 : i32 to index
      %parallel_loop3A_764 = arith.index_cast %parallel_loop3A_664 : i32 to index
      %parallel_loop3A_765 = arith.constant 112 : index
      %parallel_loop3A_766 = tpu.vector_load %arg8[%parallel_loop3A_763, %parallel_loop3A_764, %parallel_loop3A_765] {strides = array<i32>} : memref<3x128x128xf32, #tpu.memory_space<vmem>>, vector<1x1x16xf32>,
      %parallel_loop3A_767 = vector.shape_cast %parallel_loop3A_766 : vector<1x1x16xf32> to vector<16xf32>
      %parallel_loop3A_768 = vector.shape_cast %parallel_loop3A_761 : vector<16xf32> to vector<1x1x16xf32>
      tpu.vector_store %arg8[%parallel_loop3A_763, %parallel_loop3A_764, %parallel_loop3A_765], %parallel_loop3A_768 {add = true, strides = array<i32>} : memref<3x128x128xf32, #tpu.memory_space<vmem>>, vector<1x1x16xf32>,
    } {sc.loop_unroll_factor = 2 : i64, sc.parallel_access}
    %add3A_506 = arith.constant 384 : i32
    %add3A_507 = arith.addi %mul3A_2, %add3A_506 : i32
    %add3A_508 = arith.constant 64 : i32
    %add3A_509 = arith.addi %add3A_507, %add3A_508 : i32
    %dma_start3A_510 = arith.constant 0 : i32
    %dma_start3A_511 = arith.constant 0 : i32
    %dma_start3A_512 = arith.constant 0 : i32
    %dma_start3A_513 = arith.constant 0 : i32
    %dma_start3A_514 = tpu.memref_slice %arg8[%dma_start3A_510, %dma_start3A_512, %dma_start3A_513] : memref<3x128x128xf32, #tpu.memory_space<vmem>> -> memref<1x128x128xf32, #tpu.memory_space<vmem>>
    %dma_start3A_515 = tpu.memref_squeeze %dma_start3A_514 : memref<1x128x128xf32, #tpu.memory_space<vmem>> -> memref<128x128xf32, #tpu.memory_space<vmem>>
    %dma_start3A_516 = arith.constant 64 : i32
    %dma_start3A_517 = arith.constant 0 : i32
    %dma_start3A_518 = tpu.memref_slice %dma_start3A_515[%dma_start3A_516, %dma_start3A_517] : memref<128x128xf32, #tpu.memory_space<vmem>> -> memref<64x128xf32, #tpu.memory_space<vmem>>
    %dma_start3A_519 = arith.constant 0 : i32
    %dma_start3A_520 = tpu.memref_slice %arg5[%add3A_509, %dma_start3A_519] : memref<16384x128xf32, #tpu.memory_space<hbm>> -> memref<64x128xf32, #tpu.memory_space<hbm>>
    %dma_start3A_521 = tpu.memref_slice %arg11[%dma_start3A_511] : memref<3x!tpu.dma_semaphore, #tpu.memory_space<semaphore_mem>> -> memref<1x!tpu.dma_semaphore, #tpu.memory_space<semaphore_mem>>
    %dma_start3A_522 = tpu.memref_squeeze %dma_start3A_521 : memref<1x!tpu.dma_semaphore, #tpu.memory_space<semaphore_mem>> -> memref<!tpu.dma_semaphore, #tpu.memory_space<semaphore_mem>>
    %dma_start3A_523 = arith.constant 0 : i32
    %dma_start3A_524 = tpu.memref_slice %arg5[%add3A_509, %dma_start3A_523] : memref<16384x128xf32, #tpu.memory_space<hbm>> -> memref<64x128xf32, #tpu.memory_space<hbm>>
    %dma_start3A_525 = arith.constant 0 : i32
    %dma_start3A_526 = arith.constant 0 : i32
    %dma_start3A_527 = tpu.memref_slice %arg8[%dma_start3A_510, %dma_start3A_525, %dma_start3A_526] : memref<3x128x128xf32, #tpu.memory_space<vmem>> -> memref<1x128x128xf32, #tpu.memory_space<vmem>>
    %dma_start3A_528 = tpu.memref_squeeze %dma_start3A_527 : memref<1x128x128xf32, #tpu.memory_space<vmem>> -> memref<128x128xf32, #tpu.memory_space<vmem>>
    %dma_start3A_529 = arith.constant 64 : i32
    %dma_start3A_530 = arith.constant 0 : i32
    %dma_start3A_531 = tpu.memref_slice %dma_start3A_528[%dma_start3A_529, %dma_start3A_530] : memref<128x128xf32, #tpu.memory_space<vmem>> -> memref<64x128xf32, #tpu.memory_space<vmem>>
    tpu.enqueue_dma source(%dma_start3A_531 : memref<64x128xf32, #tpu.memory_space<vmem>>) target(%dma_start3A_524 : memref<64x128xf32, #tpu.memory_space<hbm>>) target_semaphore(%dma_start3A_522 : memref<!tpu.dma_semaphore, #tpu.memory_space<semaphore_mem>>)
    %dma_wait3A_532 = arith.constant 1 : i32
    %dma_wait3A_533 = arith.constant 1 : i32
    %dma_wait3A_534 = arith.constant 0 : i32
    %dma_wait3A_535 = arith.constant 0 : i32
    %dma_wait3A_536 = tpu.memref_slice %arg8[%dma_wait3A_532, %dma_wait3A_534, %dma_wait3A_535] : memref<3x128x128xf32, #tpu.memory_space<vmem>> -> memref<1x128x128xf32, #tpu.memory_space<vmem>>
    %dma_wait3A_537 = tpu.memref_squeeze %dma_wait3A_536 : memref<1x128x128xf32, #tpu.memory_space<vmem>> -> memref<128x128xf32, #tpu.memory_space<vmem>>
    %dma_wait3A_538 = arith.constant 0 : i32
    %dma_wait3A_539 = arith.constant 0 : i32
    %dma_wait3A_540 = tpu.memref_slice %dma_wait3A_537[%dma_wait3A_538, %dma_wait3A_539] : memref<128x128xf32, #tpu.memory_space<vmem>> -> memref<64x128xf32, #tpu.memory_space<vmem>>
    %dma_wait3A_541 = arith.constant 0 : i32
    %dma_wait3A_542 = tpu.memref_slice %arg5[%add3A_302, %dma_wait3A_541] : memref<16384x128xf32, #tpu.memory_space<hbm>> -> memref<64x128xf32, #tpu.memory_space<hbm>>
    %dma_wait3A_543 = tpu.memref_slice %arg11[%dma_wait3A_533] : memref<3x!tpu.dma_semaphore, #tpu.memory_space<semaphore_mem>> -> memref<1x!tpu.dma_semaphore, #tpu.memory_space<semaphore_mem>>
    %dma_wait3A_544 = tpu.memref_squeeze %dma_wait3A_543 : memref<1x!tpu.dma_semaphore, #tpu.memory_space<semaphore_mem>> -> memref<!tpu.dma_semaphore, #tpu.memory_space<semaphore_mem>>
    %dma_wait3A_545 = arith.constant 0 : i32
    %dma_wait3A_546 = tpu.memref_slice %arg5[%add3A_302, %dma_wait3A_545] : memref<16384x128xf32, #tpu.memory_space<hbm>> -> memref<64x128xf32, #tpu.memory_space<hbm>>
    %dma_wait3A_547 = arith.constant 0 : i32
    %dma_wait3A_548 = arith.constant 0 : i32
    %dma_wait3A_549 = tpu.memref_slice %arg8[%dma_wait3A_532, %dma_wait3A_547, %dma_wait3A_548] : memref<3x128x128xf32, #tpu.memory_space<vmem>> -> memref<1x128x128xf32, #tpu.memory_space<vmem>>
    %dma_wait3A_550 = tpu.memref_squeeze %dma_wait3A_549 : memref<1x128x128xf32, #tpu.memory_space<vmem>> -> memref<128x128xf32, #tpu.memory_space<vmem>>
    %dma_wait3A_551 = arith.constant 0 : i32
    %dma_wait3A_552 = arith.constant 0 : i32
    %dma_wait3A_553 = tpu.memref_slice %dma_wait3A_550[%dma_wait3A_551, %dma_wait3A_552] : memref<128x128xf32, #tpu.memory_space<vmem>> -> memref<64x128xf32, #tpu.memory_space<vmem>>
    tpu.wait_dma2 semaphore(%dma_wait3A_544 : memref<!tpu.dma_semaphore, #tpu.memory_space<semaphore_mem>>) src(%dma_wait3A_553 : memref<64x128xf32, #tpu.memory_space<vmem>>) dst(%dma_wait3A_546 : memref<64x128xf32, #tpu.memory_space<hbm>>)
    %dma_wait3A_554 = arith.constant 1 : i32
    %dma_wait3A_555 = arith.constant 1 : i32
    %dma_wait3A_556 = arith.constant 0 : i32
    %dma_wait3A_557 = arith.constant 0 : i32
    %dma_wait3A_558 = tpu.memref_slice %arg8[%dma_wait3A_554, %dma_wait3A_556, %dma_wait3A_557] : memref<3x128x128xf32, #tpu.memory_space<vmem>> -> memref<1x128x128xf32, #tpu.memory_space<vmem>>
    %dma_wait3A_559 = tpu.memref_squeeze %dma_wait3A_558 : memref<1x128x128xf32, #tpu.memory_space<vmem>> -> memref<128x128xf32, #tpu.memory_space<vmem>>
    %dma_wait3A_560 = arith.constant 64 : i32
    %dma_wait3A_561 = arith.constant 0 : i32
    %dma_wait3A_562 = tpu.memref_slice %dma_wait3A_559[%dma_wait3A_560, %dma_wait3A_561] : memref<128x128xf32, #tpu.memory_space<vmem>> -> memref<64x128xf32, #tpu.memory_space<vmem>>
    %dma_wait3A_563 = arith.constant 0 : i32
    %dma_wait3A_564 = tpu.memref_slice %arg5[%add3A_331, %dma_wait3A_563] : memref<16384x128xf32, #tpu.memory_space<hbm>> -> memref<64x128xf32, #tpu.memory_space<hbm>>
    %dma_wait3A_565 = tpu.memref_slice %arg11[%dma_wait3A_555] : memref<3x!tpu.dma_semaphore, #tpu.memory_space<semaphore_mem>> -> memref<1x!tpu.dma_semaphore, #tpu.memory_space<semaphore_mem>>
    %dma_wait3A_566 = tpu.memref_squeeze %dma_wait3A_565 : memref<1x!tpu.dma_semaphore, #tpu.memory_space<semaphore_mem>> -> memref<!tpu.dma_semaphore, #tpu.memory_space<semaphore_mem>>
    %dma_wait3A_567 = arith.constant 0 : i32
    %dma_wait3A_568 = tpu.memref_slice %arg5[%add3A_331, %dma_wait3A_567] : memref<16384x128xf32, #tpu.memory_space<hbm>> -> memref<64x128xf32, #tpu.memory_space<hbm>>
    %dma_wait3A_569 = arith.constant 0 : i32
    %dma_wait3A_570 = arith.constant 0 : i32
    %dma_wait3A_571 = tpu.memref_slice %arg8[%dma_wait3A_554, %dma_wait3A_569, %dma_wait3A_570] : memref<3x128x128xf32, #tpu.memory_space<vmem>> -> memref<1x128x128xf32, #tpu.memory_space<vmem>>
    %dma_wait3A_572 = tpu.memref_squeeze %dma_wait3A_571 : memref<1x128x128xf32, #tpu.memory_space<vmem>> -> memref<128x128xf32, #tpu.memory_space<vmem>>
    %dma_wait3A_573 = arith.constant 64 : i32
    %dma_wait3A_574 = arith.constant 0 : i32
    %dma_wait3A_575 = tpu.memref_slice %dma_wait3A_572[%dma_wait3A_573, %dma_wait3A_574] : memref<128x128xf32, #tpu.memory_space<vmem>> -> memref<64x128xf32, #tpu.memory_space<vmem>>
    tpu.wait_dma2 semaphore(%dma_wait3A_566 : memref<!tpu.dma_semaphore, #tpu.memory_space<semaphore_mem>>) src(%dma_wait3A_575 : memref<64x128xf32, #tpu.memory_space<vmem>>) dst(%dma_wait3A_568 : memref<64x128xf32, #tpu.memory_space<hbm>>)
    %dma_wait3A_576 = arith.constant 2 : i32
    %dma_wait3A_577 = arith.constant 2 : i32
    %dma_wait3A_578 = arith.constant 0 : i32
    %dma_wait3A_579 = arith.constant 0 : i32
    %dma_wait3A_580 = tpu.memref_slice %arg8[%dma_wait3A_576, %dma_wait3A_578, %dma_wait3A_579] : memref<3x128x128xf32, #tpu.memory_space<vmem>> -> memref<1x128x128xf32, #tpu.memory_space<vmem>>
    %dma_wait3A_581 = tpu.memref_squeeze %dma_wait3A_580 : memref<1x128x128xf32, #tpu.memory_space<vmem>> -> memref<128x128xf32, #tpu.memory_space<vmem>>
    %dma_wait3A_582 = arith.constant 0 : i32
    %dma_wait3A_583 = arith.constant 0 : i32
    %dma_wait3A_584 = tpu.memref_slice %dma_wait3A_581[%dma_wait3A_582, %dma_wait3A_583] : memref<128x128xf32, #tpu.memory_space<vmem>> -> memref<64x128xf32, #tpu.memory_space<vmem>>
    %dma_wait3A_585 = arith.constant 0 : i32
    %dma_wait3A_586 = tpu.memref_slice %arg5[%add3A_391, %dma_wait3A_585] : memref<16384x128xf32, #tpu.memory_space<hbm>> -> memref<64x128xf32, #tpu.memory_space<hbm>>
    %dma_wait3A_587 = tpu.memref_slice %arg11[%dma_wait3A_577] : memref<3x!tpu.dma_semaphore, #tpu.memory_space<semaphore_mem>> -> memref<1x!tpu.dma_semaphore, #tpu.memory_space<semaphore_mem>>
    %dma_wait3A_588 = tpu.memref_squeeze %dma_wait3A_587 : memref<1x!tpu.dma_semaphore, #tpu.memory_space<semaphore_mem>> -> memref<!tpu.dma_semaphore, #tpu.memory_space<semaphore_mem>>
    %dma_wait3A_589 = arith.constant 0 : i32
    %dma_wait3A_590 = tpu.memref_slice %arg5[%add3A_391, %dma_wait3A_589] : memref<16384x128xf32, #tpu.memory_space<hbm>> -> memref<64x128xf32, #tpu.memory_space<hbm>>
    %dma_wait3A_591 = arith.constant 0 : i32
    %dma_wait3A_592 = arith.constant 0 : i32
    %dma_wait3A_593 = tpu.memref_slice %arg8[%dma_wait3A_576, %dma_wait3A_591, %dma_wait3A_592] : memref<3x128x128xf32, #tpu.memory_space<vmem>> -> memref<1x128x128xf32, #tpu.memory_space<vmem>>
    %dma_wait3A_594 = tpu.memref_squeeze %dma_wait3A_593 : memref<1x128x128xf32, #tpu.memory_space<vmem>> -> memref<128x128xf32, #tpu.memory_space<vmem>>
    %dma_wait3A_595 = arith.constant 0 : i32
    %dma_wait3A_596 = arith.constant 0 : i32
    %dma_wait3A_597 = tpu.memref_slice %dma_wait3A_594[%dma_wait3A_595, %dma_wait3A_596] : memref<128x128xf32, #tpu.memory_space<vmem>> -> memref<64x128xf32, #tpu.memory_space<vmem>>
    tpu.wait_dma2 semaphore(%dma_wait3A_588 : memref<!tpu.dma_semaphore, #tpu.memory_space<semaphore_mem>>) src(%dma_wait3A_597 : memref<64x128xf32, #tpu.memory_space<vmem>>) dst(%dma_wait3A_590 : memref<64x128xf32, #tpu.memory_space<hbm>>)
    %dma_wait3A_598 = arith.constant 2 : i32
    %dma_wait3A_599 = arith.constant 2 : i32
    %dma_wait3A_600 = arith.constant 0 : i32
    %dma_wait3A_601 = arith.constant 0 : i32
    %dma_wait3A_602 = tpu.memref_slice %arg8[%dma_wait3A_598, %dma_wait3A_600, %dma_wait3A_601] : memref<3x128x128xf32, #tpu.memory_space<vmem>> -> memref<1x128x128xf32, #tpu.memory_space<vmem>>
    %dma_wait3A_603 = tpu.memref_squeeze %dma_wait3A_602 : memref<1x128x128xf32, #tpu.memory_space<vmem>> -> memref<128x128xf32, #tpu.memory_space<vmem>>
    %dma_wait3A_604 = arith.constant 64 : i32
    %dma_wait3A_605 = arith.constant 0 : i32
    %dma_wait3A_606 = tpu.memref_slice %dma_wait3A_603[%dma_wait3A_604, %dma_wait3A_605] : memref<128x128xf32, #tpu.memory_space<vmem>> -> memref<64x128xf32, #tpu.memory_space<vmem>>
    %dma_wait3A_607 = arith.constant 0 : i32
    %dma_wait3A_608 = tpu.memref_slice %arg5[%add3A_420, %dma_wait3A_607] : memref<16384x128xf32, #tpu.memory_space<hbm>> -> memref<64x128xf32, #tpu.memory_space<hbm>>
    %dma_wait3A_609 = tpu.memref_slice %arg11[%dma_wait3A_599] : memref<3x!tpu.dma_semaphore, #tpu.memory_space<semaphore_mem>> -> memref<1x!tpu.dma_semaphore, #tpu.memory_space<semaphore_mem>>
    %dma_wait3A_610 = tpu.memref_squeeze %dma_wait3A_609 : memref<1x!tpu.dma_semaphore, #tpu.memory_space<semaphore_mem>> -> memref<!tpu.dma_semaphore, #tpu.memory_space<semaphore_mem>>
    %dma_wait3A_611 = arith.constant 0 : i32
    %dma_wait3A_612 = tpu.memref_slice %arg5[%add3A_420, %dma_wait3A_611] : memref<16384x128xf32, #tpu.memory_space<hbm>> -> memref<64x128xf32, #tpu.memory_space<hbm>>
    %dma_wait3A_613 = arith.constant 0 : i32
    %dma_wait3A_614 = arith.constant 0 : i32
    %dma_wait3A_615 = tpu.memref_slice %arg8[%dma_wait3A_598, %dma_wait3A_613, %dma_wait3A_614] : memref<3x128x128xf32, #tpu.memory_space<vmem>> -> memref<1x128x128xf32, #tpu.memory_space<vmem>>
    %dma_wait3A_616 = tpu.memref_squeeze %dma_wait3A_615 : memref<1x128x128xf32, #tpu.memory_space<vmem>> -> memref<128x128xf32, #tpu.memory_space<vmem>>
    %dma_wait3A_617 = arith.constant 64 : i32
    %dma_wait3A_618 = arith.constant 0 : i32
    %dma_wait3A_619 = tpu.memref_slice %dma_wait3A_616[%dma_wait3A_617, %dma_wait3A_618] : memref<128x128xf32, #tpu.memory_space<vmem>> -> memref<64x128xf32, #tpu.memory_space<vmem>>
    tpu.wait_dma2 semaphore(%dma_wait3A_610 : memref<!tpu.dma_semaphore, #tpu.memory_space<semaphore_mem>>) src(%dma_wait3A_619 : memref<64x128xf32, #tpu.memory_space<vmem>>) dst(%dma_wait3A_612 : memref<64x128xf32, #tpu.memory_space<hbm>>)
    %dma_wait3A_620 = arith.constant 0 : i32
    %dma_wait3A_621 = arith.constant 0 : i32
    %dma_wait3A_622 = arith.constant 0 : i32
    %dma_wait3A_623 = arith.constant 0 : i32
    %dma_wait3A_624 = tpu.memref_slice %arg8[%dma_wait3A_620, %dma_wait3A_622, %dma_wait3A_623] : memref<3x128x128xf32, #tpu.memory_space<vmem>> -> memref<1x128x128xf32, #tpu.memory_space<vmem>>
    %dma_wait3A_625 = tpu.memref_squeeze %dma_wait3A_624 : memref<1x128x128xf32, #tpu.memory_space<vmem>> -> memref<128x128xf32, #tpu.memory_space<vmem>>
    %dma_wait3A_626 = arith.constant 0 : i32
    %dma_wait3A_627 = arith.constant 0 : i32
    %dma_wait3A_628 = tpu.memref_slice %dma_wait3A_625[%dma_wait3A_626, %dma_wait3A_627] : memref<128x128xf32, #tpu.memory_space<vmem>> -> memref<64x128xf32, #tpu.memory_space<vmem>>
    %dma_wait3A_629 = arith.constant 0 : i32
    %dma_wait3A_630 = tpu.memref_slice %arg5[%add3A_480, %dma_wait3A_629] : memref<16384x128xf32, #tpu.memory_space<hbm>> -> memref<64x128xf32, #tpu.memory_space<hbm>>
    %dma_wait3A_631 = tpu.memref_slice %arg11[%dma_wait3A_621] : memref<3x!tpu.dma_semaphore, #tpu.memory_space<semaphore_mem>> -> memref<1x!tpu.dma_semaphore, #tpu.memory_space<semaphore_mem>>
    %dma_wait3A_632 = tpu.memref_squeeze %dma_wait3A_631 : memref<1x!tpu.dma_semaphore, #tpu.memory_space<semaphore_mem>> -> memref<!tpu.dma_semaphore, #tpu.memory_space<semaphore_mem>>
    %dma_wait3A_633 = arith.constant 0 : i32
    %dma_wait3A_634 = tpu.memref_slice %arg5[%add3A_480, %dma_wait3A_633] : memref<16384x128xf32, #tpu.memory_space<hbm>> -> memref<64x128xf32, #tpu.memory_space<hbm>>
    %dma_wait3A_635 = arith.constant 0 : i32
    %dma_wait3A_636 = arith.constant 0 : i32
    %dma_wait3A_637 = tpu.memref_slice %arg8[%dma_wait3A_620, %dma_wait3A_635, %dma_wait3A_636] : memref<3x128x128xf32, #tpu.memory_space<vmem>> -> memref<1x128x128xf32, #tpu.memory_space<vmem>>
    %dma_wait3A_638 = tpu.memref_squeeze %dma_wait3A_637 : memref<1x128x128xf32, #tpu.memory_space<vmem>> -> memref<128x128xf32, #tpu.memory_space<vmem>>
    %dma_wait3A_639 = arith.constant 0 : i32
    %dma_wait3A_640 = arith.constant 0 : i32
    %dma_wait3A_641 = tpu.memref_slice %dma_wait3A_638[%dma_wait3A_639, %dma_wait3A_640] : memref<128x128xf32, #tpu.memory_space<vmem>> -> memref<64x128xf32, #tpu.memory_space<vmem>>
    tpu.wait_dma2 semaphore(%dma_wait3A_632 : memref<!tpu.dma_semaphore, #tpu.memory_space<semaphore_mem>>) src(%dma_wait3A_641 : memref<64x128xf32, #tpu.memory_space<vmem>>) dst(%dma_wait3A_634 : memref<64x128xf32, #tpu.memory_space<hbm>>)
    %dma_wait3A_642 = arith.constant 0 : i32
    %dma_wait3A_643 = arith.constant 0 : i32
    %dma_wait3A_644 = arith.constant 0 : i32
    %dma_wait3A_645 = arith.constant 0 : i32
    %dma_wait3A_646 = tpu.memref_slice %arg8[%dma_wait3A_642, %dma_wait3A_644, %dma_wait3A_645] : memref<3x128x128xf32, #tpu.memory_space<vmem>> -> memref<1x128x128xf32, #tpu.memory_space<vmem>>
    %dma_wait3A_647 = tpu.memref_squeeze %dma_wait3A_646 : memref<1x128x128xf32, #tpu.memory_space<vmem>> -> memref<128x128xf32, #tpu.memory_space<vmem>>
    %dma_wait3A_648 = arith.constant 64 : i32
    %dma_wait3A_649 = arith.constant 0 : i32
    %dma_wait3A_650 = tpu.memref_slice %dma_wait3A_647[%dma_wait3A_648, %dma_wait3A_649] : memref<128x128xf32, #tpu.memory_space<vmem>> -> memref<64x128xf32, #tpu.memory_space<vmem>>
    %dma_wait3A_651 = arith.constant 0 : i32
    %dma_wait3A_652 = tpu.memref_slice %arg5[%add3A_509, %dma_wait3A_651] : memref<16384x128xf32, #tpu.memory_space<hbm>> -> memref<64x128xf32, #tpu.memory_space<hbm>>
    %dma_wait3A_653 = tpu.memref_slice %arg11[%dma_wait3A_643] : memref<3x!tpu.dma_semaphore, #tpu.memory_space<semaphore_mem>> -> memref<1x!tpu.dma_semaphore, #tpu.memory_space<semaphore_mem>>
    %dma_wait3A_654 = tpu.memref_squeeze %dma_wait3A_653 : memref<1x!tpu.dma_semaphore, #tpu.memory_space<semaphore_mem>> -> memref<!tpu.dma_semaphore, #tpu.memory_space<semaphore_mem>>
    %dma_wait3A_655 = arith.constant 0 : i32
    %dma_wait3A_656 = tpu.memref_slice %arg5[%add3A_509, %dma_wait3A_655] : memref<16384x128xf32, #tpu.memory_space<hbm>> -> memref<64x128xf32, #tpu.memory_space<hbm>>
    %dma_wait3A_657 = arith.constant 0 : i32
    %dma_wait3A_658 = arith.constant 0 : i32
    %dma_wait3A_659 = tpu.memref_slice %arg8[%dma_wait3A_642, %dma_wait3A_657, %dma_wait3A_658] : memref<3x128x128xf32, #tpu.memory_space<vmem>> -> memref<1x128x128xf32, #tpu.memory_space<vmem>>
    %dma_wait3A_660 = tpu.memref_squeeze %dma_wait3A_659 : memref<1x128x128xf32, #tpu.memory_space<vmem>> -> memref<128x128xf32, #tpu.memory_space<vmem>>
    %dma_wait3A_661 = arith.constant 64 : i32
    %dma_wait3A_662 = arith.constant 0 : i32
    %dma_wait3A_663 = tpu.memref_slice %dma_wait3A_660[%dma_wait3A_661, %dma_wait3A_662] : memref<128x128xf32, #tpu.memory_space<vmem>> -> memref<64x128xf32, #tpu.memory_space<vmem>>
    tpu.wait_dma2 semaphore(%dma_wait3A_654 : memref<!tpu.dma_semaphore, #tpu.memory_space<semaphore_mem>>) src(%dma_wait3A_663 : memref<64x128xf32, #tpu.memory_space<vmem>>) dst(%dma_wait3A_656 : memref<64x128xf32, #tpu.memory_space<hbm>>)
    return
  }
}

</mosaic_0001>

<sc_bundles>
// kernel: _run.3.cloned.1.call-start
scs
__scs_entry_jumppad:
0x0: {  	(pc) =	sbr.rel $0x88, $3  }
0x1: {  	(tag) =	ssettag $0x0;
	lr =	simm.s32 $0x1  }
0x2: {  	[smem:$0x3F9E] =	sst lr;
	_ =	strace $0xD0000000  }
0x3: {  	_ = 	snop  }
0x4: {  	_ = 	snop  }
0x5: {  	_ = 	snop  }
0x6: {  	_ = 	snop  }
0x7: {  	_ = 	snop  }
__scs_overlays_trampoline_lowered:
0x8: {  	[smem:$0x3FAD] =	sst s0  }
0x9: {  	[smem:$0x3FAE] =	sst s1  }
0xa: {  	[smem:$0x3FAF] =	sst s2  }
0xb: {  	[smem:$0x3FB0] =	sst s3  }
0xc: {  	[smem:$0x3FB1] =	sst s4  }
0xd: {  	[smem:$0x3FB2] =	sst s5  }
0xe: {  	[smem:$0x3FB3] =	sst s6  }
0xf: {  	[smem:$0x3FB4] =	sst s7  }
0x10: {  	[smem:$0x3FB5] =	sst s8  }
0x11: {  	[smem:$0x3FB6] =	sst s9;
	s0 =	simm.s32 @!p0 $0x0  }
0x12: {  	s1 =	sld [smem:$0x3F9C];
	s0 =	simm.s32 @p0 $0x1  }
0x13: {  	[smem:$0x3FB7] =	sst s0;
	s0 =	simm.s32 @!p1 $0x0  }
0x14: {  	s2 =	sld [smem:$0x3F9B];
	s0 =	simm.s32 @p1 $0x1  }
0x15: {  	[smem:$0x3FB8] =	sst s0;
	s0 =	simm.s32 @!p2 $0x0  }
0x16: {  	s3 =	sld [smem:$0x3FDB];
	s0 =	simm.s32 @p2 $0x1  }
0x17: {  	s4 =	simm.s32 $0x1BF5;
	[smem:$0x3FBA] =	sst s0  }
0x18: {  	s0 =	sld [smem:$0x3F9D];
	_ =	swait.ge [sflag:s4], $0x0  }
0x19: {  	s7 =	sld [smem:$0x3F9E]  }
0x1a: {  	s8 =	sadd.s32 $0xFFFFE003, lr  }
0x1b: {  	s9 =	sadd.s32 $0xFFFFFEF7, lr;
	s5 =	simm.s32 $0xFFFFFFFF;
	p2 =	slt.u32 s8, $0xFFFFF086  }
0x1c: {  	p1 =	slt.u32 s9, $0xF7A;
	s5 =	simm.s32 @!p2 $0x0  }
0x1d: {  	s5 =	simm.s32 @p1 $0x1;
	p0 =	seq.s32 s7, s2  }
0x1e: {  	s7 =	smul.u32 @!p0 $0xF7A, s2;
	p2 =	seq.s32 @!p0 s5, $0x0  }
0x1f: {  	s9 =	smul.u32 $0xF7A, s1;
	s8 =	simm.s32 @!p0 $0x1BF5;
	p2 =	por !p2, p0  }
0x20: {  	[sflag:s8] =	ssyncset.s32 @!p0 $0xFFFFF086;
	s6 =	sadd.s32 @!p0 s3, s7;
	s7 =	simm.s32 @!p0 $0x108  }
0x21: {  	s3 =	sadd.s32 s3, s9;
	s6 =	sadd.s32 @!p0 $0x88, s6;
	s7 =	simm.s32 @p2 $0x1082  }
0x22: {  	[simem:s7], [sflag:s8] =	dma.local @!p0 [hbm:s6], $0xF7A  }
0x23: {  	s9 =	sor.u32 $0xD0000000, s2;
	s6 =	simm.s32 $0x108;
	_ =	swait.ge @!p0 [sflag:s8], $0x0  }
0x24: {  	s3 =	sadd.s32 $0x88, s3;
	s6 =	simm.s32 @!p1 $0x1082;
	[sflag:s4] =	ssyncset.s32 $0xFFFFF086  }
0x25: {  	[simem:s6], [sflag:s4] =	dma.local [hbm:s3], $0xF7A  }
0x26: {  	[smem:$0x3F9E] =	sst s1;
	(tag) =	ssettag s2;
	_ =	strace s9  }
0x27: {  	s1 =	sld [smem:$0x3FAE]  }
0x28: {  	s2 =	sld [smem:$0x3FAF]  }
0x29: {  	s4 =	sld [smem:$0x3FB1]  }
0x2a: {  	p0 =	seq.s32 s5, $0x0;
	s5 =	sld [smem:$0x3FB2]  }
0x2b: {  	s6 =	sld [smem:$0x3FB3]  }
0x2c: {  	s7 =	sld [smem:$0x3FB4]  }
0x2d: {  	s3 =	simm.s32 $0x108;
	s8 =	sld [smem:$0x3FB5]  }
0x2e: {  	s3 =	simm.s32 @!p0 $0x1082;
	s9 =	sld [smem:$0x3FB6]  }
0x2f: {  	lr =	sadd.s32 s0, s3;
	s0 =	sld [smem:$0x3FAD]  }
0x30: {  	s3 =	sld [smem:$0x3FB0]  }
0x31: {  	[smem:$0x3FB9] =	sst s10  }
0x32: {  	s10 =	sld [smem:$0x3FB7];
	_ =	sdelay $0x3  }
0x33: {  	p0 =	seq.s32 s10, $0x1;
	s10 =	sld [smem:$0x3FB9];
	_ =	sdelay $0x3  }
0x34: {  	[smem:$0x3FB9] =	sst s10  }
0x35: {  	s10 =	sld [smem:$0x3FB8];
	_ =	sdelay $0x3  }
0x36: {  	p1 =	seq.s32 s10, $0x1;
	s10 =	sld [smem:$0x3FB9];
	_ =	sdelay $0x3  }
0x37: {  	[smem:$0x3FB9] =	sst s10  }
0x38: {  	s10 =	sld [smem:$0x3FBA]  }
0x39: {  	_ = 	snop;
	(pc) =	sbr.ind lr, $3  }
0x3a: {  	_ = 	snop  }
0x3b: {  	_ = 	snop  }
0x3c: {  	p2 =	seq.s32 s10, $0x1;
	s10 =	sld [smem:$0x3FB9]  }
0x3d: {  	_ =	shalt  }
0x3e: {  	_ =	shalt  }
0x3f: {  	_ =	shalt  }
0x40: {  	_ =	shalt  }
0x41: {  	_ =	shalt  }
0x42: {  	_ =	shalt  }
0x43: {  	_ =	shalt  }
0x44: {  	_ =	shalt  }
0x45: {  	_ =	shalt  }
0x46: {  	_ =	shalt  }
0x47: {  	_ =	shalt  }
0x48: {  	_ =	shalt  }
0x49: {  	_ =	shalt  }
0x4a: {  	_ =	shalt  }
0x4b: {  	_ =	shalt  }
0x4c: {  	_ =	shalt  }
0x4d: {  	_ =	shalt  }
0x4e: {  	_ =	shalt  }
0x4f: {  	_ =	shalt  }
0x50: {  	_ =	shalt  }
0x51: {  	_ =	shalt  }
0x52: {  	_ =	shalt  }
0x53: {  	_ =	shalt  }
0x54: {  	_ =	shalt  }
0x55: {  	_ =	shalt  }
0x56: {  	_ =	shalt  }
0x57: {  	_ =	shalt  }
0x58: {  	_ =	shalt  }
0x59: {  	_ =	shalt  }
0x5a: {  	_ =	shalt  }
0x5b: {  	_ =	shalt  }
0x5c: {  	_ =	shalt  }
0x5d: {  	_ =	shalt  }
0x5e: {  	_ =	shalt  }
0x5f: {  	_ =	shalt  }
0x60: {  	_ =	shalt  }
0x61: {  	_ =	shalt  }
0x62: {  	_ =	shalt  }
0x63: {  	_ =	shalt  }
0x64: {  	_ =	shalt  }
0x65: {  	_ =	shalt  }
0x66: {  	_ =	shalt  }
0x67: {  	_ =	shalt  }
0x68: {  	_ =	shalt  }
0x69: {  	_ =	shalt  }
0x6a: {  	_ =	shalt  }
0x6b: {  	_ =	shalt  }
0x6c: {  	_ =	shalt  }
0x6d: {  	_ =	shalt  }
0x6e: {  	_ =	shalt  }
0x6f: {  	_ =	shalt  }
0x70: {  	_ =	shalt  }
0x71: {  	_ =	shalt  }
0x72: {  	_ =	shalt  }
0x73: {  	_ =	shalt  }
0x74: {  	_ =	shalt  }
0x75: {  	_ =	shalt  }
0x76: {  	_ =	shalt  }
0x77: {  	_ =	shalt  }
0x78: {  	_ =	shalt  }
0x79: {  	_ =	shalt  }
0x7a: {  	_ =	shalt  }
0x7b: {  	_ =	shalt  }
0x7c: {  	_ =	shalt  }
0x7d: {  	_ =	shalt  }
0x7e: {  	_ =	shalt  }
0x7f: {  	_ =	shalt  }
0x80: {  	_ =	shalt  }
0x81: {  	_ =	shalt  }
0x82: {  	_ =	shalt  }
0x83: {  	_ =	shalt  }
0x84: {  	_ =	shalt  }
0x85: {  	_ =	shalt  }
0x86: {  	_ =	shalt  }
0x87: {  	_ =	shalt  }
.Lfunc_end0:
.L_simem_size_0:
called_computation_lowered:
.L_overlay_start_0:
0x88: {  	s2 =	sld [smem:$0x3FD9]  }
0x89: {  	s3 =	sld [smem:$0x3FFE];
	_ =	sdelay $0x1  }
0x8a: {  	s1 =	srdreg.scid  }
0x8b: {  	s0 =	sand.u32 $0x1, s1  }
0x8c: {  	s18 =	sshll.u32 s0, $0xA;
	s2 =	sadd.s32 s3, s2  }
0x8d: {  	s2 =	sadd.s32 s2, s18  }
0x8e: {  	[smem:$0x3FC5] =	sst s2  }
0x8f: {  	_ = 	snop  }
0x90: {  	s2 =	sld [smem:$0x3FC9]  }
0x91: {  	s19 =	sld [smem:$0x3FC8]  }
0x92: {  	s4 =	sld [smem:$0x3FC7]  }
0x93: {  	s5 =	sld [smem:$0x3FD0];
	(tm) =	ssettm $0x1  }
0x94: {  	s6 =	sld [smem:$0x3FFB];
	_ =	sdelay $0x3  }
0x95: {  	_ =	strace s6  }
0x96: {  	s6 =	sld [smem:$0x3FFC];
	_ =	sdelay $0x3  }
0x97: {  	_ =	strace s6  }
0x98: {  	s6 =	sld [smem:$0x3FFD];
	_ =	sdelay $0x3  }
0x99: {  	_ =	strace s6  }
0x9a: {  	_ =	strace $0x8FFFFFFF  }
0x9b: {  	s20 =	sld [smem:$0x3FDB];
	_ =	sdelay $0x1  }
0x9c: {  	s7 =	simm.s32 $_scs_section_size  }
0x9d: {  	s8 =	simm.s32 $_size__tile_overlayer_lowered;
	s9 =	simm.s32 $_tile_overlayer_lowered  }
0x9e: {  	s23 =	simm.s32 $0x1BFF;
	s22 =	sshll.u32 s9, $0x1;
	s6 =	sadd.s32 s7, s20  }
0x9f: {  	s10 =	simm.s32 $0x0;
	s21 =	sshll.u32 s8, $0x1;
	s8 =	sadd.s32 s22, s6  }
0xa0: {  	[timem:s10], [sflag:s23] =	dma.local [hbm:s8], s21  }
0xa1: {  	_ =	swait.ge [sflag:s23], s21  }
0xa2: {  	s7 =	ssub.s32 $0x0, s21;
	[sflag:s23] =	ssyncset.done $0x0  }
0xa3: {  	[sflag:s23] =	ssyncadd.s32 s7;
	_ =	sdelay $0x1  }
0xa4: {  	s24 =	simm.s32 $0x1B8B  }
0xa5: {  	_ =	swait.ge [sflag:s24], $0x1  }
0xa6: {  	[sflag:s24] =	ssyncset.done $0x0  }
0xa7: {  	s25 =	simm.s32 $0x1B8E;
	[sflag:s24] =	ssyncadd.s32 $0xFFFFFFFF  }
0xa8: {  	s26 =	simm.s32 $execute0_lowered;
	[smem:$0x3FD2] =	sst s25  }
0xa9: {  	s7 =	sshll.u32 s26, $0x1;
	_ =	strace $0x80000046;
	[dreg:$0x1] =	wrdreg $0xFFFFFFFF  }
0xaa: {  	s28 =	simm.s32 $_size_execute0_lowered;
	s6 =	sadd.s32 s6, s7;
	[dreg:$0x0] =	wrdreg $0x0  }
0xab: {  	s7 =	sshll.u32 s28, $0x1;
	[dreg:$0x2] =	wrdreg s6  }
0xac: {  	[dreg:$0x3] =	wrdreg s7  }
0xad: {  	[dreg:$0x4] =	wrdreg $0xC0  }
0xae: {  	_ =	task [dreg:s10], $0x5FFFF  }
0xaf: {  	[dreg:$0x1] =	wrdreg $0xFFFFFFFF  }
0xb0: {  	[dreg:$0x0] =	wrdreg $0x60  }
0xb1: {  	[dreg:$0x2] =	wrdreg s2  }
0xb2: {  	[dreg:$0x3] =	wrdreg s19  }
0xb3: {  	[dreg:$0x4] =	wrdreg s4  }
0xb4: {  	[dreg:$0x5] =	wrdreg s5  }
0xb5: {  	[dreg:$0x6] =	wrdreg $0x9  }
0xb6: {  	_ =	task.clear_ibuf [dreg:s10], $0x7FFFF;
	_ =	strace $0x90000046  }
0xb7: {  	s29 =	simm.s32 $0x9;
	_ =	strace $0x80000048  }
0xb8: {  	_ =	swait.ge [sflag:s29], $0x1  }
0xb9: {  	[sflag:s29] =	ssyncadd.s32 $0xFFFFFFFF  }
0xba: {  	_ =	strace $0x90000048  }
0xbb: {  	_ =	sfence  }
0xbc: {  	s30 =	sld [smem:$0x0];
	_ =	sdelay $0x2  }
0xbd: {  	s31 =	sshll.u32 s1, $0xD;
	s1 =	sshrl.u32 s1, $0x2  }
0xbe: {  	s3 =	sand.u32 $0x4000, s31;
	s1 =	sadd.s32 s1, s30  }
0xbf: {  	s0 =	sor.u32 s3, s0;
	s1 =	sshll.u32 s1, $0x11  }
0xc0: {  	s0 =	sor.u32 s1, s0  }
0xc1: {  	s0 =	sadd.s32 $0x8F2B, s0  }
0xc2: {  	[sflag:s0] =	ssyncadd.remote.s32 $0x1  }
0xc3: {  	_ =	sfence.sel $0xFFFF  }
0xc4: {  	[dreg:$0x0] =	wrdreg $0xFFFFFFFF;
	(pc) =	sbr.abs _section_cstart, $3  }
0xc5: {  	[dreg:$0x1] =	wrdreg $0xFFFFFFFF  }
0xc6: {  	_ =	task.clear_ibuf [dreg:s10], $0x2FFFF;
	_ =	strace $0x9FFFFFFF  }
0xc7: {  	(tm) =	ssettm $0x7FFFFFFF  }
tec
execute0_lowered:
.L_overlay_start_1:
0x0: {  	(tag) =	ssettag $0x1  }
0x1: {  	s0 =	rddreg [dreg:$0x0]  }
0x2: {  	s1 =	rddreg [dreg:$0x1]  }
0x3: {  	s2 =	rddreg [dreg:$0x2]  }
0x4: {  	s4 =	rddreg [dreg:$0x3]  }
0x5: {  	s3 =	srdreg.scid;
	s6 =	stileid.u32;
	s18 =	simm.s32 $0xA  }
0x6: {  	s19 =	simm.s32 $0x80;
	s28 =	simm.s32 $0x1;
	s29 =	simm.s32 $0x4  }
0x7: {  	s30 =	simm.s32 $0xE200;
	s31 =	simm.s32 $0x6;
	s5 =	sand.u32 $0x1, s3  }
0x8: {  	s3 =	simm.s32 $0x0;
	s6 =	sshll.u32 s6, $0xA;
	s7 =	sshll.u32 s5, $0x9  }
0x9: {  	[smem:$0x7FF] =	sst s3;
	s5 =	ssub.s32 $0x2, s5;
	s6 =	sor.u32 s7, s6  }
0xa: {  	_ =	strace $0x80000047;
	s21 =	sshrl.u32 s5, $0x1;
	s8 =	sshll.u32 s6, $0x4  }
0xb: {  	s5 =	ssub.s32 s5, s21;
	s6 =	sshrl.u32 s6, $0x3;
	s21 =	simm.s32 $0x5  }
0xc: {  	s11 =	sor.u32 $0x800, s8;
	s1 =	sadd.s32 s1, s6;
	s22 =	sadd.s32 s0, s8  }
0xd: {  	s24 =	sor.u32 $0x1000, s8;
	s7 =	sadd.s32 s4, s8;
	s25 =	sor.u32 $0x1800, s8  }
0xe: {  	s17 =	smax.u32 s5, $0x1;
	s5 =	simm.s32 $0x0;
	[dreg:$0x5] =	wrdreg s1  }
0xf: {  	[dreg:$0x6] =	wrdreg s22;
	s23 =	sadd.s32 s0, s11;
	s26 =	sadd.s32 s0, s24  }
0x10: {  	s9 =	sadd.s32 $0x400, s7;
	s10 =	sadd.s32 s0, s25;
	s11 =	sadd.s32 s4, s11  }
0x11: {  	s12 =	sadd.s32 $0xC00, s7;
	s13 =	sadd.s32 s4, s24;
	s14 =	sadd.s32 $0x1400, s7  }
0x12: {  	s15 =	sadd.s32 s4, s25;
	s16 =	sadd.s32 $0x1C00, s7;
	s24 =	simm.s32 $0xC200  }
0x13: {  	s25 =	simm.s32 $0x10200;
	s0 =	simm.s32 $0x7;
	s1 =	simm.s32 $0x2  }
0x14: {  	s22 =	simm.s32 $0x8;
	s4 =	simm.s32 $0x9;
	[dreg:$0x7] =	wrdreg s23  }
0x15: {  	[dreg:$0x8] =	wrdreg s26;
	s26 =	simm.s32 $0x14200;
	s23 =	simm.s32 $0x3  }
.LBB2_1:
0x16: {  	s6 =	rddreg [dreg:$0x5]  }
0x17: {  	[tilespmem:s3], [sflag:$0xA] =	stream.linear.gather [hbm4b:s6+s3], $0x200, $0x38;
	[tilespmem:$0x18200] =	vst v63  }
0x18: {  	_ =	swait.ge [sflag:s18], $0x200  }
0x19: {  	[sflag:s18] =	ssyncset.done $0x0  }
0x1a: {  	s20 =	simm.s32 $0x200;
	[sflag:s18] =	ssyncadd.s32 $0xFFFFFE00  }
0x1b: {  	[tilespmem:s20], [sflag:$0x1] =	stream.indirect.gather [hbm4b:s2+s19], $0x80, s3, s19, $0xb8;
	[tilespmem:$0x18200] =	vst v63  }
0x1c: {  	s8 =	simm.s32 $0x4200  }
0x1d: {  	[tilespmem:s8], [sflag:$0x2] =	stream.indirect.gather [hbm4b:s2+s19], $0x80, s19, s19, $0xb8;
	[tilespmem:$0x18200] =	vst v63  }
0x1e: {  	s20 =	simm.s32 $0x100;
	s8 =	simm.s32 $0x8200  }
0x1f: {  	[tilespmem:s8], [sflag:$0x3] =	stream.indirect.gather [hbm4b:s2+s19], $0x80, s20, s19, $0xb8;
	[tilespmem:$0x18200] =	vst v63  }
0x20: {  	s20 =	rddreg [dreg:$0x6]  }
0x21: {  	[tilespmem:s24], [sflag:$0x4] =	stream.linear.gather [hbm4b:s20+s3], $0x4000, $0x38;
	[tilespmem:$0x18200] =	vst v63  }
0x22: {  	s8 =	rddreg [dreg:$0x7]  }
0x23: {  	[tilespmem:s25], [sflag:$0x5] =	stream.linear.gather [hbm4b:s8+s3], $0x4000, $0x38;
	[tilespmem:$0x18200] =	vst v63  }
0x24: {  	s20 =	rddreg [dreg:$0x8]  }
0x25: {  	[tilespmem:s26], [sflag:$0x6] =	stream.linear.gather [hbm4b:s20+s3], $0x4000, $0x38;
	[tilespmem:$0x18200] =	vst v63  }
0x26: {  	_ =	swait.ge [sflag:s28], $0x4000  }
0x27: {  	[sflag:s28] =	ssyncset.done $0x0  }
0x28: {  	[sflag:s28] =	ssyncadd.s32 $0xFFFFC000  }
0x29: {  	_ =	swait.ge [sflag:s29], $0x4000  }
0x2a: {  	[sflag:s29] =	ssyncset.done $0x0  }
0x2b: {  	s6 =	simm.s32 $0x0;
	[sflag:s29] =	ssyncadd.s32 $0xFFFFC000  }
0x2c: {  	v0 =	vld [tilespmem:s6+$0x2F0]  }
0x2d: {  	v1 =	vld [tilespmem:s6+$0x200]  }
0x2e: {  	v2 =	vld [tilespmem:s6+$0x210]  }
0x2f: {  	v3 =	vld [tilespmem:s6+$0x220]  }
0x30: {  	v4 =	vld [tilespmem:s6+$0x230]  }
0x31: {  	v5 =	vld [tilespmem:s6+$0x240]  }
0x32: {  	v6 =	vld [tilespmem:s6+$0x250]  }
0x33: {  	v7 =	vld [tilespmem:s6+$0x260]  }
0x34: {  	v8 =	vld [tilespmem:s6+$0x270]  }
0x35: {  	v9 =	vld [tilespmem:s6+$0x280]  }
0x36: {  	v10 =	vld [tilespmem:s6+$0x290]  }
0x37: {  	v11 =	vld [tilespmem:s6+$0x2A0]  }
0x38: {  	v12 =	vld [tilespmem:s6+$0x2B0]  }
0x39: {  	v13 =	vld [tilespmem:s6+$0x2C0]  }
0x3a: {  	v14 =	vld [tilespmem:s6+$0x2D0]  }
0x3b: {  	[tilespmem:s6+$0xC2F0] =	vst.add.f32.msk $0xffff, v0  }
0x3c: {  	v0 =	vld [tilespmem:s6+$0x2E0]  }
0x3d: {  	[tilespmem:s6+$0xC200] =	vst.add.f32.msk $0xffff, v1  }
0x3e: {  	[tilespmem:s6+$0xC210] =	vst.add.f32.msk $0xffff, v2  }
0x3f: {  	[tilespmem:s6+$0xC220] =	vst.add.f32.msk $0xffff, v3  }
0x40: {  	[tilespmem:s6+$0xC230] =	vst.add.f32.msk $0xffff, v4  }
0x41: {  	[tilespmem:s6+$0xC240] =	vst.add.f32.msk $0xffff, v5  }
0x42: {  	[tilespmem:s6+$0xC250] =	vst.add.f32.msk $0xffff, v6  }
0x43: {  	[tilespmem:s6+$0xC260] =	vst.add.f32.msk $0xffff, v7  }
0x44: {  	[tilespmem:s6+$0xC270] =	vst.add.f32.msk $0xffff, v8  }
0x45: {  	[tilespmem:s6+$0xC280] =	vst.add.f32.msk $0xffff, v9  }
0x46: {  	[tilespmem:s6+$0xC290] =	vst.add.f32.msk $0xffff, v10  }
0x47: {  	[tilespmem:s6+$0xC2A0] =	vst.add.f32.msk $0xffff, v11  }
0x48: {  	[tilespmem:s6+$0xC2B0] =	vst.add.f32.msk $0xffff, v12  }
0x49: {  	[tilespmem:s6+$0xC2C0] =	vst.add.f32.msk $0xffff, v13  }
0x4a: {  	s8 =	simm.s32 $0x400;
	s20 =	simm.s32 $0x0;
	[tilespmem:s6+$0xC2D0] =	vst.add.f32.msk $0xffff, v14  }
.LBB2_2:
0x4b: {  	s20 =	sadd.s32 $0x2, s20;
	[tilespmem:s6+$0xC2E0] =	vst.add.f32.msk $0xffff, v0;
	s6 =	sshra.s32 s8, $0x2  }
0x4c: {  	v0 =	vld [tilespmem:s6+$0x2F0];
	p0 =	slt.u32 s20, $0x3E  }
0x4d: {  	v1 =	vld [tilespmem:s6+$0x200]  }
0x4e: {  	v2 =	vld [tilespmem:s6+$0x210]  }
0x4f: {  	v3 =	vld [tilespmem:s6+$0x220]  }
0x50: {  	v4 =	vld [tilespmem:s6+$0x230]  }
0x51: {  	[tilespmem:s6+$0xC2F0] =	vst.add.f32.msk $0xffff, v0  }
0x52: {  	v5 =	vld [tilespmem:s6+$0x240]  }
0x53: {  	v6 =	vld [tilespmem:s6+$0x250]  }
0x54: {  	v7 =	vld [tilespmem:s6+$0x260]  }
0x55: {  	v8 =	vld [tilespmem:s6+$0x270]  }
0x56: {  	v9 =	vld [tilespmem:s6+$0x280]  }
0x57: {  	v10 =	vld [tilespmem:s6+$0x290]  }
0x58: {  	v11 =	vld [tilespmem:s6+$0x2A0]  }
0x59: {  	v12 =	vld [tilespmem:s6+$0x2B0]  }
0x5a: {  	v13 =	vld [tilespmem:s6+$0x2C0]  }
0x5b: {  	v14 =	vld [tilespmem:s6+$0x2D0]  }
0x5c: {  	v0 =	vld [tilespmem:s6+$0x2E0]  }
0x5d: {  	[tilespmem:s6+$0xC200] =	vst.add.f32.msk $0xffff, v1  }
0x5e: {  	[tilespmem:s6+$0xC210] =	vst.add.f32.msk $0xffff, v2  }
0x5f: {  	[tilespmem:s6+$0xC220] =	vst.add.f32.msk $0xffff, v3  }
0x60: {  	[tilespmem:s6+$0xC230] =	vst.add.f32.msk $0xffff, v4  }
0x61: {  	[tilespmem:s6+$0xC240] =	vst.add.f32.msk $0xffff, v5  }
0x62: {  	[tilespmem:s6+$0xC250] =	vst.add.f32.msk $0xffff, v6  }
0x63: {  	[tilespmem:s6+$0xC260] =	vst.add.f32.msk $0xffff, v7  }
0x64: {  	[tilespmem:s6+$0xC270] =	vst.add.f32.msk $0xffff, v8  }
0x65: {  	[tilespmem:s6+$0xC280] =	vst.add.f32.msk $0xffff, v9  }
.Ltmp0:
0x66: {  	[tilespmem:s6+$0xC290] =	vst.add.f32.msk $0xffff, v10;
	(pc) =	sbr.rel @p0 .LBB2_2-.Ltmp0, $4  }
0x67: {  	[tilespmem:s6+$0xC2A0] =	vst.add.f32.msk $0xffff, v11  }
0x68: {  	[tilespmem:s6+$0xC2B0] =	vst.add.f32.msk $0xffff, v12  }
0x69: {  	[tilespmem:s6+$0xC2C0] =	vst.add.f32.msk $0xffff, v13  }
0x6a: {  	s8 =	sadd.s32 $0x400, s8;
	[tilespmem:s6+$0xC2D0] =	vst.add.f32.msk $0xffff, v14  }
0x6b: {  	[tilespmem:s6+$0xC2E0] =	vst.add.f32.msk $0xffff, v0;
	s20 =	simm.s32 $0x0;
	s6 =	simm.s32 $0x0  }
0x6c: {  	[hbm4b:s7+s20] =	stream.linear.scatter [tilespmem:s24], [sflag:$0x7], $0x2000, $0x38;
	[tilespmem:$0x18200] =	vst v63  }
0x6d: {  	v0 =	vld [tilespmem:s6+$0x22F0]  }
0x6e: {  	v1 =	vld [tilespmem:s6+$0x2200]  }
0x6f: {  	v2 =	vld [tilespmem:s6+$0x2210]  }
0x70: {  	v3 =	vld [tilespmem:s6+$0x2220]  }
0x71: {  	v4 =	vld [tilespmem:s6+$0x2230]  }
0x72: {  	v5 =	vld [tilespmem:s6+$0x2240]  }
0x73: {  	v6 =	vld [tilespmem:s6+$0x2250]  }
0x74: {  	v7 =	vld [tilespmem:s6+$0x2260]  }
0x75: {  	v8 =	vld [tilespmem:s6+$0x2270]  }
0x76: {  	v9 =	vld [tilespmem:s6+$0x2280]  }
0x77: {  	v10 =	vld [tilespmem:s6+$0x2290]  }
0x78: {  	v11 =	vld [tilespmem:s6+$0x22A0]  }
0x79: {  	v12 =	vld [tilespmem:s6+$0x22B0]  }
0x7a: {  	v13 =	vld [tilespmem:s6+$0x22C0]  }
0x7b: {  	v14 =	vld [tilespmem:s6+$0x22D0]  }
0x7c: {  	[tilespmem:s6+$0xE2F0] =	vst.add.f32.msk $0xffff, v0  }
0x7d: {  	v0 =	vld [tilespmem:s6+$0x22E0]  }
0x7e: {  	[tilespmem:s6+$0xE200] =	vst.add.f32.msk $0xffff, v1  }
0x7f: {  	[tilespmem:s6+$0xE210] =	vst.add.f32.msk $0xffff, v2  }
0x80: {  	[tilespmem:s6+$0xE220] =	vst.add.f32.msk $0xffff, v3  }
0x81: {  	[tilespmem:s6+$0xE230] =	vst.add.f32.msk $0xffff, v4  }
0x82: {  	[tilespmem:s6+$0xE240] =	vst.add.f32.msk $0xffff, v5  }
0x83: {  	[tilespmem:s6+$0xE250] =	vst.add.f32.msk $0xffff, v6  }
0x84: {  	[tilespmem:s6+$0xE260] =	vst.add.f32.msk $0xffff, v7  }
0x85: {  	[tilespmem:s6+$0xE270] =	vst.add.f32.msk $0xffff, v8  }
0x86: {  	[tilespmem:s6+$0xE280] =	vst.add.f32.msk $0xffff, v9  }
0x87: {  	[tilespmem:s6+$0xE290] =	vst.add.f32.msk $0xffff, v10  }
0x88: {  	[tilespmem:s6+$0xE2A0] =	vst.add.f32.msk $0xffff, v11  }
0x89: {  	[tilespmem:s6+$0xE2B0] =	vst.add.f32.msk $0xffff, v12  }
0x8a: {  	[tilespmem:s6+$0xE2C0] =	vst.add.f32.msk $0xffff, v13  }
0x8b: {  	s8 =	simm.s32 $0x400;
	s20 =	simm.s32 $0x40;
	[tilespmem:s6+$0xE2D0] =	vst.add.f32.msk $0xffff, v14  }
.LBB2_4:
0x8c: {  	s20 =	sadd.s32 $0x2, s20;
	[tilespmem:s6+$0xE2E0] =	vst.add.f32.msk $0xffff, v0;
	s6 =	sshra.s32 s8, $0x2  }
0x8d: {  	v0 =	vld [tilespmem:s6+$0x22F0];
	p0 =	slt.u32 s20, $0x7E  }
0x8e: {  	v1 =	vld [tilespmem:s6+$0x2200]  }
0x8f: {  	v2 =	vld [tilespmem:s6+$0x2210]  }
0x90: {  	v3 =	vld [tilespmem:s6+$0x2220]  }
0x91: {  	v4 =	vld [tilespmem:s6+$0x2230]  }
0x92: {  	[tilespmem:s6+$0xE2F0] =	vst.add.f32.msk $0xffff, v0  }
0x93: {  	v5 =	vld [tilespmem:s6+$0x2240]  }
0x94: {  	v6 =	vld [tilespmem:s6+$0x2250]  }
0x95: {  	v7 =	vld [tilespmem:s6+$0x2260]  }
0x96: {  	v8 =	vld [tilespmem:s6+$0x2270]  }
0x97: {  	v9 =	vld [tilespmem:s6+$0x2280]  }
0x98: {  	v10 =	vld [tilespmem:s6+$0x2290]  }
0x99: {  	v11 =	vld [tilespmem:s6+$0x22A0]  }
0x9a: {  	v12 =	vld [tilespmem:s6+$0x22B0]  }
0x9b: {  	v13 =	vld [tilespmem:s6+$0x22C0]  }
0x9c: {  	v14 =	vld [tilespmem:s6+$0x22D0]  }
0x9d: {  	v0 =	vld [tilespmem:s6+$0x22E0]  }
0x9e: {  	[tilespmem:s6+$0xE200] =	vst.add.f32.msk $0xffff, v1  }
0x9f: {  	[tilespmem:s6+$0xE210] =	vst.add.f32.msk $0xffff, v2  }
0xa0: {  	[tilespmem:s6+$0xE220] =	vst.add.f32.msk $0xffff, v3  }
0xa1: {  	[tilespmem:s6+$0xE230] =	vst.add.f32.msk $0xffff, v4  }
0xa2: {  	[tilespmem:s6+$0xE240] =	vst.add.f32.msk $0xffff, v5  }
0xa3: {  	[tilespmem:s6+$0xE250] =	vst.add.f32.msk $0xffff, v6  }
0xa4: {  	[tilespmem:s6+$0xE260] =	vst.add.f32.msk $0xffff, v7  }
0xa5: {  	[tilespmem:s6+$0xE270] =	vst.add.f32.msk $0xffff, v8  }
0xa6: {  	[tilespmem:s6+$0xE280] =	vst.add.f32.msk $0xffff, v9  }
.Ltmp1:
0xa7: {  	[tilespmem:s6+$0xE290] =	vst.add.f32.msk $0xffff, v10;
	(pc) =	sbr.rel @p0 .LBB2_4-.Ltmp1, $4  }
0xa8: {  	[tilespmem:s6+$0xE2A0] =	vst.add.f32.msk $0xffff, v11  }
0xa9: {  	[tilespmem:s6+$0xE2B0] =	vst.add.f32.msk $0xffff, v12  }
0xaa: {  	[tilespmem:s6+$0xE2C0] =	vst.add.f32.msk $0xffff, v13  }
0xab: {  	s8 =	sadd.s32 $0x400, s8;
	[tilespmem:s6+$0xE2D0] =	vst.add.f32.msk $0xffff, v14  }
0xac: {  	[tilespmem:s6+$0xE2E0] =	vst.add.f32.msk $0xffff, v0;
	s6 =	simm.s32 $0x0  }
0xad: {  	[hbm4b:s9+s6] =	stream.linear.scatter [tilespmem:s30], [sflag:$0x7], $0x2000, $0x38;
	[tilespmem:$0x18200] =	vst v63  }
0xae: {  	s8 =	simm.s32 $0x200;
	s20 =	simm.s32 $0x180  }
0xaf: {  	[tilespmem:s8], [sflag:$0x1] =	stream.indirect.gather [hbm4b:s2+s19], $0x80, s20, s19, $0xb8;
	[tilespmem:$0x18200] =	vst v63  }
0xb0: {  	_ =	swait.ge [sflag:s0], $0x2000  }
0xb1: {  	[sflag:s0] =	ssyncset.done $0x0  }
0xb2: {  	[sflag:s0] =	ssyncadd.s32 $0xFFFFE000  }
0xb3: {  	_ =	swait.ge [sflag:s0], $0x2000  }
0xb4: {  	[sflag:s0] =	ssyncset.done $0x0  }
0xb5: {  	[sflag:s0] =	ssyncadd.s32 $0xFFFFE000  }
0xb6: {  	[tilespmem:s24], [sflag:$0x4] =	stream.linear.gather [hbm4b:s10+s6], $0x4000, $0x38;
	[tilespmem:$0x18200] =	vst v63  }
0xb7: {  	_ =	swait.ge [sflag:s1], $0x4000  }
0xb8: {  	[sflag:s1] =	ssyncset.done $0x0  }
0xb9: {  	[sflag:s1] =	ssyncadd.s32 $0xFFFFC000  }
0xba: {  	_ =	swait.ge [sflag:s21], $0x4000  }
0xbb: {  	[sflag:s21] =	ssyncset.done $0x0  }
0xbc: {  	s6 =	simm.s32 $0x0;
	[sflag:s21] =	ssyncadd.s32 $0xFFFFC000  }
0xbd: {  	v0 =	vld [tilespmem:s6+$0x42F0]  }
0xbe: {  	v1 =	vld [tilespmem:s6+$0x4200]  }
0xbf: {  	v2 =	vld [tilespmem:s6+$0x4210]  }
0xc0: {  	v3 =	vld [tilespmem:s6+$0x4220]  }
0xc1: {  	v4 =	vld [tilespmem:s6+$0x4230]  }
0xc2: {  	v5 =	vld [tilespmem:s6+$0x4240]  }
0xc3: {  	v6 =	vld [tilespmem:s6+$0x4250]  }
0xc4: {  	v7 =	vld [tilespmem:s6+$0x4260]  }
0xc5: {  	v8 =	vld [tilespmem:s6+$0x4270]  }
0xc6: {  	v9 =	vld [tilespmem:s6+$0x4280]  }
0xc7: {  	v10 =	vld [tilespmem:s6+$0x4290]  }
0xc8: {  	v11 =	vld [tilespmem:s6+$0x42A0]  }
0xc9: {  	v12 =	vld [tilespmem:s6+$0x42B0]  }
0xca: {  	v13 =	vld [tilespmem:s6+$0x42C0]  }
0xcb: {  	v14 =	vld [tilespmem:s6+$0x42D0]  }
0xcc: {  	[tilespmem:s6+$0x102F0] =	vst.add.f32.msk $0xffff, v0  }
0xcd: {  	v0 =	vld [tilespmem:s6+$0x42E0]  }
0xce: {  	[tilespmem:s6+$0x10200] =	vst.add.f32.msk $0xffff, v1  }
0xcf: {  	[tilespmem:s6+$0x10210] =	vst.add.f32.msk $0xffff, v2  }
0xd0: {  	[tilespmem:s6+$0x10220] =	vst.add.f32.msk $0xffff, v3  }
0xd1: {  	[tilespmem:s6+$0x10230] =	vst.add.f32.msk $0xffff, v4  }
0xd2: {  	[tilespmem:s6+$0x10240] =	vst.add.f32.msk $0xffff, v5  }
0xd3: {  	[tilespmem:s6+$0x10250] =	vst.add.f32.msk $0xffff, v6  }
0xd4: {  	[tilespmem:s6+$0x10260] =	vst.add.f32.msk $0xffff, v7  }
0xd5: {  	[tilespmem:s6+$0x10270] =	vst.add.f32.msk $0xffff, v8  }
0xd6: {  	[tilespmem:s6+$0x10280] =	vst.add.f32.msk $0xffff, v9  }
0xd7: {  	[tilespmem:s6+$0x10290] =	vst.add.f32.msk $0xffff, v10  }
0xd8: {  	[tilespmem:s6+$0x102A0] =	vst.add.f32.msk $0xffff, v11  }
0xd9: {  	[tilespmem:s6+$0x102B0] =	vst.add.f32.msk $0xffff, v12  }
0xda: {  	[tilespmem:s6+$0x102C0] =	vst.add.f32.msk $0xffff, v13  }
0xdb: {  	s20 =	simm.s32 $0x0;
	s8 =	simm.s32 $0x400;
	[tilespmem:s6+$0x102D0] =	vst.add.f32.msk $0xffff, v14  }
.LBB2_6:
0xdc: {  	s20 =	sadd.s32 $0x2, s20;
	[tilespmem:s6+$0x102E0] =	vst.add.f32.msk $0xffff, v0;
	s6 =	sshra.s32 s8, $0x2  }
0xdd: {  	v0 =	vld [tilespmem:s6+$0x42F0];
	p0 =	slt.u32 s20, $0x3E  }
0xde: {  	v1 =	vld [tilespmem:s6+$0x4200]  }
0xdf: {  	v2 =	vld [tilespmem:s6+$0x4210]  }
0xe0: {  	v3 =	vld [tilespmem:s6+$0x4220]  }
0xe1: {  	v4 =	vld [tilespmem:s6+$0x4230]  }
0xe2: {  	[tilespmem:s6+$0x102F0] =	vst.add.f32.msk $0xffff, v0  }
0xe3: {  	v5 =	vld [tilespmem:s6+$0x4240]  }
0xe4: {  	v6 =	vld [tilespmem:s6+$0x4250]  }
0xe5: {  	v7 =	vld [tilespmem:s6+$0x4260]  }
0xe6: {  	v8 =	vld [tilespmem:s6+$0x4270]  }
0xe7: {  	v9 =	vld [tilespmem:s6+$0x4280]  }
0xe8: {  	v10 =	vld [tilespmem:s6+$0x4290]  }
0xe9: {  	v11 =	vld [tilespmem:s6+$0x42A0]  }
0xea: {  	v12 =	vld [tilespmem:s6+$0x42B0]  }
0xeb: {  	v13 =	vld [tilespmem:s6+$0x42C0]  }
0xec: {  	v14 =	vld [tilespmem:s6+$0x42D0]  }
0xed: {  	v0 =	vld [tilespmem:s6+$0x42E0]  }
0xee: {  	[tilespmem:s6+$0x10200] =	vst.add.f32.msk $0xffff, v1  }
0xef: {  	[tilespmem:s6+$0x10210] =	vst.add.f32.msk $0xffff, v2  }
0xf0: {  	[tilespmem:s6+$0x10220] =	vst.add.f32.msk $0xffff, v3  }
0xf1: {  	[tilespmem:s6+$0x10230] =	vst.add.f32.msk $0xffff, v4  }
0xf2: {  	[tilespmem:s6+$0x10240] =	vst.add.f32.msk $0xffff, v5  }
0xf3: {  	[tilespmem:s6+$0x10250] =	vst.add.f32.msk $0xffff, v6  }
0xf4: {  	[tilespmem:s6+$0x10260] =	vst.add.f32.msk $0xffff, v7  }
0xf5: {  	[tilespmem:s6+$0x10270] =	vst.add.f32.msk $0xffff, v8  }
0xf6: {  	[tilespmem:s6+$0x10280] =	vst.add.f32.msk $0xffff, v9  }
.Ltmp2:
0xf7: {  	[tilespmem:s6+$0x10290] =	vst.add.f32.msk $0xffff, v10;
	(pc) =	sbr.rel @p0 .LBB2_6-.Ltmp2, $4  }
0xf8: {  	[tilespmem:s6+$0x102A0] =	vst.add.f32.msk $0xffff, v11  }
0xf9: {  	[tilespmem:s6+$0x102B0] =	vst.add.f32.msk $0xffff, v12  }
0xfa: {  	[tilespmem:s6+$0x102C0] =	vst.add.f32.msk $0xffff, v13  }
0xfb: {  	s8 =	sadd.s32 $0x400, s8;
	[tilespmem:s6+$0x102D0] =	vst.add.f32.msk $0xffff, v14  }
0xfc: {  	[tilespmem:s6+$0x102E0] =	vst.add.f32.msk $0xffff, v0;
	s20 =	simm.s32 $0x0;
	s6 =	simm.s32 $0x0  }
0xfd: {  	[hbm4b:s11+s20] =	stream.linear.scatter [tilespmem:s25], [sflag:$0x8], $0x2000, $0x38;
	[tilespmem:$0x18200] =	vst v63  }
0xfe: {  	v0 =	vld [tilespmem:s6+$0x62F0]  }
0xff: {  	v1 =	vld [tilespmem:s6+$0x6200]  }
0x100: {  	v2 =	vld [tilespmem:s6+$0x6210]  }
0x101: {  	v3 =	vld [tilespmem:s6+$0x6220]  }
0x102: {  	v4 =	vld [tilespmem:s6+$0x6230]  }
0x103: {  	v5 =	vld [tilespmem:s6+$0x6240]  }
0x104: {  	v6 =	vld [tilespmem:s6+$0x6250]  }
0x105: {  	v7 =	vld [tilespmem:s6+$0x6260]  }
0x106: {  	v8 =	vld [tilespmem:s6+$0x6270]  }
0x107: {  	v9 =	vld [tilespmem:s6+$0x6280]  }
0x108: {  	v10 =	vld [tilespmem:s6+$0x6290]  }
0x109: {  	v11 =	vld [tilespmem:s6+$0x62A0]  }
0x10a: {  	v12 =	vld [tilespmem:s6+$0x62B0]  }
0x10b: {  	v13 =	vld [tilespmem:s6+$0x62C0]  }
0x10c: {  	v14 =	vld [tilespmem:s6+$0x62D0]  }
0x10d: {  	[tilespmem:s6+$0x122F0] =	vst.add.f32.msk $0xffff, v0  }
0x10e: {  	v0 =	vld [tilespmem:s6+$0x62E0]  }
0x10f: {  	[tilespmem:s6+$0x12200] =	vst.add.f32.msk $0xffff, v1  }
0x110: {  	[tilespmem:s6+$0x12210] =	vst.add.f32.msk $0xffff, v2  }
0x111: {  	[tilespmem:s6+$0x12220] =	vst.add.f32.msk $0xffff, v3  }
0x112: {  	[tilespmem:s6+$0x12230] =	vst.add.f32.msk $0xffff, v4  }
0x113: {  	[tilespmem:s6+$0x12240] =	vst.add.f32.msk $0xffff, v5  }
0x114: {  	[tilespmem:s6+$0x12250] =	vst.add.f32.msk $0xffff, v6  }
0x115: {  	[tilespmem:s6+$0x12260] =	vst.add.f32.msk $0xffff, v7  }
0x116: {  	[tilespmem:s6+$0x12270] =	vst.add.f32.msk $0xffff, v8  }
0x117: {  	[tilespmem:s6+$0x12280] =	vst.add.f32.msk $0xffff, v9  }
0x118: {  	[tilespmem:s6+$0x12290] =	vst.add.f32.msk $0xffff, v10  }
0x119: {  	[tilespmem:s6+$0x122A0] =	vst.add.f32.msk $0xffff, v11  }
0x11a: {  	[tilespmem:s6+$0x122B0] =	vst.add.f32.msk $0xffff, v12  }
0x11b: {  	[tilespmem:s6+$0x122C0] =	vst.add.f32.msk $0xffff, v13  }
0x11c: {  	s8 =	simm.s32 $0x400;
	s20 =	simm.s32 $0x40;
	[tilespmem:s6+$0x122D0] =	vst.add.f32.msk $0xffff, v14  }
.LBB2_8:
0x11d: {  	s20 =	sadd.s32 $0x2, s20;
	[tilespmem:s6+$0x122E0] =	vst.add.f32.msk $0xffff, v0;
	s6 =	sshra.s32 s8, $0x2  }
0x11e: {  	v0 =	vld [tilespmem:s6+$0x62F0];
	p0 =	slt.u32 s20, $0x7E  }
0x11f: {  	v1 =	vld [tilespmem:s6+$0x6200]  }
0x120: {  	v2 =	vld [tilespmem:s6+$0x6210]  }
0x121: {  	v3 =	vld [tilespmem:s6+$0x6220]  }
0x122: {  	v4 =	vld [tilespmem:s6+$0x6230]  }
0x123: {  	[tilespmem:s6+$0x122F0] =	vst.add.f32.msk $0xffff, v0  }
0x124: {  	v5 =	vld [tilespmem:s6+$0x6240]  }
0x125: {  	v6 =	vld [tilespmem:s6+$0x6250]  }
0x126: {  	v7 =	vld [tilespmem:s6+$0x6260]  }
0x127: {  	v8 =	vld [tilespmem:s6+$0x6270]  }
0x128: {  	v9 =	vld [tilespmem:s6+$0x6280]  }
0x129: {  	v10 =	vld [tilespmem:s6+$0x6290]  }
0x12a: {  	v11 =	vld [tilespmem:s6+$0x62A0]  }
0x12b: {  	v12 =	vld [tilespmem:s6+$0x62B0]  }
0x12c: {  	v13 =	vld [tilespmem:s6+$0x62C0]  }
0x12d: {  	v14 =	vld [tilespmem:s6+$0x62D0]  }
0x12e: {  	v0 =	vld [tilespmem:s6+$0x62E0]  }
0x12f: {  	[tilespmem:s6+$0x12200] =	vst.add.f32.msk $0xffff, v1  }
0x130: {  	[tilespmem:s6+$0x12210] =	vst.add.f32.msk $0xffff, v2  }
0x131: {  	[tilespmem:s6+$0x12220] =	vst.add.f32.msk $0xffff, v3  }
0x132: {  	[tilespmem:s6+$0x12230] =	vst.add.f32.msk $0xffff, v4  }
0x133: {  	[tilespmem:s6+$0x12240] =	vst.add.f32.msk $0xffff, v5  }
0x134: {  	[tilespmem:s6+$0x12250] =	vst.add.f32.msk $0xffff, v6  }
0x135: {  	[tilespmem:s6+$0x12260] =	vst.add.f32.msk $0xffff, v7  }
0x136: {  	[tilespmem:s6+$0x12270] =	vst.add.f32.msk $0xffff, v8  }
0x137: {  	[tilespmem:s6+$0x12280] =	vst.add.f32.msk $0xffff, v9  }
.Ltmp3:
0x138: {  	[tilespmem:s6+$0x12290] =	vst.add.f32.msk $0xffff, v10;
	(pc) =	sbr.rel @p0 .LBB2_8-.Ltmp3, $4  }
0x139: {  	[tilespmem:s6+$0x122A0] =	vst.add.f32.msk $0xffff, v11  }
0x13a: {  	[tilespmem:s6+$0x122B0] =	vst.add.f32.msk $0xffff, v12  }
0x13b: {  	[tilespmem:s6+$0x122C0] =	vst.add.f32.msk $0xffff, v13  }
0x13c: {  	s8 =	sadd.s32 $0x400, s8;
	[tilespmem:s6+$0x122D0] =	vst.add.f32.msk $0xffff, v14  }
0x13d: {  	[tilespmem:s6+$0x122E0] =	vst.add.f32.msk $0xffff, v0;
	s20 =	simm.s32 $0x0;
	s8 =	simm.s32 $0x12200  }
0x13e: {  	[hbm4b:s12+s20] =	stream.linear.scatter [tilespmem:s8], [sflag:$0x8], $0x2000, $0x38;
	[tilespmem:$0x18200] =	vst v63  }
0x13f: {  	_ =	swait.ge [sflag:s23], $0x4000  }
0x140: {  	[sflag:s23] =	ssyncset.done $0x0  }
0x141: {  	[sflag:s23] =	ssyncadd.s32 $0xFFFFC000  }
0x142: {  	_ =	swait.ge [sflag:s31], $0x4000  }
0x143: {  	[sflag:s31] =	ssyncset.done $0x0  }
0x144: {  	s6 =	simm.s32 $0x0;
	[sflag:s31] =	ssyncadd.s32 $0xFFFFC000  }
0x145: {  	v0 =	vld [tilespmem:s6+$0x82F0]  }
0x146: {  	v1 =	vld [tilespmem:s6+$0x8200]  }
0x147: {  	v2 =	vld [tilespmem:s6+$0x8210]  }
0x148: {  	v3 =	vld [tilespmem:s6+$0x8220]  }
0x149: {  	v4 =	vld [tilespmem:s6+$0x8230]  }
0x14a: {  	v5 =	vld [tilespmem:s6+$0x8240]  }
0x14b: {  	v6 =	vld [tilespmem:s6+$0x8250]  }
0x14c: {  	v7 =	vld [tilespmem:s6+$0x8260]  }
0x14d: {  	v8 =	vld [tilespmem:s6+$0x8270]  }
0x14e: {  	v9 =	vld [tilespmem:s6+$0x8280]  }
0x14f: {  	v10 =	vld [tilespmem:s6+$0x8290]  }
0x150: {  	v11 =	vld [tilespmem:s6+$0x82A0]  }
0x151: {  	v12 =	vld [tilespmem:s6+$0x82B0]  }
0x152: {  	v13 =	vld [tilespmem:s6+$0x82C0]  }
0x153: {  	v14 =	vld [tilespmem:s6+$0x82D0]  }
0x154: {  	[tilespmem:s6+$0x142F0] =	vst.add.f32.msk $0xffff, v0  }
0x155: {  	v0 =	vld [tilespmem:s6+$0x82E0]  }
0x156: {  	[tilespmem:s6+$0x14200] =	vst.add.f32.msk $0xffff, v1  }
0x157: {  	[tilespmem:s6+$0x14210] =	vst.add.f32.msk $0xffff, v2  }
0x158: {  	[tilespmem:s6+$0x14220] =	vst.add.f32.msk $0xffff, v3  }
0x159: {  	[tilespmem:s6+$0x14230] =	vst.add.f32.msk $0xffff, v4  }
0x15a: {  	[tilespmem:s6+$0x14240] =	vst.add.f32.msk $0xffff, v5  }
0x15b: {  	[tilespmem:s6+$0x14250] =	vst.add.f32.msk $0xffff, v6  }
0x15c: {  	[tilespmem:s6+$0x14260] =	vst.add.f32.msk $0xffff, v7  }
0x15d: {  	[tilespmem:s6+$0x14270] =	vst.add.f32.msk $0xffff, v8  }
0x15e: {  	[tilespmem:s6+$0x14280] =	vst.add.f32.msk $0xffff, v9  }
0x15f: {  	[tilespmem:s6+$0x14290] =	vst.add.f32.msk $0xffff, v10  }
0x160: {  	[tilespmem:s6+$0x142A0] =	vst.add.f32.msk $0xffff, v11  }
0x161: {  	[tilespmem:s6+$0x142B0] =	vst.add.f32.msk $0xffff, v12  }
0x162: {  	[tilespmem:s6+$0x142C0] =	vst.add.f32.msk $0xffff, v13  }
0x163: {  	s20 =	simm.s32 $0x0;
	s8 =	simm.s32 $0x400;
	[tilespmem:s6+$0x142D0] =	vst.add.f32.msk $0xffff, v14  }
.LBB2_10:
0x164: {  	s20 =	sadd.s32 $0x2, s20;
	[tilespmem:s6+$0x142E0] =	vst.add.f32.msk $0xffff, v0;
	s6 =	sshra.s32 s8, $0x2  }
0x165: {  	v0 =	vld [tilespmem:s6+$0x82F0];
	p0 =	slt.u32 s20, $0x3E  }
0x166: {  	v1 =	vld [tilespmem:s6+$0x8200]  }
0x167: {  	v2 =	vld [tilespmem:s6+$0x8210]  }
0x168: {  	v3 =	vld [tilespmem:s6+$0x8220]  }
0x169: {  	v4 =	vld [tilespmem:s6+$0x8230]  }
0x16a: {  	[tilespmem:s6+$0x142F0] =	vst.add.f32.msk $0xffff, v0  }
0x16b: {  	v5 =	vld [tilespmem:s6+$0x8240]  }
0x16c: {  	v6 =	vld [tilespmem:s6+$0x8250]  }
0x16d: {  	v7 =	vld [tilespmem:s6+$0x8260]  }
0x16e: {  	v8 =	vld [tilespmem:s6+$0x8270]  }
0x16f: {  	v9 =	vld [tilespmem:s6+$0x8280]  }
0x170: {  	v10 =	vld [tilespmem:s6+$0x8290]  }
0x171: {  	v11 =	vld [tilespmem:s6+$0x82A0]  }
0x172: {  	v12 =	vld [tilespmem:s6+$0x82B0]  }
0x173: {  	v13 =	vld [tilespmem:s6+$0x82C0]  }
0x174: {  	v14 =	vld [tilespmem:s6+$0x82D0]  }
0x175: {  	v0 =	vld [tilespmem:s6+$0x82E0]  }
0x176: {  	[tilespmem:s6+$0x14200] =	vst.add.f32.msk $0xffff, v1  }
0x177: {  	[tilespmem:s6+$0x14210] =	vst.add.f32.msk $0xffff, v2  }
0x178: {  	[tilespmem:s6+$0x14220] =	vst.add.f32.msk $0xffff, v3  }
0x179: {  	[tilespmem:s6+$0x14230] =	vst.add.f32.msk $0xffff, v4  }
0x17a: {  	[tilespmem:s6+$0x14240] =	vst.add.f32.msk $0xffff, v5  }
0x17b: {  	[tilespmem:s6+$0x14250] =	vst.add.f32.msk $0xffff, v6  }
0x17c: {  	[tilespmem:s6+$0x14260] =	vst.add.f32.msk $0xffff, v7  }
0x17d: {  	[tilespmem:s6+$0x14270] =	vst.add.f32.msk $0xffff, v8  }
0x17e: {  	[tilespmem:s6+$0x14280] =	vst.add.f32.msk $0xffff, v9  }
.Ltmp4:
0x17f: {  	[tilespmem:s6+$0x14290] =	vst.add.f32.msk $0xffff, v10;
	(pc) =	sbr.rel @p0 .LBB2_10-.Ltmp4, $4  }
0x180: {  	[tilespmem:s6+$0x142A0] =	vst.add.f32.msk $0xffff, v11  }
0x181: {  	[tilespmem:s6+$0x142B0] =	vst.add.f32.msk $0xffff, v12  }
0x182: {  	[tilespmem:s6+$0x142C0] =	vst.add.f32.msk $0xffff, v13  }
0x183: {  	s8 =	sadd.s32 $0x400, s8;
	[tilespmem:s6+$0x142D0] =	vst.add.f32.msk $0xffff, v14  }
0x184: {  	[tilespmem:s6+$0x142E0] =	vst.add.f32.msk $0xffff, v0;
	s20 =	simm.s32 $0x0;
	s6 =	simm.s32 $0x0  }
0x185: {  	[hbm4b:s13+s20] =	stream.linear.scatter [tilespmem:s26], [sflag:$0x9], $0x2000, $0x38;
	[tilespmem:$0x18200] =	vst v63  }
0x186: {  	v0 =	vld [tilespmem:s6+$0xA2F0]  }
0x187: {  	v1 =	vld [tilespmem:s6+$0xA200]  }
0x188: {  	v2 =	vld [tilespmem:s6+$0xA210]  }
0x189: {  	v3 =	vld [tilespmem:s6+$0xA220]  }
0x18a: {  	v4 =	vld [tilespmem:s6+$0xA230]  }
0x18b: {  	v5 =	vld [tilespmem:s6+$0xA240]  }
0x18c: {  	v6 =	vld [tilespmem:s6+$0xA250]  }
0x18d: {  	v7 =	vld [tilespmem:s6+$0xA260]  }
0x18e: {  	v8 =	vld [tilespmem:s6+$0xA270]  }
0x18f: {  	v9 =	vld [tilespmem:s6+$0xA280]  }
0x190: {  	v10 =	vld [tilespmem:s6+$0xA290]  }
0x191: {  	v11 =	vld [tilespmem:s6+$0xA2A0]  }
0x192: {  	v12 =	vld [tilespmem:s6+$0xA2B0]  }
0x193: {  	v13 =	vld [tilespmem:s6+$0xA2C0]  }
0x194: {  	v14 =	vld [tilespmem:s6+$0xA2D0]  }
0x195: {  	[tilespmem:s6+$0x162F0] =	vst.add.f32.msk $0xffff, v0  }
0x196: {  	v0 =	vld [tilespmem:s6+$0xA2E0]  }
0x197: {  	[tilespmem:s6+$0x16200] =	vst.add.f32.msk $0xffff, v1  }
0x198: {  	[tilespmem:s6+$0x16210] =	vst.add.f32.msk $0xffff, v2  }
0x199: {  	[tilespmem:s6+$0x16220] =	vst.add.f32.msk $0xffff, v3  }
0x19a: {  	[tilespmem:s6+$0x16230] =	vst.add.f32.msk $0xffff, v4  }
0x19b: {  	[tilespmem:s6+$0x16240] =	vst.add.f32.msk $0xffff, v5  }
0x19c: {  	[tilespmem:s6+$0x16250] =	vst.add.f32.msk $0xffff, v6  }
0x19d: {  	[tilespmem:s6+$0x16260] =	vst.add.f32.msk $0xffff, v7  }
0x19e: {  	[tilespmem:s6+$0x16270] =	vst.add.f32.msk $0xffff, v8  }
0x19f: {  	[tilespmem:s6+$0x16280] =	vst.add.f32.msk $0xffff, v9  }
0x1a0: {  	[tilespmem:s6+$0x16290] =	vst.add.f32.msk $0xffff, v10  }
0x1a1: {  	[tilespmem:s6+$0x162A0] =	vst.add.f32.msk $0xffff, v11  }
0x1a2: {  	[tilespmem:s6+$0x162B0] =	vst.add.f32.msk $0xffff, v12  }
0x1a3: {  	[tilespmem:s6+$0x162C0] =	vst.add.f32.msk $0xffff, v13  }
0x1a4: {  	s8 =	simm.s32 $0x400;
	s20 =	simm.s32 $0x40;
	[tilespmem:s6+$0x162D0] =	vst.add.f32.msk $0xffff, v14  }
.LBB2_12:
0x1a5: {  	s20 =	sadd.s32 $0x2, s20;
	[tilespmem:s6+$0x162E0] =	vst.add.f32.msk $0xffff, v0;
	s6 =	sshra.s32 s8, $0x2  }
0x1a6: {  	v0 =	vld [tilespmem:s6+$0xA2F0];
	p0 =	slt.u32 s20, $0x7E  }
0x1a7: {  	v1 =	vld [tilespmem:s6+$0xA200]  }
0x1a8: {  	v2 =	vld [tilespmem:s6+$0xA210]  }
0x1a9: {  	v3 =	vld [tilespmem:s6+$0xA220]  }
0x1aa: {  	v4 =	vld [tilespmem:s6+$0xA230]  }
0x1ab: {  	[tilespmem:s6+$0x162F0] =	vst.add.f32.msk $0xffff, v0  }
0x1ac: {  	v5 =	vld [tilespmem:s6+$0xA240]  }
0x1ad: {  	v6 =	vld [tilespmem:s6+$0xA250]  }
0x1ae: {  	v7 =	vld [tilespmem:s6+$0xA260]  }
0x1af: {  	v8 =	vld [tilespmem:s6+$0xA270]  }
0x1b0: {  	v9 =	vld [tilespmem:s6+$0xA280]  }
0x1b1: {  	v10 =	vld [tilespmem:s6+$0xA290]  }
0x1b2: {  	v11 =	vld [tilespmem:s6+$0xA2A0]  }
0x1b3: {  	v12 =	vld [tilespmem:s6+$0xA2B0]  }
0x1b4: {  	v13 =	vld [tilespmem:s6+$0xA2C0]  }
0x1b5: {  	v14 =	vld [tilespmem:s6+$0xA2D0]  }
0x1b6: {  	v0 =	vld [tilespmem:s6+$0xA2E0]  }
0x1b7: {  	[tilespmem:s6+$0x16200] =	vst.add.f32.msk $0xffff, v1  }
0x1b8: {  	[tilespmem:s6+$0x16210] =	vst.add.f32.msk $0xffff, v2  }
0x1b9: {  	[tilespmem:s6+$0x16220] =	vst.add.f32.msk $0xffff, v3  }
0x1ba: {  	[tilespmem:s6+$0x16230] =	vst.add.f32.msk $0xffff, v4  }
0x1bb: {  	[tilespmem:s6+$0x16240] =	vst.add.f32.msk $0xffff, v5  }
0x1bc: {  	[tilespmem:s6+$0x16250] =	vst.add.f32.msk $0xffff, v6  }
0x1bd: {  	[tilespmem:s6+$0x16260] =	vst.add.f32.msk $0xffff, v7  }
0x1be: {  	[tilespmem:s6+$0x16270] =	vst.add.f32.msk $0xffff, v8  }
0x1bf: {  	[tilespmem:s6+$0x16280] =	vst.add.f32.msk $0xffff, v9  }
.Ltmp5:
0x1c0: {  	[tilespmem:s6+$0x16290] =	vst.add.f32.msk $0xffff, v10;
	(pc) =	sbr.rel @p0 .LBB2_12-.Ltmp5, $4  }
0x1c1: {  	[tilespmem:s6+$0x162A0] =	vst.add.f32.msk $0xffff, v11  }
0x1c2: {  	[tilespmem:s6+$0x162B0] =	vst.add.f32.msk $0xffff, v12  }
0x1c3: {  	[tilespmem:s6+$0x162C0] =	vst.add.f32.msk $0xffff, v13  }
0x1c4: {  	s8 =	sadd.s32 $0x400, s8;
	[tilespmem:s6+$0x162D0] =	vst.add.f32.msk $0xffff, v14  }
0x1c5: {  	[tilespmem:s6+$0x162E0] =	vst.add.f32.msk $0xffff, v0;
	s20 =	simm.s32 $0x0;
	s8 =	simm.s32 $0x16200  }
0x1c6: {  	[hbm4b:s14+s20] =	stream.linear.scatter [tilespmem:s8], [sflag:$0x9], $0x2000, $0x38;
	[tilespmem:$0x18200] =	vst v63  }
0x1c7: {  	_ =	swait.ge [sflag:s28], $0x4000  }
0x1c8: {  	[sflag:s28] =	ssyncset.done $0x0  }
0x1c9: {  	[sflag:s28] =	ssyncadd.s32 $0xFFFFC000  }
0x1ca: {  	_ =	swait.ge [sflag:s29], $0x4000  }
0x1cb: {  	[sflag:s29] =	ssyncset.done $0x0  }
0x1cc: {  	s6 =	simm.s32 $0x0;
	[sflag:s29] =	ssyncadd.s32 $0xFFFFC000  }
0x1cd: {  	v0 =	vld [tilespmem:s6+$0x2F0]  }
0x1ce: {  	v1 =	vld [tilespmem:s6+$0x200]  }
0x1cf: {  	v2 =	vld [tilespmem:s6+$0x210]  }
0x1d0: {  	v3 =	vld [tilespmem:s6+$0x220]  }
0x1d1: {  	v4 =	vld [tilespmem:s6+$0x230]  }
0x1d2: {  	v5 =	vld [tilespmem:s6+$0x240]  }
0x1d3: {  	v6 =	vld [tilespmem:s6+$0x250]  }
0x1d4: {  	v7 =	vld [tilespmem:s6+$0x260]  }
0x1d5: {  	v8 =	vld [tilespmem:s6+$0x270]  }
0x1d6: {  	v9 =	vld [tilespmem:s6+$0x280]  }
0x1d7: {  	v10 =	vld [tilespmem:s6+$0x290]  }
0x1d8: {  	v11 =	vld [tilespmem:s6+$0x2A0]  }
0x1d9: {  	v12 =	vld [tilespmem:s6+$0x2B0]  }
0x1da: {  	v13 =	vld [tilespmem:s6+$0x2C0]  }
0x1db: {  	v14 =	vld [tilespmem:s6+$0x2D0]  }
0x1dc: {  	[tilespmem:s6+$0xC2F0] =	vst.add.f32.msk $0xffff, v0  }
0x1dd: {  	v0 =	vld [tilespmem:s6+$0x2E0]  }
0x1de: {  	[tilespmem:s6+$0xC200] =	vst.add.f32.msk $0xffff, v1  }
0x1df: {  	[tilespmem:s6+$0xC210] =	vst.add.f32.msk $0xffff, v2  }
0x1e0: {  	[tilespmem:s6+$0xC220] =	vst.add.f32.msk $0xffff, v3  }
0x1e1: {  	[tilespmem:s6+$0xC230] =	vst.add.f32.msk $0xffff, v4  }
0x1e2: {  	[tilespmem:s6+$0xC240] =	vst.add.f32.msk $0xffff, v5  }
0x1e3: {  	[tilespmem:s6+$0xC250] =	vst.add.f32.msk $0xffff, v6  }
0x1e4: {  	[tilespmem:s6+$0xC260] =	vst.add.f32.msk $0xffff, v7  }
0x1e5: {  	[tilespmem:s6+$0xC270] =	vst.add.f32.msk $0xffff, v8  }
0x1e6: {  	[tilespmem:s6+$0xC280] =	vst.add.f32.msk $0xffff, v9  }
0x1e7: {  	[tilespmem:s6+$0xC290] =	vst.add.f32.msk $0xffff, v10  }
0x1e8: {  	[tilespmem:s6+$0xC2A0] =	vst.add.f32.msk $0xffff, v11  }
0x1e9: {  	[tilespmem:s6+$0xC2B0] =	vst.add.f32.msk $0xffff, v12  }
0x1ea: {  	[tilespmem:s6+$0xC2C0] =	vst.add.f32.msk $0xffff, v13  }
0x1eb: {  	s20 =	simm.s32 $0x0;
	s8 =	simm.s32 $0x400;
	[tilespmem:s6+$0xC2D0] =	vst.add.f32.msk $0xffff, v14  }
.LBB2_14:
0x1ec: {  	s20 =	sadd.s32 $0x2, s20;
	[tilespmem:s6+$0xC2E0] =	vst.add.f32.msk $0xffff, v0;
	s6 =	sshra.s32 s8, $0x2  }
0x1ed: {  	v0 =	vld [tilespmem:s6+$0x2F0];
	p0 =	slt.u32 s20, $0x3E  }
0x1ee: {  	v1 =	vld [tilespmem:s6+$0x200]  }
0x1ef: {  	v2 =	vld [tilespmem:s6+$0x210]  }
0x1f0: {  	v3 =	vld [tilespmem:s6+$0x220]  }
0x1f1: {  	v4 =	vld [tilespmem:s6+$0x230]  }
0x1f2: {  	[tilespmem:s6+$0xC2F0] =	vst.add.f32.msk $0xffff, v0  }
0x1f3: {  	v5 =	vld [tilespmem:s6+$0x240]  }
0x1f4: {  	v6 =	vld [tilespmem:s6+$0x250]  }
0x1f5: {  	v7 =	vld [tilespmem:s6+$0x260]  }
0x1f6: {  	v8 =	vld [tilespmem:s6+$0x270]  }
0x1f7: {  	v9 =	vld [tilespmem:s6+$0x280]  }
0x1f8: {  	v10 =	vld [tilespmem:s6+$0x290]  }
0x1f9: {  	v11 =	vld [tilespmem:s6+$0x2A0]  }
0x1fa: {  	v12 =	vld [tilespmem:s6+$0x2B0]  }
0x1fb: {  	v13 =	vld [tilespmem:s6+$0x2C0]  }
0x1fc: {  	v14 =	vld [tilespmem:s6+$0x2D0]  }
0x1fd: {  	v0 =	vld [tilespmem:s6+$0x2E0]  }
0x1fe: {  	[tilespmem:s6+$0xC200] =	vst.add.f32.msk $0xffff, v1  }
0x1ff: {  	[tilespmem:s6+$0xC210] =	vst.add.f32.msk $0xffff, v2  }
0x200: {  	[tilespmem:s6+$0xC220] =	vst.add.f32.msk $0xffff, v3  }
0x201: {  	[tilespmem:s6+$0xC230] =	vst.add.f32.msk $0xffff, v4  }
0x202: {  	[tilespmem:s6+$0xC240] =	vst.add.f32.msk $0xffff, v5  }
0x203: {  	[tilespmem:s6+$0xC250] =	vst.add.f32.msk $0xffff, v6  }
0x204: {  	[tilespmem:s6+$0xC260] =	vst.add.f32.msk $0xffff, v7  }
0x205: {  	[tilespmem:s6+$0xC270] =	vst.add.f32.msk $0xffff, v8  }
0x206: {  	[tilespmem:s6+$0xC280] =	vst.add.f32.msk $0xffff, v9  }
.Ltmp6:
0x207: {  	[tilespmem:s6+$0xC290] =	vst.add.f32.msk $0xffff, v10;
	(pc) =	sbr.rel @p0 .LBB2_14-.Ltmp6, $4  }
0x208: {  	[tilespmem:s6+$0xC2A0] =	vst.add.f32.msk $0xffff, v11  }
0x209: {  	[tilespmem:s6+$0xC2B0] =	vst.add.f32.msk $0xffff, v12  }
0x20a: {  	[tilespmem:s6+$0xC2C0] =	vst.add.f32.msk $0xffff, v13  }
0x20b: {  	s8 =	sadd.s32 $0x400, s8;
	[tilespmem:s6+$0xC2D0] =	vst.add.f32.msk $0xffff, v14  }
0x20c: {  	[tilespmem:s6+$0xC2E0] =	vst.add.f32.msk $0xffff, v0;
	s20 =	simm.s32 $0x0;
	s6 =	simm.s32 $0x0  }
0x20d: {  	[hbm4b:s15+s20] =	stream.linear.scatter [tilespmem:s24], [sflag:$0x7], $0x2000, $0x38;
	[tilespmem:$0x18200] =	vst v63  }
0x20e: {  	v0 =	vld [tilespmem:s6+$0x22F0]  }
0x20f: {  	v1 =	vld [tilespmem:s6+$0x2200]  }
0x210: {  	v2 =	vld [tilespmem:s6+$0x2210]  }
0x211: {  	v3 =	vld [tilespmem:s6+$0x2220]  }
0x212: {  	v4 =	vld [tilespmem:s6+$0x2230]  }
0x213: {  	v5 =	vld [tilespmem:s6+$0x2240]  }
0x214: {  	v6 =	vld [tilespmem:s6+$0x2250]  }
0x215: {  	v7 =	vld [tilespmem:s6+$0x2260]  }
0x216: {  	v8 =	vld [tilespmem:s6+$0x2270]  }
0x217: {  	v9 =	vld [tilespmem:s6+$0x2280]  }
0x218: {  	v10 =	vld [tilespmem:s6+$0x2290]  }
0x219: {  	v11 =	vld [tilespmem:s6+$0x22A0]  }
0x21a: {  	v12 =	vld [tilespmem:s6+$0x22B0]  }
0x21b: {  	v13 =	vld [tilespmem:s6+$0x22C0]  }
0x21c: {  	v14 =	vld [tilespmem:s6+$0x22D0]  }
0x21d: {  	[tilespmem:s6+$0xE2F0] =	vst.add.f32.msk $0xffff, v0  }
0x21e: {  	v0 =	vld [tilespmem:s6+$0x22E0]  }
0x21f: {  	[tilespmem:s6+$0xE200] =	vst.add.f32.msk $0xffff, v1  }
0x220: {  	[tilespmem:s6+$0xE210] =	vst.add.f32.msk $0xffff, v2  }
0x221: {  	[tilespmem:s6+$0xE220] =	vst.add.f32.msk $0xffff, v3  }
0x222: {  	[tilespmem:s6+$0xE230] =	vst.add.f32.msk $0xffff, v4  }
0x223: {  	[tilespmem:s6+$0xE240] =	vst.add.f32.msk $0xffff, v5  }
0x224: {  	[tilespmem:s6+$0xE250] =	vst.add.f32.msk $0xffff, v6  }
0x225: {  	[tilespmem:s6+$0xE260] =	vst.add.f32.msk $0xffff, v7  }
0x226: {  	[tilespmem:s6+$0xE270] =	vst.add.f32.msk $0xffff, v8  }
0x227: {  	[tilespmem:s6+$0xE280] =	vst.add.f32.msk $0xffff, v9  }
0x228: {  	[tilespmem:s6+$0xE290] =	vst.add.f32.msk $0xffff, v10  }
0x229: {  	[tilespmem:s6+$0xE2A0] =	vst.add.f32.msk $0xffff, v11  }
0x22a: {  	[tilespmem:s6+$0xE2B0] =	vst.add.f32.msk $0xffff, v12  }
0x22b: {  	[tilespmem:s6+$0xE2C0] =	vst.add.f32.msk $0xffff, v13  }
0x22c: {  	s8 =	simm.s32 $0x400;
	s20 =	simm.s32 $0x40;
	[tilespmem:s6+$0xE2D0] =	vst.add.f32.msk $0xffff, v14  }
.LBB2_16:
0x22d: {  	s20 =	sadd.s32 $0x2, s20;
	[tilespmem:s6+$0xE2E0] =	vst.add.f32.msk $0xffff, v0;
	s6 =	sshra.s32 s8, $0x2  }
0x22e: {  	v0 =	vld [tilespmem:s6+$0x22F0];
	p0 =	slt.u32 s20, $0x7E  }
0x22f: {  	v1 =	vld [tilespmem:s6+$0x2200]  }
0x230: {  	v2 =	vld [tilespmem:s6+$0x2210]  }
0x231: {  	v3 =	vld [tilespmem:s6+$0x2220]  }
0x232: {  	v4 =	vld [tilespmem:s6+$0x2230]  }
0x233: {  	[tilespmem:s6+$0xE2F0] =	vst.add.f32.msk $0xffff, v0  }
0x234: {  	v5 =	vld [tilespmem:s6+$0x2240]  }
0x235: {  	v6 =	vld [tilespmem:s6+$0x2250]  }
0x236: {  	v7 =	vld [tilespmem:s6+$0x2260]  }
0x237: {  	v8 =	vld [tilespmem:s6+$0x2270]  }
0x238: {  	v9 =	vld [tilespmem:s6+$0x2280]  }
0x239: {  	v10 =	vld [tilespmem:s6+$0x2290]  }
0x23a: {  	v11 =	vld [tilespmem:s6+$0x22A0]  }
0x23b: {  	v12 =	vld [tilespmem:s6+$0x22B0]  }
0x23c: {  	v13 =	vld [tilespmem:s6+$0x22C0]  }
0x23d: {  	v14 =	vld [tilespmem:s6+$0x22D0]  }
0x23e: {  	v0 =	vld [tilespmem:s6+$0x22E0]  }
0x23f: {  	[tilespmem:s6+$0xE200] =	vst.add.f32.msk $0xffff, v1  }
0x240: {  	[tilespmem:s6+$0xE210] =	vst.add.f32.msk $0xffff, v2  }
0x241: {  	[tilespmem:s6+$0xE220] =	vst.add.f32.msk $0xffff, v3  }
0x242: {  	[tilespmem:s6+$0xE230] =	vst.add.f32.msk $0xffff, v4  }
0x243: {  	[tilespmem:s6+$0xE240] =	vst.add.f32.msk $0xffff, v5  }
0x244: {  	[tilespmem:s6+$0xE250] =	vst.add.f32.msk $0xffff, v6  }
0x245: {  	[tilespmem:s6+$0xE260] =	vst.add.f32.msk $0xffff, v7  }
0x246: {  	[tilespmem:s6+$0xE270] =	vst.add.f32.msk $0xffff, v8  }
0x247: {  	[tilespmem:s6+$0xE280] =	vst.add.f32.msk $0xffff, v9  }
.Ltmp7:
0x248: {  	[tilespmem:s6+$0xE290] =	vst.add.f32.msk $0xffff, v10;
	(pc) =	sbr.rel @p0 .LBB2_16-.Ltmp7, $4  }
0x249: {  	[tilespmem:s6+$0xE2A0] =	vst.add.f32.msk $0xffff, v11  }
0x24a: {  	[tilespmem:s6+$0xE2B0] =	vst.add.f32.msk $0xffff, v12  }
0x24b: {  	[tilespmem:s6+$0xE2C0] =	vst.add.f32.msk $0xffff, v13  }
0x24c: {  	s8 =	sadd.s32 $0x400, s8;
	[tilespmem:s6+$0xE2D0] =	vst.add.f32.msk $0xffff, v14  }
0x24d: {  	[tilespmem:s6+$0xE2E0] =	vst.add.f32.msk $0xffff, v0  }
0x24e: {  	[hbm4b:s16+s3] =	stream.linear.scatter [tilespmem:s30], [sflag:$0x7], $0x2000, $0x38;
	[tilespmem:$0x18200] =	vst v63  }
0x24f: {  	_ =	swait.ge [sflag:s22], $0x2000  }
0x250: {  	[sflag:s22] =	ssyncset.done $0x0  }
0x251: {  	[sflag:s22] =	ssyncadd.s32 $0xFFFFE000  }
0x252: {  	_ =	swait.ge [sflag:s22], $0x2000  }
0x253: {  	[sflag:s22] =	ssyncset.done $0x0  }
0x254: {  	[sflag:s22] =	ssyncadd.s32 $0xFFFFE000  }
0x255: {  	_ =	swait.ge [sflag:s4], $0x2000  }
0x256: {  	[sflag:s4] =	ssyncset.done $0x0  }
0x257: {  	[sflag:s4] =	ssyncadd.s32 $0xFFFFE000  }
0x258: {  	_ =	swait.ge [sflag:s4], $0x2000  }
0x259: {  	[sflag:s4] =	ssyncset.done $0x0  }
0x25a: {  	s5 =	sadd.s32 $0x1, s5;
	[sflag:s4] =	ssyncadd.s32 $0xFFFFE000  }
0x25b: {  	p0 =	sne.s32 s5, s17;
	_ =	swait.ge [sflag:s0], $0x2000  }
.Ltmp8:
0x25c: {  	[sflag:s0] =	ssyncset.done $0x0;
	(pc) =	sbr.rel @p0 .LBB2_1-.Ltmp8, $4  }
0x25d: {  	[sflag:s0] =	ssyncadd.s32 $0xFFFFE000  }
0x25e: {  	_ =	swait.ge [sflag:s0], $0x2000  }
0x25f: {  	[sflag:s0] =	ssyncset.done $0x0  }
0x260: {  	[sflag:s0] =	ssyncadd.s32 $0xFFFFE000  }
0x261: {  	_ =	sfence.sel $0x180000  }
0x262: {  	[bflag:$0x0] =	sbarrier.arrive $0xFFFF  }
0x263: {  	_ =	strace $0x90000047  }
0x264: {  	s0 =	stileid.u32;
	[bflag:$0x2] =	sbarrier.arrive $0xFFFF  }
0x265: {  	p0 =	sne.s32 s0, $0x0;
	s0 =	rddreg [dreg:$0x4]  }
0x266: {  	s0 =	sadd.s32 @!p0 $0x100000, s0  }
0x267: {  	[sflag:s0] =	ssyncadd.tile.s32 @!p0 $0x1;
	_ =	shalt  }
.Lfunc_end2:
_tile_overlayer_lowered:
.L_overlay_start_2:
0x268: {  	(tag) =	ssettag $0x2  }
0x269: {  	s0 =	rddreg [dreg:$0x0];
	s2 =	stileid.u32  }
0x26a: {  	s1 =	rddreg [dreg:$0x1];
	p0 =	sne.s32 s2, $0x0  }
0x26b: {  	s3 =	rddreg [dreg:$0x2];
	[bflag:$0x3] =	sbarrier.arrive $0xFFFF;
	s2 =	simm.s32 @!p0 $0x1C0A  }
0x26c: {  	[timem:s3], [sflag:s2] =	dma.local @!p0 [hbm:s0], s1  }
0x26d: {  	s0 =	simm.s32 @!p0 $0xA  }
0x26e: {  	_ =	swait.ge @!p0 [sflag:s0], s1  }
0x26f: {  	s1 =	ssub.s32 @!p0 $0x0, s1;
	[sflag:s0] =	ssyncset.done @!p0 $0x0  }
0x270: {  	[sflag:s0] =	ssyncadd.s32 @!p0 s1  }
0x271: {  	[bflag:$0x3] =	sbarrier.arrive $0xFFFF  }
0x272: {  	_ =	shalt  }

</sc_bundles>
